<compile_context>
chip_gen: v7x
topology: tpu7x:2x2x1
jax: 0.10.2.dev20260603
libtpu: 0.0.44.dev20260713+nightly
codegen_flags: <defaults>
</compile_context>

<pallas_src>
import jax
import jax.numpy as jnp
from jax import lax
from jax.experimental import pallas as pl
from jax.experimental.pallas import tpu as pltpu
from jax.experimental.pallas import tpu_sc as plsc

N = 10000
E = 320000
D = 128
NC, NS, L = 2, 16, 16
NW = NC * NS
C = 128
E_PAD = 327680
PER_W = E_PAD // NW
CHUNKS = PER_W // C
N_PAD = 10112
NBLK = N_PAD // C
CH0 = 80
CH1 = 80
MAXCH = max(CH0, CH1)

_f32 = jnp.float32
_bf16 = jnp.bfloat16
_i32 = jnp.int32


def _k1_body(h_ref, w1a_ref, w1b_ref, be1_ref, a_ref, b_ref):
    h = h_ref[...]
    a = jnp.dot(h, w1a_ref[...], preferred_element_type=_f32) + be1_ref[...]
    b = jnp.dot(h, w1b_ref[...], preferred_element_type=_f32)
    a_ref[...] = a.astype(_bf16)
    b_ref[...] = b.astype(_bf16)


def _k1(h_pad, w1a, w1b, be1):
    blk = 1264
    grid = N_PAD // blk
    return pl.pallas_call(
        _k1_body,
        grid=(grid,),
        in_specs=[
            pl.BlockSpec((blk, D), lambda i: (i, 0)),
            pl.BlockSpec((D, D), lambda i: (0, 0)),
            pl.BlockSpec((D, D), lambda i: (0, 0)),
            pl.BlockSpec((1, D), lambda i: (0, 0)),
        ],
        out_specs=[
            pl.BlockSpec((blk, D), lambda i: (i, 0)),
            pl.BlockSpec((blk, D), lambda i: (i, 0)),
        ],
        out_shape=[
            jax.ShapeDtypeStruct((N_PAD, D), _bf16),
            jax.ShapeDtypeStruct((N_PAD, D), _bf16),
        ],
    )(h_pad, w1a, w1b, be1)


def _k2_body(a_hbm, b_hbm, src2_hbm, dst2_hbm, xm_hbm,
             p_hbm, xg_hbm,
             src2_v, dst2_v,
             buf_a0, buf_a1, buf_b0, buf_b1, buf_p0, buf_p1,
             xs0, xs1, xd0, xd1,
             ga0, ga1, gb0, gb1, gc0, gc1, gd0, gd1,
             wp0, wp1, wx0, wx1, wy0, wy1):
    cid = lax.axis_index("c")
    sid = lax.axis_index("s")
    t_ch = jnp.where(cid == 0, CH0, CH1)
    row0 = jnp.where(cid == 0, sid * CH0, CH0 * NS + sid * CH1)
    base = pl.multiple_of(row0 * C, 8)

    bufs_a = [buf_a0, buf_a1]
    bufs_b = [buf_b0, buf_b1]
    bufs_p = [buf_p0, buf_p1]
    bufs_xs = [xs0, xs1]
    bufs_xd = [xd0, xd1]
    gsem_a = [ga0, ga1]
    gsem_b = [gb0, gb1]
    gsem_c = [gc0, gc1]
    gsem_d = [gd0, gd1]
    wsem_p = [wp0, wp1]
    wsem_x = [wx0, wx1]
    wsem_y = [wy0, wy1]

    pltpu.sync_copy(src2_hbm.at[pl.ds(row0, MAXCH)], src2_v)
    pltpu.sync_copy(dst2_hbm.at[pl.ds(row0, MAXCH)], dst2_v)

    def issue_g(ci, b):
        pltpu.async_copy(a_hbm.at[dst2_v.at[ci]], bufs_a[b], gsem_a[b])
        pltpu.async_copy(b_hbm.at[src2_v.at[ci]], bufs_b[b], gsem_b[b])
        pltpu.async_copy(xm_hbm.at[src2_v.at[ci]], bufs_xs[b], gsem_c[b])
        pltpu.async_copy(xm_hbm.at[dst2_v.at[ci]], bufs_xd[b], gsem_d[b])

    def wait_g(b):
        pltpu.make_async_copy(a_hbm.at[pl.ds(0, C)], bufs_a[b], gsem_a[b]).wait()
        pltpu.make_async_copy(b_hbm.at[pl.ds(0, C)], bufs_b[b], gsem_b[b]).wait()
        pltpu.make_async_copy(xm_hbm.at[pl.ds(0, C)], bufs_xs[b], gsem_c[b]).wait()
        pltpu.make_async_copy(xm_hbm.at[pl.ds(0, C)], bufs_xd[b], gsem_d[b]).wait()

    def issue_w(ci, b):
        off = pl.multiple_of(base + ci * C, 8)
        pltpu.async_copy(bufs_p[b], p_hbm.at[pl.ds(off, C)], wsem_p[b])
        pltpu.async_copy(bufs_xs[b],
                         xg_hbm.at[pl.ds(off, C), pl.ds(0, 8)], wsem_x[b])
        pltpu.async_copy(bufs_xd[b],
                         xg_hbm.at[pl.ds(off, C), pl.ds(8, 8)], wsem_y[b])

    def wait_w(b):
        pltpu.make_async_copy(bufs_p[b], p_hbm.at[pl.ds(0, C)], wsem_p[b]).wait()
        pltpu.make_async_copy(
            bufs_xs[b], xg_hbm.at[pl.ds(0, C), pl.ds(0, 8)], wsem_x[b]).wait()
        pltpu.make_async_copy(
            bufs_xd[b], xg_hbm.at[pl.ds(0, C), pl.ds(8, 8)], wsem_y[b]).wait()

    def add(b):
        ba, bb, bp = bufs_a[b], bufs_b[b], bufs_p[b]
        himask = jnp.full((L,), -65536, _i32)

        def rowadd(r, c2):
            for g in range(D // (2 * L)):
                s2 = pl.ds(g * 2 * L, 2 * L)
                c = ba[r, s2] + bb[r, s2]
                u = plsc.bitcast(c, _i32)
                ev = plsc.bitcast(u << 16, _f32)
                od = plsc.bitcast(u & himask, _f32)
                bp[r, pl.ds(g * 2 * L, L)] = ev
                bp[r, pl.ds(g * 2 * L + L, L)] = od
            return c2

        lax.fori_loop(0, C, rowadd, 0)

    issue_g(0, 0)
    pairs = t_ch // 2

    def pair(cp, carry):
        for b in range(2):
            ci = cp * 2 + b
            nb = 1 - b
            if b == 0:
                @pl.when(cp > 0)
                def _():
                    wait_w(nb)
                issue_g(ci + 1, nb)
            else:
                wait_w(nb)

                @pl.when(cp < pairs - 1)
                def _():
                    issue_g(ci + 1, nb)
            wait_g(b)
            add(b)
            issue_w(ci, b)
        return carry

    lax.fori_loop(0, pairs, pair, 0)
    wait_w(1)


def _k2(a, b, src2, dst2, xm8):
    mesh = plsc.VectorSubcoreMesh(core_axis_name="c", subcore_axis_name="s")
    dma = pltpu.SemaphoreType.DMA
    return pl.kernel(
        _k2_body,
        out_type=[
            jax.ShapeDtypeStruct((E_PAD, D), _f32),
            jax.ShapeDtypeStruct((E_PAD, D), _f32),
        ],
        mesh=mesh,
        scratch_types=[
            pltpu.VMEM((MAXCH, C), _i32),
            pltpu.VMEM((MAXCH, C), _i32),
            pltpu.VMEM((C, D), _bf16),
            pltpu.VMEM((C, D), _bf16),
            pltpu.VMEM((C, D), _bf16),
            pltpu.VMEM((C, D), _bf16),
            pltpu.VMEM((C, D), _f32),
            pltpu.VMEM((C, D), _f32),
            pltpu.VMEM((C, 8), _f32),
            pltpu.VMEM((C, 8), _f32),
            pltpu.VMEM((C, 8), _f32),
            pltpu.VMEM((C, 8), _f32),
        ] + [dma] * 14,
        compiler_params=pltpu.CompilerParams(
            use_tc_tiling_on_sc=False, needs_layout_passes=False),
    )(a, b, src2, dst2, xm8)


def _k3_body(p_ref, xg_ref, w1f_ref, we2_ref, be2_ref, winf_ref,
             binf_ref, wx1_ref, bx1_ref, wx2_ref, y_ref, v_ref):
    xg = xg_ref[...]
    rel = xg[:, 8:11] - xg[:, 0:3]
    dsq = jnp.sum(rel * rel, axis=1, keepdims=True)
    et = 3.0 - 2.0 * xg[:, 3:4] - xg[:, 11:12]
    d = jnp.sqrt(dsq + 1e-8)
    step = 10.0 / 19.0
    sel = lax.broadcasted_iota(_i32, (1, 32), 1).astype(_f32)
    offs = sel * step
    coeff = -0.5 / (step * step)
    dfeat = jnp.exp(coeff * (d - offs) ** 2)
    oneh = (et == (sel - 20.0)).astype(_f32)
    keep = (sel < 20.0).astype(_f32)
    ef = dfeat * keep + oneh
    pre1 = p_ref[...] + jnp.dot(ef, w1f_ref[...], preferred_element_type=_f32)
    u = pre1 * jax.nn.sigmoid(pre1)
    mpre = jnp.dot(u.astype(_bf16), we2_ref[...],
                   preferred_element_type=_f32) + be2_ref[...]
    mij = mpre * jax.nn.sigmoid(mpre)
    mij16 = mij.astype(_bf16)
    eij = jax.nn.sigmoid(
        jnp.dot(mij, winf_ref[...], preferred_element_type=_f32) + binf_ref[...])
    y_ref[...] = mij * eij
    t = jnp.dot(mij16, wx1_ref[...], preferred_element_type=_f32) + bx1_ref[...]
    t = t * jax.nn.sigmoid(t)
    xw = jnp.tanh(jnp.dot(t, wx2_ref[...], preferred_element_type=_f32))
    s = xw / (d + 1.0)
    blk = rel.shape[0]
    v_ref[...] = jnp.concatenate([rel * s, jnp.zeros((blk, D - 3), _f32)], axis=1)


def _k3(p, xg, w1f32, we2, be2, winf, binf, wx1, bx1, wx2):
    blk = 1024
    grid = E_PAD // blk
    cst = lambda i: (0, 0)
    return pl.pallas_call(
        _k3_body,
        grid=(grid,),
        in_specs=[
            pl.BlockSpec((blk, D), lambda i: (i, 0)),
            pl.BlockSpec((blk, D), lambda i: (i, 0)),
            pl.BlockSpec((32, D), cst),
            pl.BlockSpec((D, D), cst),
            pl.BlockSpec((1, D), cst),
            pl.BlockSpec((D, 1), cst),
            pl.BlockSpec((1, 1), cst),
            pl.BlockSpec((D, D), cst),
            pl.BlockSpec((1, D), cst),
            pl.BlockSpec((D, 1), cst),
        ],
        out_specs=[
            pl.BlockSpec((blk, D), lambda i: (i, 0)),
            pl.BlockSpec((blk, D), lambda i: (i, 0)),
        ],
        out_shape=[
            jax.ShapeDtypeStruct((E_PAD, D), _f32),
            jax.ShapeDtypeStruct((E_PAD, D), _f32),
        ],
    )(p, xg, w1f32, we2, be2, winf, binf, wx1, bx1, wx2)


def _k4_body(y_hbm, v_hbm, dst_hbm,
             mi_hbm, dx_hbm,
             y_v, v_v, dst_v, zero_v, y_tab, dx_tab, sem):
    cid = lax.axis_index("c")
    sid = lax.axis_index("s")
    wid = sid * NC + cid
    base = pl.multiple_of(wid * PER_W, 8)

    def zrow(r, c2):
        for cc in range(D // L):
            zero_v[r, pl.ds(cc * L, L)] = jnp.zeros((L,), _f32)
        return c2

    lax.fori_loop(0, C, zrow, 0)

    def zblk(j, c2):
        k = sid + j * NS

        @pl.when(k < NBLK)
        def _():
            pltpu.sync_copy(zero_v, y_tab.at[pl.ds(k * C, C)])
            pltpu.sync_copy(zero_v.at[:, pl.ds(0, 8)], dx_tab.at[pl.ds(k * C, C)])

        return c2

    lax.fori_loop(0, (NBLK + NS - 1) // NS, zblk, 0)
    plsc.subcore_barrier()

    def chunk(ci, carry):
        off = pl.multiple_of(base + ci * C, 8)
        pltpu.sync_copy(y_hbm.at[pl.ds(off, C)], y_v)
        pltpu.sync_copy(v_hbm.at[pl.ds(off, C), pl.ds(0, 8)], v_v)
        pltpu.sync_copy(dst_hbm.at[pl.ds(off, C)], dst_v)
        pltpu.sync_copy(y_v, y_tab.at[dst_v], add=True)
        pltpu.sync_copy(v_v, dx_tab.at[dst_v], add=True)
        return carry

    lax.fori_loop(0, CHUNKS, chunk, 0)
    plsc.subcore_barrier()

    def out_blk(j, c2):
        k = sid + j * NS

        @pl.when(k < NBLK)
        def _():
            sl = pl.ds(k * C, C)
            pltpu.sync_copy(y_tab.at[sl], mi_hbm.at[cid].at[sl])
            pltpu.sync_copy(dx_tab.at[sl], dx_hbm.at[cid].at[sl])

        return c2

    lax.fori_loop(0, (NBLK + NS - 1) // NS, out_blk, 0)


def _k4(y, v, dst_pad):
    mesh = plsc.VectorSubcoreMesh(core_axis_name="c", subcore_axis_name="s")
    return pl.kernel(
        _k4_body,
        out_type=[
            jax.ShapeDtypeStruct((NC, N_PAD, D), _f32),
            jax.ShapeDtypeStruct((NC, N_PAD, 8), _f32),
        ],
        mesh=mesh,
        scratch_types=[
            pltpu.VMEM((C, D), _f32),
            pltpu.VMEM((C, 8), _f32),
            pltpu.VMEM((C,), _i32),
            pltpu.VMEM((C, D), _f32),
            pltpu.VMEM_SHARED((N_PAD, D), _f32),
            pltpu.VMEM_SHARED((N_PAD, 8), _f32),
            pltpu.SemaphoreType.DMA,
        ],
        compiler_params=pltpu.CompilerParams(
            use_tc_tiling_on_sc=False, needs_layout_passes=False),
    )(y, v, dst_pad)


def _k5_body(mi0_ref, mi1_ref, h_ref, x4_ref, dx0_ref, dx1_ref, mk_ref,
             wn1a_ref, wn1b_ref, bn1_ref, wn2_ref, bn2_ref,
             hn_ref, xn_ref):
    mi = mi0_ref[...] + mi1_ref[...]
    h = h_ref[...]
    pre = (jnp.dot(mi, wn1a_ref[...], preferred_element_type=_f32)
           + jnp.dot(h, wn1b_ref[...], preferred_element_type=_f32)
           + bn1_ref[...])
    u = pre * jax.nn.sigmoid(pre)
    hn_ref[...] = h + jnp.dot(u, wn2_ref[...], preferred_element_type=_f32) + bn2_ref[...]
    dx = (dx0_ref[...] + dx1_ref[...])[:, 0:4]
    xn_ref[...] = x4_ref[...] + dx * mk_ref[...]


def _k5(mi0, mi1, h, x4n, dx0, dx1, mkf, wn1a, wn1b, bn1, wn2, bn2):
    blk = 2000
    grid = N // blk
    cst = lambda i: (0, 0)
    return pl.pallas_call(
        _k5_body,
        grid=(grid,),
        in_specs=[
            pl.BlockSpec((blk, D), lambda i: (i, 0)),
            pl.BlockSpec((blk, D), lambda i: (i, 0)),
            pl.BlockSpec((blk, D), lambda i: (i, 0)),
            pl.BlockSpec((blk, 4), lambda i: (i, 0)),
            pl.BlockSpec((blk, 8), lambda i: (i, 0)),
            pl.BlockSpec((blk, 8), lambda i: (i, 0)),
            pl.BlockSpec((blk, 1), lambda i: (i, 0)),
            pl.BlockSpec((D, D), cst),
            pl.BlockSpec((D, D), cst),
            pl.BlockSpec((1, D), cst),
            pl.BlockSpec((D, D), cst),
            pl.BlockSpec((1, D), cst),
        ],
        out_specs=[
            pl.BlockSpec((blk, D), lambda i: (i, 0)),
            pl.BlockSpec((blk, 4), lambda i: (i, 0)),
        ],
        out_shape=[
            jax.ShapeDtypeStruct((N, D), _f32),
            jax.ShapeDtypeStruct((N, 4), _f32),
        ],
    )(mi0, mi1, h, x4n, dx0, dx1, mkf, wn1a, wn1b, bn1, wn2, bn2)


def kernel(h, x, edge_index, mask_ligand, W_e1, b_e1, W_e2, b_e2, W_inf, b_inf,
           W_x1, b_x1, W_x2, W_n1, b_n1, W_n2, b_n2):
    src = edge_index[0]
    dst = edge_index[1]
    pad_e = E_PAD - E
    src_pad = jnp.concatenate([src, jnp.zeros((pad_e,), _i32)])
    dst_pad = jnp.concatenate([dst, jnp.full((pad_e,), N, _i32)])
    src2 = jnp.concatenate(
        [src_pad.reshape(E_PAD // C, C), jnp.zeros((MAXCH, C), _i32)])
    dst2 = jnp.concatenate(
        [dst_pad.reshape(E_PAD // C, C), jnp.zeros((MAXCH, C), _i32)])

    h_pad = jnp.concatenate([h, jnp.zeros((N_PAD - N, D), _f32)], axis=0)
    mkf = mask_ligand[:, None].astype(_f32)
    xm8 = jnp.concatenate([x, mkf, jnp.zeros((N, 4), _f32)], axis=1)
    xm8 = jnp.concatenate([xm8, jnp.zeros((N_PAD - N, 8), _f32)], axis=0)
    x4 = jnp.concatenate([x, jnp.zeros((N, 1), _f32)], axis=1)

    w1a = W_e1[0:D]
    w1b = W_e1[D:2 * D]
    perm = jnp.concatenate([
        jnp.concatenate([jnp.arange(g * 32, g * 32 + 32, 2),
                         jnp.arange(g * 32 + 1, g * 32 + 32, 2)])
        for g in range(D // 32)])
    we2b = W_e2[perm, :].astype(_bf16)
    wx1b = W_x1.astype(_bf16)
    w1f32 = jnp.concatenate([W_e1[2 * D:], jnp.zeros((8, D), _f32)], axis=0)
    w1f32 = w1f32[:, perm]
    be1 = b_e1.reshape(1, D)
    be2 = b_e2.reshape(1, D)
    binf = b_inf.reshape(1, 1)
    bx1 = b_x1.reshape(1, D)
    wn1a = W_n1[0:D]
    wn1b = W_n1[D:2 * D]
    bn1 = b_n1.reshape(1, D)
    bn2 = b_n2.reshape(1, D)

    a, b = _k1(h_pad, w1a, w1b, be1)
    p, xg = _k2(a, b, src2, dst2, xm8)
    y, v = _k3(p, xg, w1f32, we2b, be2, W_inf, binf, wx1b, bx1, W_x2)
    mi_p, dx_p = _k4(y, v, dst_pad)

    mi0 = mi_p[0, :N]
    mi1 = mi_p[1, :N]
    dx0 = dx_p[0, :N]
    dx1 = dx_p[1, :N]

    hn, xn4 = _k5(mi0, mi1, h, x4, dx0, dx1, mkf, wn1a, wn1b, bn1, W_n2, bn2)
    return (hn, xn4[:, 0:3])

# --- scband reference (transcript-rebuilt; emitter-appended) ---
"""Pipeline reference for scband-egtf-64244120813938 (READ-ONLY COPY).

The authoritative reference and input builder live on the scoring server;
editing this copy changes nothing except your own understanding.
"""

import jax, jax.numpy as jnp
import numpy as np

N = 10000
E = 320000
D = 128
EF = 4
G = 20


def _mlp2(x, W1, b1, W2, b2, act_last):
    x = jax.nn.silu(x @ W1 + b1)
    x = x @ W2 + b2
    if act_last:
        x = jax.nn.silu(x)
    return x


def _gaussian_smearing(d, num_gaussians=G, start=0.0, stop=10.0):
    offset = jnp.linspace(start, stop, num_gaussians)
    coeff = -0.5 / (offset[1] - offset[0]) ** 2
    return jnp.exp(coeff * (d - offset[None, :]) ** 2)


def setup_inputs(seed: int = 0):
    key = jax.random.key(seed)
    ks = jax.random.split(key, 16)

    def w(k, shape):
        return jax.random.normal(k, shape, dtype=jnp.float32) / jnp.sqrt(shape[0])

    in_e = 2 * D + EF + G
    inp = {
        "h": jax.random.normal(ks[0], (N, D), dtype=jnp.float32),
        "x": jax.random.normal(ks[1], (N, 3), dtype=jnp.float32),
        "edge_index": jax.random.randint(ks[2], (2, E), 0, N, dtype=jnp.int32),
        "mask_ligand": jax.random.randint(ks[3], (N,), 0, 2, dtype=jnp.int32),
        "W_e1": w(ks[4], (in_e, D)), "b_e1": jnp.zeros((D,), jnp.float32),
        "W_e2": w(ks[5], (D, D)), "b_e2": jnp.zeros((D,), jnp.float32),
        "W_inf": w(ks[6], (D, 1)), "b_inf": jnp.zeros((1,), jnp.float32),
        "W_x1": w(ks[7], (D, D)), "b_x1": jnp.zeros((D,), jnp.float32),
        "W_x2": w(ks[8], (D, 1)) * 0.001,
        "W_n1": w(ks[9], (2 * D, D)), "b_n1": jnp.zeros((D,), jnp.float32),
        "W_n2": w(ks[10], (D, D)), "b_n2": jnp.zeros((D,), jnp.float32),
    }
    return inp


def reference(h, x, edge_index, mask_ligand, W_e1, b_e1, W_e2, b_e2, W_inf, b_inf, W_x1, b_x1, W_x2, W_n1, b_n1, W_n2, b_n2):
    src = edge_index[0]
    dst = edge_index[1]
    # _build_edge_type: one-hot over 4 ligand/protein src-dst combinations
    n_src = (mask_ligand[src] == 1).astype(jnp.int32)
    n_dst = (mask_ligand[dst] == 1).astype(jnp.int32)
    et = (1 - n_src) * 2 + (1 - n_dst)
    edge_attr = jax.nn.one_hot(et, EF, dtype=jnp.float32)
    # EnBaseLayer forward
    hi = h[dst]
    hj = h[src]
    rel_x = x[dst] - x[src]
    d_sq = jnp.sum(rel_x ** 2, axis=-1, keepdims=True)
    d_feat = _gaussian_smearing(jnp.sqrt(d_sq + 1e-08))
    edge_feat = jnp.concatenate([d_feat, edge_attr], axis=-1)
    mij = _mlp2(jnp.concatenate([hi, hj, edge_feat], axis=-1), W_e1, b_e1, W_e2, b_e2, True)
    eij = jax.nn.sigmoid(mij @ W_inf + b_inf)
    mi = jax.ops.segment_sum(mij * eij, dst, num_segments=h.shape[0])
    h_new = h + _mlp2(jnp.concatenate([mi, h], axis=-1), W_n1, b_n1, W_n2, b_n2, False)
    xw = jnp.tanh(jax.nn.silu(mij @ W_x1 + b_x1) @ W_x2)
    delta_x = jax.ops.segment_sum(rel_x / (jnp.sqrt(d_sq + 1e-08) + 1.0) * xw, dst, num_segments=x.shape[0])
    x_new = x + delta_x * mask_ligand[:, None].astype(jnp.float32)
    return (h_new, x_new)

if __name__ == "__main__":
    import jax
    _d = setup_inputs()
    print(jax.jit(kernel)(*tuple(_d.values())))

</pallas_src>

<mosaic_0001>
#map = affine_map<(d0, d1) -> (0, 0)>
#map1 = affine_map<(d0, d1) -> (0)>
#map2 = affine_map<(d0, d1) -> (0, 0, 0)>
module attributes {stable_mosaic.version = 14 : i64} {
  func.func @_k4_body(%arg0: i32, %arg1: i32, %arg2: memref<327680x128xf32, #tpu.memory_space<hbm>>, %arg3: memref<327680x128xf32, #tpu.memory_space<hbm>>, %arg4: memref<327680xi32, #tpu.memory_space<hbm>>, %arg5: memref<2x10112x128xf32, #tpu.memory_space<hbm>>, %arg6: memref<2x10112x8xf32, #tpu.memory_space<hbm>>, %arg7: memref<128x128xf32, #tpu.memory_space<vmem>>, %arg8: memref<128x8xf32, #tpu.memory_space<vmem>>, %arg9: memref<128xi32, #tpu.memory_space<vmem>>, %arg10: memref<128x128xf32, #tpu.memory_space<vmem>>, %arg11: memref<10112x128xf32, #tpu.memory_space<vmem_shared>>, %arg12: memref<10112x8xf32, #tpu.memory_space<vmem_shared>>, %arg13: memref<!tpu.dma_semaphore, #tpu.memory_space<semaphore_mem>>) attributes {dimension_semantics = [#tpu.dimension_semantics<core_parallel>, #tpu.dimension_semantics<subcore_parallel>], iteration_bounds = array<i64: 2, 16>, scalar_prefetch = 0 : i64, scratch_operands = 7 : i64, tpu.core_type = #tpu.core_type<sc_vector_subcore>, window_params = [{transform_indices = #map}, {transform_indices = #map}, {transform_indices = #map1}, {transform_indices = #map2}, {transform_indices = #map2}]} {
    %mul3A = arith.constant 2 : i32
    %mul3A_0 = arith.muli %arg1, %mul3A : i32
    %add3A = arith.addi %mul3A_0, %arg0 : i32
    %mul3A_1 = arith.constant 10240 : i32
    %mul3A_2 = arith.muli %add3A, %mul3A_1 : i32
    %multiple_of3A = tpu.assume_multiple %mul3A_2, 8 : i32
    %scan3A = arith.constant 0 : i32
    %scan3A_3 = arith.constant 0 : i32
    %scan3A_4 = arith.constant 128 : i32
    %scan3A_5 = arith.addi %scan3A_3, %scan3A_4 : i32
    %scan3A_6 = arith.constant 1 : i32
    scf.for %scan3A_27 = %scan3A_3 to %scan3A_5 step %scan3A_6  : i32 {
      %broadcast_in_dim3A = arith.constant 0.000000e+00 : f32
      %broadcast_in_dim3A_28 = vector.broadcast %broadcast_in_dim3A : f32 to vector<16xf32>
      %swap3A = arith.index_cast %scan3A_27 : i32 to index
      %swap3A_29 = arith.constant 0 : index
      %swap3A_30 = tpu.vector_load %arg10[%swap3A, %swap3A_29] {strides = array<i32>} : memref<128x128xf32, #tpu.memory_space<vmem>>, vector<16xf32>,
      tpu.vector_store %arg10[%swap3A, %swap3A_29], %broadcast_in_dim3A_28 {strides = array<i32>} : memref<128x128xf32, #tpu.memory_space<vmem>>, vector<16xf32>,
      %broadcast_in_dim3A_31 = arith.constant 0.000000e+00 : f32
      %broadcast_in_dim3A_32 = vector.broadcast %broadcast_in_dim3A_31 : f32 to vector<16xf32>
      %swap3A_33 = arith.index_cast %scan3A_27 : i32 to index
      %swap3A_34 = arith.constant 16 : index
      %swap3A_35 = tpu.vector_load %arg10[%swap3A_33, %swap3A_34] {strides = array<i32>} : memref<128x128xf32, #tpu.memory_space<vmem>>, vector<16xf32>,
      tpu.vector_store %arg10[%swap3A_33, %swap3A_34], %broadcast_in_dim3A_32 {strides = array<i32>} : memref<128x128xf32, #tpu.memory_space<vmem>>, vector<16xf32>,
      %broadcast_in_dim3A_36 = arith.constant 0.000000e+00 : f32
      %broadcast_in_dim3A_37 = vector.broadcast %broadcast_in_dim3A_36 : f32 to vector<16xf32>
      %swap3A_38 = arith.index_cast %scan3A_27 : i32 to index
      %swap3A_39 = arith.constant 32 : index
      %swap3A_40 = tpu.vector_load %arg10[%swap3A_38, %swap3A_39] {strides = array<i32>} : memref<128x128xf32, #tpu.memory_space<vmem>>, vector<16xf32>,
      tpu.vector_store %arg10[%swap3A_38, %swap3A_39], %broadcast_in_dim3A_37 {strides = array<i32>} : memref<128x128xf32, #tpu.memory_space<vmem>>, vector<16xf32>,
      %broadcast_in_dim3A_41 = arith.constant 0.000000e+00 : f32
      %broadcast_in_dim3A_42 = vector.broadcast %broadcast_in_dim3A_41 : f32 to vector<16xf32>
      %swap3A_43 = arith.index_cast %scan3A_27 : i32 to index
      %swap3A_44 = arith.constant 48 : index
      %swap3A_45 = tpu.vector_load %arg10[%swap3A_43, %swap3A_44] {strides = array<i32>} : memref<128x128xf32, #tpu.memory_space<vmem>>, vector<16xf32>,
      tpu.vector_store %arg10[%swap3A_43, %swap3A_44], %broadcast_in_dim3A_42 {strides = array<i32>} : memref<128x128xf32, #tpu.memory_space<vmem>>, vector<16xf32>,
      %broadcast_in_dim3A_46 = arith.constant 0.000000e+00 : f32
      %broadcast_in_dim3A_47 = vector.broadcast %broadcast_in_dim3A_46 : f32 to vector<16xf32>
      %swap3A_48 = arith.index_cast %scan3A_27 : i32 to index
      %swap3A_49 = arith.constant 64 : index
      %swap3A_50 = tpu.vector_load %arg10[%swap3A_48, %swap3A_49] {strides = array<i32>} : memref<128x128xf32, #tpu.memory_space<vmem>>, vector<16xf32>,
      tpu.vector_store %arg10[%swap3A_48, %swap3A_49], %broadcast_in_dim3A_47 {strides = array<i32>} : memref<128x128xf32, #tpu.memory_space<vmem>>, vector<16xf32>,
      %broadcast_in_dim3A_51 = arith.constant 0.000000e+00 : f32
      %broadcast_in_dim3A_52 = vector.broadcast %broadcast_in_dim3A_51 : f32 to vector<16xf32>
      %swap3A_53 = arith.index_cast %scan3A_27 : i32 to index
      %swap3A_54 = arith.constant 80 : index
      %swap3A_55 = tpu.vector_load %arg10[%swap3A_53, %swap3A_54] {strides = array<i32>} : memref<128x128xf32, #tpu.memory_space<vmem>>, vector<16xf32>,
      tpu.vector_store %arg10[%swap3A_53, %swap3A_54], %broadcast_in_dim3A_52 {strides = array<i32>} : memref<128x128xf32, #tpu.memory_space<vmem>>, vector<16xf32>,
      %broadcast_in_dim3A_56 = arith.constant 0.000000e+00 : f32
      %broadcast_in_dim3A_57 = vector.broadcast %broadcast_in_dim3A_56 : f32 to vector<16xf32>
      %swap3A_58 = arith.index_cast %scan3A_27 : i32 to index
      %swap3A_59 = arith.constant 96 : index
      %swap3A_60 = tpu.vector_load %arg10[%swap3A_58, %swap3A_59] {strides = array<i32>} : memref<128x128xf32, #tpu.memory_space<vmem>>, vector<16xf32>,
      tpu.vector_store %arg10[%swap3A_58, %swap3A_59], %broadcast_in_dim3A_57 {strides = array<i32>} : memref<128x128xf32, #tpu.memory_space<vmem>>, vector<16xf32>,
      %broadcast_in_dim3A_61 = arith.constant 0.000000e+00 : f32
      %broadcast_in_dim3A_62 = vector.broadcast %broadcast_in_dim3A_61 : f32 to vector<16xf32>
      %swap3A_63 = arith.index_cast %scan3A_27 : i32 to index
      %swap3A_64 = arith.constant 112 : index
      %swap3A_65 = tpu.vector_load %arg10[%swap3A_63, %swap3A_64] {strides = array<i32>} : memref<128x128xf32, #tpu.memory_space<vmem>>, vector<16xf32>,
      tpu.vector_store %arg10[%swap3A_63, %swap3A_64], %broadcast_in_dim3A_62 {strides = array<i32>} : memref<128x128xf32, #tpu.memory_space<vmem>>, vector<16xf32>,
    }
    %scan3A_7 = arith.constant 128 : i32
    %scan3A_8 = arith.constant 0 : i32
    %scan3A_9 = arith.constant 0 : i32
    %scan3A_10 = arith.constant 5 : i32
    %scan3A_11 = arith.addi %scan3A_9, %scan3A_10 : i32
    %scan3A_12 = arith.constant 1 : i32
    scf.for %scan3A_27 = %scan3A_9 to %scan3A_11 step %scan3A_12  : i32 {
      %mul3A_28 = arith.constant 16 : i32
      %mul3A_29 = arith.muli %scan3A_27, %mul3A_28 : i32
      %add3A_30 = arith.addi %arg1, %mul3A_29 : i32
      %lt3A = arith.constant 79 : i32
      %lt3A_31 = arith.cmpi slt, %add3A_30, %lt3A : i32
      %convert_element_type3A = arith.extui %lt3A_31 : i1 to i32
      %cond3A = arith.constant 0 : i32
      %cond3A_32 = arith.cmpi ne, %convert_element_type3A, %cond3A : i32
      scf.if %cond3A_32 {
        %mul3A_33 = arith.constant 128 : i32
        %mul3A_34 = arith.muli %add3A_30, %mul3A_33 : i32
        "tpu.region"() ({
          %run_scoped3A = tpu.sem_alloc : memref<!tpu.dma_semaphore, #tpu.memory_space<semaphore_mem>>
          %dma_start3A = arith.constant 0 : i32
          %dma_start3A_37 = tpu.memref_slice %arg11[%mul3A_34, %dma_start3A] : memref<10112x128xf32, #tpu.memory_space<vmem_shared>> -> memref<128x128xf32, #tpu.memory_space<vmem_shared>>
          %dma_start3A_38 = arith.constant 0 : i32
          %dma_start3A_39 = tpu.memref_slice %arg11[%mul3A_34, %dma_start3A_38] : memref<10112x128xf32, #tpu.memory_space<vmem_shared>> -> memref<128x128xf32, #tpu.memory_space<vmem_shared>>
          tpu.enqueue_dma source(%arg10 : memref<128x128xf32, #tpu.memory_space<vmem>>) target(%dma_start3A_39 : memref<128x128xf32, #tpu.memory_space<vmem_shared>>) target_semaphore(%run_scoped3A : memref<!tpu.dma_semaphore, #tpu.memory_space<semaphore_mem>>)
          %dma_wait3A = arith.constant 0 : i32
          %dma_wait3A_40 = tpu.memref_slice %arg11[%mul3A_34, %dma_wait3A] : memref<10112x128xf32, #tpu.memory_space<vmem_shared>> -> memref<128x128xf32, #tpu.memory_space<vmem_shared>>
          %dma_wait3A_41 = arith.constant 0 : i32
          %dma_wait3A_42 = tpu.memref_slice %arg11[%mul3A_34, %dma_wait3A_41] : memref<10112x128xf32, #tpu.memory_space<vmem_shared>> -> memref<128x128xf32, #tpu.memory_space<vmem_shared>>
          tpu.wait_dma2 semaphore(%run_scoped3A : memref<!tpu.dma_semaphore, #tpu.memory_space<semaphore_mem>>) src(%arg10 : memref<128x128xf32, #tpu.memory_space<vmem>>) dst(%dma_wait3A_42 : memref<128x128xf32, #tpu.memory_space<vmem_shared>>)
          tpu.yield
        }) : () -> ()
        %mul3A_35 = arith.constant 128 : i32
        %mul3A_36 = arith.muli %add3A_30, %mul3A_35 : i32
        "tpu.region"() ({
          %run_scoped3A = tpu.sem_alloc : memref<!tpu.dma_semaphore, #tpu.memory_space<semaphore_mem>>
          %dma_start3A = arith.constant 0 : i32
          %dma_start3A_37 = arith.constant 0 : i32
          %dma_start3A_38 = tpu.memref_slice %arg10[%dma_start3A, %dma_start3A_37] : memref<128x128xf32, #tpu.memory_space<vmem>> -> memref<128x8xf32, #tpu.memory_space<vmem>>
          %dma_start3A_39 = arith.constant 0 : i32
          %dma_start3A_40 = tpu.memref_slice %arg12[%mul3A_36, %dma_start3A_39] : memref<10112x8xf32, #tpu.memory_space<vmem_shared>> -> memref<128x8xf32, #tpu.memory_space<vmem_shared>>
          %dma_start3A_41 = arith.constant 0 : i32
          %dma_start3A_42 = tpu.memref_slice %arg12[%mul3A_36, %dma_start3A_41] : memref<10112x8xf32, #tpu.memory_space<vmem_shared>> -> memref<128x8xf32, #tpu.memory_space<vmem_shared>>
          %dma_start3A_43 = arith.constant 0 : i32
          %dma_start3A_44 = arith.constant 0 : i32
          %dma_start3A_45 = tpu.memref_slice %arg10[%dma_start3A_43, %dma_start3A_44] : memref<128x128xf32, #tpu.memory_space<vmem>> -> memref<128x8xf32, #tpu.memory_space<vmem>>
          tpu.enqueue_dma source(%dma_start3A_45 : memref<128x8xf32, #tpu.memory_space<vmem>>) target(%dma_start3A_42 : memref<128x8xf32, #tpu.memory_space<vmem_shared>>) target_semaphore(%run_scoped3A : memref<!tpu.dma_semaphore, #tpu.memory_space<semaphore_mem>>)
          %dma_wait3A = arith.constant 0 : i32
          %dma_wait3A_46 = arith.constant 0 : i32
          %dma_wait3A_47 = tpu.memref_slice %arg10[%dma_wait3A, %dma_wait3A_46] : memref<128x128xf32, #tpu.memory_space<vmem>> -> memref<128x8xf32, #tpu.memory_space<vmem>>
          %dma_wait3A_48 = arith.constant 0 : i32
          %dma_wait3A_49 = tpu.memref_slice %arg12[%mul3A_36, %dma_wait3A_48] : memref<10112x8xf32, #tpu.memory_space<vmem_shared>> -> memref<128x8xf32, #tpu.memory_space<vmem_shared>>
          %dma_wait3A_50 = arith.constant 0 : i32
          %dma_wait3A_51 = tpu.memref_slice %arg12[%mul3A_36, %dma_wait3A_50] : memref<10112x8xf32, #tpu.memory_space<vmem_shared>> -> memref<128x8xf32, #tpu.memory_space<vmem_shared>>
          %dma_wait3A_52 = arith.constant 0 : i32
          %dma_wait3A_53 = arith.constant 0 : i32
          %dma_wait3A_54 = tpu.memref_slice %arg10[%dma_wait3A_52, %dma_wait3A_53] : memref<128x128xf32, #tpu.memory_space<vmem>> -> memref<128x8xf32, #tpu.memory_space<vmem>>
          tpu.wait_dma2 semaphore(%run_scoped3A : memref<!tpu.dma_semaphore, #tpu.memory_space<semaphore_mem>>) src(%dma_wait3A_54 : memref<128x8xf32, #tpu.memory_space<vmem>>) dst(%dma_wait3A_51 : memref<128x8xf32, #tpu.memory_space<vmem_shared>>)
          tpu.yield
        }) : () -> ()
      } else {
      }
    }
    %scan3A_13 = arith.constant 5 : i32
    %barrier3A = arith.constant 0 : index
    tpu.barrier barrier_id(%barrier3A)
    %scan3A_14 = arith.constant 0 : i32
    %scan3A_15 = arith.constant 0 : i32
    %scan3A_16 = arith.constant 80 : i32
    %scan3A_17 = arith.addi %scan3A_15, %scan3A_16 : i32
    %scan3A_18 = arith.constant 1 : i32
    scf.for %scan3A_27 = %scan3A_15 to %scan3A_17 step %scan3A_18  : i32 {
      %mul3A_28 = arith.constant 128 : i32
      %mul3A_29 = arith.muli %scan3A_27, %mul3A_28 : i32
      %add3A_30 = arith.addi %multiple_of3A, %mul3A_29 : i32
      %multiple_of3A_31 = tpu.assume_multiple %add3A_30, 8 : i32
      "tpu.region"() ({
        %run_scoped3A = tpu.sem_alloc : memref<!tpu.dma_semaphore, #tpu.memory_space<semaphore_mem>>
        %dma_start3A = arith.constant 0 : i32
        %dma_start3A_32 = tpu.memref_slice %arg2[%multiple_of3A_31, %dma_start3A] : memref<327680x128xf32, #tpu.memory_space<hbm>> -> memref<128x128xf32, #tpu.memory_space<hbm>>
        %dma_start3A_33 = arith.constant 0 : i32
        %dma_start3A_34 = tpu.memref_slice %arg2[%multiple_of3A_31, %dma_start3A_33] : memref<327680x128xf32, #tpu.memory_space<hbm>> -> memref<128x128xf32, #tpu.memory_space<hbm>>
        tpu.enqueue_dma source(%dma_start3A_34 : memref<128x128xf32, #tpu.memory_space<hbm>>) target(%arg7 : memref<128x128xf32, #tpu.memory_space<vmem>>) target_semaphore(%run_scoped3A : memref<!tpu.dma_semaphore, #tpu.memory_space<semaphore_mem>>)
        %dma_wait3A = arith.constant 0 : i32
        %dma_wait3A_35 = tpu.memref_slice %arg2[%multiple_of3A_31, %dma_wait3A] : memref<327680x128xf32, #tpu.memory_space<hbm>> -> memref<128x128xf32, #tpu.memory_space<hbm>>
        %dma_wait3A_36 = arith.constant 0 : i32
        %dma_wait3A_37 = tpu.memref_slice %arg2[%multiple_of3A_31, %dma_wait3A_36] : memref<327680x128xf32, #tpu.memory_space<hbm>> -> memref<128x128xf32, #tpu.memory_space<hbm>>
        tpu.wait_dma2 semaphore(%run_scoped3A : memref<!tpu.dma_semaphore, #tpu.memory_space<semaphore_mem>>) src(%dma_wait3A_37 : memref<128x128xf32, #tpu.memory_space<hbm>>) dst(%arg7 : memref<128x128xf32, #tpu.memory_space<vmem>>)
        tpu.yield
      }) : () -> ()
      "tpu.region"() ({
        %run_scoped3A = tpu.sem_alloc : memref<!tpu.dma_semaphore, #tpu.memory_space<semaphore_mem>>
        %dma_start3A = arith.constant 0 : i32
        %dma_start3A_32 = tpu.memref_slice %arg3[%multiple_of3A_31, %dma_start3A] : memref<327680x128xf32, #tpu.memory_space<hbm>> -> memref<128x8xf32, #tpu.memory_space<hbm>>
        %dma_start3A_33 = arith.constant 0 : i32
        %dma_start3A_34 = tpu.memref_slice %arg3[%multiple_of3A_31, %dma_start3A_33] : memref<327680x128xf32, #tpu.memory_space<hbm>> -> memref<128x8xf32, #tpu.memory_space<hbm>>
        tpu.enqueue_dma source(%dma_start3A_34 : memref<128x8xf32, #tpu.memory_space<hbm>>) target(%arg8 : memref<128x8xf32, #tpu.memory_space<vmem>>) target_semaphore(%run_scoped3A : memref<!tpu.dma_semaphore, #tpu.memory_space<semaphore_mem>>)
        %dma_wait3A = arith.constant 0 : i32
        %dma_wait3A_35 = tpu.memref_slice %arg3[%multiple_of3A_31, %dma_wait3A] : memref<327680x128xf32, #tpu.memory_space<hbm>> -> memref<128x8xf32, #tpu.memory_space<hbm>>
        %dma_wait3A_36 = arith.constant 0 : i32
        %dma_wait3A_37 = tpu.memref_slice %arg3[%multiple_of3A_31, %dma_wait3A_36] : memref<327680x128xf32, #tpu.memory_space<hbm>> -> memref<128x8xf32, #tpu.memory_space<hbm>>
        tpu.wait_dma2 semaphore(%run_scoped3A : memref<!tpu.dma_semaphore, #tpu.memory_space<semaphore_mem>>) src(%dma_wait3A_37 : memref<128x8xf32, #tpu.memory_space<hbm>>) dst(%arg8 : memref<128x8xf32, #tpu.memory_space<vmem>>)
        tpu.yield
      }) : () -> ()
      "tpu.region"() ({
        %run_scoped3A = tpu.sem_alloc : memref<!tpu.dma_semaphore, #tpu.memory_space<semaphore_mem>>
        %dma_start3A = tpu.memref_slice %arg4[%multiple_of3A_31] : memref<327680xi32, #tpu.memory_space<hbm>> -> memref<128xi32, #tpu.memory_space<hbm>>
        %dma_start3A_32 = tpu.memref_slice %arg4[%multiple_of3A_31] : memref<327680xi32, #tpu.memory_space<hbm>> -> memref<128xi32, #tpu.memory_space<hbm>>
        tpu.enqueue_dma source(%dma_start3A_32 : memref<128xi32, #tpu.memory_space<hbm>>) target(%arg9 : memref<128xi32, #tpu.memory_space<vmem>>) target_semaphore(%run_scoped3A : memref<!tpu.dma_semaphore, #tpu.memory_space<semaphore_mem>>)
        %dma_wait3A = tpu.memref_slice %arg4[%multiple_of3A_31] : memref<327680xi32, #tpu.memory_space<hbm>> -> memref<128xi32, #tpu.memory_space<hbm>>
        %dma_wait3A_33 = tpu.memref_slice %arg4[%multiple_of3A_31] : memref<327680xi32, #tpu.memory_space<hbm>> -> memref<128xi32, #tpu.memory_space<hbm>>
        tpu.wait_dma2 semaphore(%run_scoped3A : memref<!tpu.dma_semaphore, #tpu.memory_space<semaphore_mem>>) src(%dma_wait3A_33 : memref<128xi32, #tpu.memory_space<hbm>>) dst(%arg9 : memref<128xi32, #tpu.memory_space<vmem>>)
        tpu.yield
      }) : () -> ()
      "tpu.region"() ({
        %run_scoped3A = tpu.sem_alloc : memref<!tpu.dma_semaphore, #tpu.memory_space<semaphore_mem>>
        %dma_start3A = arith.constant 0 : i32
        %dma_start3A_32 = arith.constant 0 : i32
        %dma_start3A_33 = tpu.memref_slice %arg11[%dma_start3A, %dma_start3A_32] : memref<10112x128xf32, #tpu.memory_space<vmem_shared>> -> memref<10112x128xf32, #tpu.memory_space<vmem_shared>>
        tpu.enqueue_indirect_dma source(%arg7 : memref<128x128xf32, #tpu.memory_space<vmem>>) target(%dma_start3A_33 : memref<10112x128xf32, #tpu.memory_space<vmem_shared>>) offsets(%arg9 : memref<128xi32, #tpu.memory_space<vmem>>) semaphore(%run_scoped3A : memref<!tpu.dma_semaphore, #tpu.memory_space<semaphore_mem>>) {add = true}
        %dma_wait3A = arith.constant 0 : i32
        %dma_wait3A_34 = arith.constant 0 : i32
        %dma_wait3A_35 = tpu.memref_slice %arg11[%dma_wait3A, %dma_wait3A_34] : memref<10112x128xf32, #tpu.memory_space<vmem_shared>> -> memref<10112x128xf32, #tpu.memory_space<vmem_shared>>
        tpu.wait_indirect_dma semaphore(%run_scoped3A : memref<!tpu.dma_semaphore, #tpu.memory_space<semaphore_mem>>) src(%arg7 : memref<128x128xf32, #tpu.memory_space<vmem>>) dst(%dma_wait3A_35 : memref<10112x128xf32, #tpu.memory_space<vmem_shared>>)
        tpu.yield
      }) : () -> ()
      "tpu.region"() ({
        %run_scoped3A = tpu.sem_alloc : memref<!tpu.dma_semaphore, #tpu.memory_space<semaphore_mem>>
        %dma_start3A = arith.constant 0 : i32
        %dma_start3A_32 = arith.constant 0 : i32
        %dma_start3A_33 = tpu.memref_slice %arg12[%dma_start3A, %dma_start3A_32] : memref<10112x8xf32, #tpu.memory_space<vmem_shared>> -> memref<10112x8xf32, #tpu.memory_space<vmem_shared>>
        tpu.enqueue_indirect_dma source(%arg8 : memref<128x8xf32, #tpu.memory_space<vmem>>) target(%dma_start3A_33 : memref<10112x8xf32, #tpu.memory_space<vmem_shared>>) offsets(%arg9 : memref<128xi32, #tpu.memory_space<vmem>>) semaphore(%run_scoped3A : memref<!tpu.dma_semaphore, #tpu.memory_space<semaphore_mem>>) {add = true}
        %dma_wait3A = arith.constant 0 : i32
        %dma_wait3A_34 = arith.constant 0 : i32
        %dma_wait3A_35 = tpu.memref_slice %arg12[%dma_wait3A, %dma_wait3A_34] : memref<10112x8xf32, #tpu.memory_space<vmem_shared>> -> memref<10112x8xf32, #tpu.memory_space<vmem_shared>>
        tpu.wait_indirect_dma semaphore(%run_scoped3A : memref<!tpu.dma_semaphore, #tpu.memory_space<semaphore_mem>>) src(%arg8 : memref<128x8xf32, #tpu.memory_space<vmem>>) dst(%dma_wait3A_35 : memref<10112x8xf32, #tpu.memory_space<vmem_shared>>)
        tpu.yield
      }) : () -> ()
    }
    %scan3A_19 = arith.constant 80 : i32
    %barrier3A_20 = arith.constant 0 : index
    tpu.barrier barrier_id(%barrier3A_20)
    %scan3A_21 = arith.constant 0 : i32
    %scan3A_22 = arith.constant 0 : i32
    %scan3A_23 = arith.constant 5 : i32
    %scan3A_24 = arith.addi %scan3A_22, %scan3A_23 : i32
    %scan3A_25 = arith.constant 1 : i32
    scf.for %scan3A_27 = %scan3A_22 to %scan3A_24 step %scan3A_25  : i32 {
      %mul3A_28 = arith.constant 16 : i32
      %mul3A_29 = arith.muli %scan3A_27, %mul3A_28 : i32
      %add3A_30 = arith.addi %arg1, %mul3A_29 : i32
      %lt3A = arith.constant 79 : i32
      %lt3A_31 = arith.cmpi slt, %add3A_30, %lt3A : i32
      %convert_element_type3A = arith.extui %lt3A_31 : i1 to i32
      %cond3A = arith.constant 0 : i32
      %cond3A_32 = arith.cmpi ne, %convert_element_type3A, %cond3A : i32
      scf.if %cond3A_32 {
        %mul3A_33 = arith.constant 128 : i32
        %mul3A_34 = arith.muli %add3A_30, %mul3A_33 : i32
        "tpu.region"() ({
          %run_scoped3A = tpu.sem_alloc : memref<!tpu.dma_semaphore, #tpu.memory_space<semaphore_mem>>
          %dma_start3A = arith.constant 0 : i32
          %dma_start3A_35 = arith.constant 0 : i32
          %dma_start3A_36 = tpu.memref_slice %arg5[%arg0, %dma_start3A, %dma_start3A_35] : memref<2x10112x128xf32, #tpu.memory_space<hbm>> -> memref<1x10112x128xf32, #tpu.memory_space<hbm>>
          %dma_start3A_37 = tpu.memref_squeeze %dma_start3A_36 : memref<1x10112x128xf32, #tpu.memory_space<hbm>> -> memref<10112x128xf32, #tpu.memory_space<hbm>>
          %dma_start3A_38 = arith.constant 0 : i32
          %dma_start3A_39 = tpu.memref_slice %dma_start3A_37[%mul3A_34, %dma_start3A_38] : memref<10112x128xf32, #tpu.memory_space<hbm>> -> memref<128x128xf32, #tpu.memory_space<hbm>>
          %dma_start3A_40 = arith.constant 0 : i32
          %dma_start3A_41 = tpu.memref_slice %arg11[%mul3A_34, %dma_start3A_40] : memref<10112x128xf32, #tpu.memory_space<vmem_shared>> -> memref<128x128xf32, #tpu.memory_space<vmem_shared>>
          tpu.enqueue_dma source(%dma_start3A_41 : memref<128x128xf32, #tpu.memory_space<vmem_shared>>) target(%dma_start3A_39 : memref<128x128xf32, #tpu.memory_space<hbm>>) target_semaphore(%run_scoped3A : memref<!tpu.dma_semaphore, #tpu.memory_space<semaphore_mem>>)
          %dma_wait3A = arith.constant 0 : i32
          %dma_wait3A_42 = arith.constant 0 : i32
          %dma_wait3A_43 = tpu.memref_slice %arg5[%arg0, %dma_wait3A, %dma_wait3A_42] : memref<2x10112x128xf32, #tpu.memory_space<hbm>> -> memref<1x10112x128xf32, #tpu.memory_space<hbm>>
          %dma_wait3A_44 = tpu.memref_squeeze %dma_wait3A_43 : memref<1x10112x128xf32, #tpu.memory_space<hbm>> -> memref<10112x128xf32, #tpu.memory_space<hbm>>
          %dma_wait3A_45 = arith.constant 0 : i32
          %dma_wait3A_46 = tpu.memref_slice %dma_wait3A_44[%mul3A_34, %dma_wait3A_45] : memref<10112x128xf32, #tpu.memory_space<hbm>> -> memref<128x128xf32, #tpu.memory_space<hbm>>
          %dma_wait3A_47 = arith.constant 0 : i32
          %dma_wait3A_48 = tpu.memref_slice %arg11[%mul3A_34, %dma_wait3A_47] : memref<10112x128xf32, #tpu.memory_space<vmem_shared>> -> memref<128x128xf32, #tpu.memory_space<vmem_shared>>
          tpu.wait_dma2 semaphore(%run_scoped3A : memref<!tpu.dma_semaphore, #tpu.memory_space<semaphore_mem>>) src(%dma_wait3A_48 : memref<128x128xf32, #tpu.memory_space<vmem_shared>>) dst(%dma_wait3A_46 : memref<128x128xf32, #tpu.memory_space<hbm>>)
          tpu.yield
        }) : () -> ()
        "tpu.region"() ({
          %run_scoped3A = tpu.sem_alloc : memref<!tpu.dma_semaphore, #tpu.memory_space<semaphore_mem>>
          %dma_start3A = arith.constant 0 : i32
          %dma_start3A_35 = arith.constant 0 : i32
          %dma_start3A_36 = tpu.memref_slice %arg6[%arg0, %dma_start3A, %dma_start3A_35] : memref<2x10112x8xf32, #tpu.memory_space<hbm>> -> memref<1x10112x8xf32, #tpu.memory_space<hbm>>
          %dma_start3A_37 = tpu.memref_squeeze %dma_start3A_36 : memref<1x10112x8xf32, #tpu.memory_space<hbm>> -> memref<10112x8xf32, #tpu.memory_space<hbm>>
          %dma_start3A_38 = arith.constant 0 : i32
          %dma_start3A_39 = tpu.memref_slice %dma_start3A_37[%mul3A_34, %dma_start3A_38] : memref<10112x8xf32, #tpu.memory_space<hbm>> -> memref<128x8xf32, #tpu.memory_space<hbm>>
          %dma_start3A_40 = arith.constant 0 : i32
          %dma_start3A_41 = tpu.memref_slice %arg12[%mul3A_34, %dma_start3A_40] : memref<10112x8xf32, #tpu.memory_space<vmem_shared>> -> memref<128x8xf32, #tpu.memory_space<vmem_shared>>
          tpu.enqueue_dma source(%dma_start3A_41 : memref<128x8xf32, #tpu.memory_space<vmem_shared>>) target(%dma_start3A_39 : memref<128x8xf32, #tpu.memory_space<hbm>>) target_semaphore(%run_scoped3A : memref<!tpu.dma_semaphore, #tpu.memory_space<semaphore_mem>>)
          %dma_wait3A = arith.constant 0 : i32
          %dma_wait3A_42 = arith.constant 0 : i32
          %dma_wait3A_43 = tpu.memref_slice %arg6[%arg0, %dma_wait3A, %dma_wait3A_42] : memref<2x10112x8xf32, #tpu.memory_space<hbm>> -> memref<1x10112x8xf32, #tpu.memory_space<hbm>>
          %dma_wait3A_44 = tpu.memref_squeeze %dma_wait3A_43 : memref<1x10112x8xf32, #tpu.memory_space<hbm>> -> memref<10112x8xf32, #tpu.memory_space<hbm>>
          %dma_wait3A_45 = arith.constant 0 : i32
          %dma_wait3A_46 = tpu.memref_slice %dma_wait3A_44[%mul3A_34, %dma_wait3A_45] : memref<10112x8xf32, #tpu.memory_space<hbm>> -> memref<128x8xf32, #tpu.memory_space<hbm>>
          %dma_wait3A_47 = arith.constant 0 : i32
          %dma_wait3A_48 = tpu.memref_slice %arg12[%mul3A_34, %dma_wait3A_47] : memref<10112x8xf32, #tpu.memory_space<vmem_shared>> -> memref<128x8xf32, #tpu.memory_space<vmem_shared>>
          tpu.wait_dma2 semaphore(%run_scoped3A : memref<!tpu.dma_semaphore, #tpu.memory_space<semaphore_mem>>) src(%dma_wait3A_48 : memref<128x8xf32, #tpu.memory_space<vmem_shared>>) dst(%dma_wait3A_46 : memref<128x8xf32, #tpu.memory_space<hbm>>)
          tpu.yield
        }) : () -> ()
      } else {
      }
    }
    %scan3A_26 = arith.constant 5 : i32
    return
  }
}

#map = affine_map<(d0, d1) -> (0, 0)>
module attributes {stable_mosaic.version = 14 : i64} {
  func.func @_k2_body(%arg0: i32, %arg1: i32, %arg2: memref<10112x128xbf16, #tpu.memory_space<hbm>>, %arg3: memref<10112x128xbf16, #tpu.memory_space<hbm>>, %arg4: memref<2640x128xi32, #tpu.memory_space<hbm>>, %arg5: memref<2640x128xi32, #tpu.memory_space<hbm>>, %arg6: memref<10112x8xf32, #tpu.memory_space<hbm>>, %arg7: memref<327680x128xf32, #tpu.memory_space<hbm>>, %arg8: memref<327680x128xf32, #tpu.memory_space<hbm>>, %arg9: memref<80x128xi32, #tpu.memory_space<vmem>>, %arg10: memref<80x128xi32, #tpu.memory_space<vmem>>, %arg11: memref<128x128xbf16, #tpu.memory_space<vmem>>, %arg12: memref<128x128xbf16, #tpu.memory_space<vmem>>, %arg13: memref<128x128xbf16, #tpu.memory_space<vmem>>, %arg14: memref<128x128xbf16, #tpu.memory_space<vmem>>, %arg15: memref<128x128xf32, #tpu.memory_space<vmem>>, %arg16: memref<128x128xf32, #tpu.memory_space<vmem>>, %arg17: memref<128x8xf32, #tpu.memory_space<vmem>>, %arg18: memref<128x8xf32, #tpu.memory_space<vmem>>, %arg19: memref<128x8xf32, #tpu.memory_space<vmem>>, %arg20: memref<128x8xf32, #tpu.memory_space<vmem>>, %arg21: memref<!tpu.dma_semaphore, #tpu.memory_space<semaphore_mem>>, %arg22: memref<!tpu.dma_semaphore, #tpu.memory_space<semaphore_mem>>, %arg23: memref<!tpu.dma_semaphore, #tpu.memory_space<semaphore_mem>>, %arg24: memref<!tpu.dma_semaphore, #tpu.memory_space<semaphore_mem>>, %arg25: memref<!tpu.dma_semaphore, #tpu.memory_space<semaphore_mem>>, %arg26: memref<!tpu.dma_semaphore, #tpu.memory_space<semaphore_mem>>, %arg27: memref<!tpu.dma_semaphore, #tpu.memory_space<semaphore_mem>>, %arg28: memref<!tpu.dma_semaphore, #tpu.memory_space<semaphore_mem>>, %arg29: memref<!tpu.dma_semaphore, #tpu.memory_space<semaphore_mem>>, %arg30: memref<!tpu.dma_semaphore, #tpu.memory_space<semaphore_mem>>, %arg31: memref<!tpu.dma_semaphore, #tpu.memory_space<semaphore_mem>>, %arg32: memref<!tpu.dma_semaphore, #tpu.memory_space<semaphore_mem>>, %arg33: memref<!tpu.dma_semaphore, #tpu.memory_space<semaphore_mem>>, %arg34: memref<!tpu.dma_semaphore, #tpu.memory_space<semaphore_mem>>) attributes {dimension_semantics = [#tpu.dimension_semantics<core_parallel>, #tpu.dimension_semantics<subcore_parallel>], iteration_bounds = array<i64: 2, 16>, scalar_prefetch = 0 : i64, scratch_operands = 26 : i64, tpu.core_type = #tpu.core_type<sc_vector_subcore>, window_params = [{transform_indices = #map}, {transform_indices = #map}, {transform_indices = #map}, {transform_indices = #map}, {transform_indices = #map}, {transform_indices = #map}, {transform_indices = #map}]} {
    %eq3A = arith.constant 0 : i32
    %eq3A_0 = arith.cmpi eq, %arg0, %eq3A : i32
    %jit3A = arith.constant 80 : i32
    %jit3A_1 = arith.constant 80 : i32
    %select_n3A = arith.select %eq3A_0, %jit3A, %jit3A_1 : i32
    %eq3A_2 = arith.constant 0 : i32
    %eq3A_3 = arith.cmpi eq, %arg0, %eq3A_2 : i32
    %mul3A = arith.constant 80 : i32
    %mul3A_4 = arith.muli %arg1, %mul3A : i32
    %mul3A_5 = arith.constant 80 : i32
    %mul3A_6 = arith.muli %arg1, %mul3A_5 : i32
    %add3A = arith.constant 1280 : i32
    %add3A_7 = arith.addi %add3A, %mul3A_6 : i32
    %select_n3A_8 = arith.select %eq3A_3, %mul3A_4, %add3A_7 : i32
    %mul3A_9 = arith.constant 128 : i32
    %mul3A_10 = arith.muli %select_n3A_8, %mul3A_9 : i32
    %multiple_of3A = tpu.assume_multiple %mul3A_10, 8 : i32
    "tpu.region"() ({
      %run_scoped3A = tpu.sem_alloc : memref<!tpu.dma_semaphore, #tpu.memory_space<semaphore_mem>>
      %dma_start3A_82 = arith.constant 0 : i32
      %dma_start3A_83 = tpu.memref_slice %arg4[%select_n3A_8, %dma_start3A_82] : memref<2640x128xi32, #tpu.memory_space<hbm>> -> memref<80x128xi32, #tpu.memory_space<hbm>>
      %dma_start3A_84 = arith.constant 0 : i32
      %dma_start3A_85 = tpu.memref_slice %arg4[%select_n3A_8, %dma_start3A_84] : memref<2640x128xi32, #tpu.memory_space<hbm>> -> memref<80x128xi32, #tpu.memory_space<hbm>>
      tpu.enqueue_dma source(%dma_start3A_85 : memref<80x128xi32, #tpu.memory_space<hbm>>) target(%arg9 : memref<80x128xi32, #tpu.memory_space<vmem>>) target_semaphore(%run_scoped3A : memref<!tpu.dma_semaphore, #tpu.memory_space<semaphore_mem>>)
      %dma_wait3A_86 = arith.constant 0 : i32
      %dma_wait3A_87 = tpu.memref_slice %arg4[%select_n3A_8, %dma_wait3A_86] : memref<2640x128xi32, #tpu.memory_space<hbm>> -> memref<80x128xi32, #tpu.memory_space<hbm>>
      %dma_wait3A_88 = arith.constant 0 : i32
      %dma_wait3A_89 = tpu.memref_slice %arg4[%select_n3A_8, %dma_wait3A_88] : memref<2640x128xi32, #tpu.memory_space<hbm>> -> memref<80x128xi32, #tpu.memory_space<hbm>>
      tpu.wait_dma2 semaphore(%run_scoped3A : memref<!tpu.dma_semaphore, #tpu.memory_space<semaphore_mem>>) src(%dma_wait3A_89 : memref<80x128xi32, #tpu.memory_space<hbm>>) dst(%arg9 : memref<80x128xi32, #tpu.memory_space<vmem>>)
      tpu.yield
    }) : () -> ()
    "tpu.region"() ({
      %run_scoped3A = tpu.sem_alloc : memref<!tpu.dma_semaphore, #tpu.memory_space<semaphore_mem>>
      %dma_start3A_82 = arith.constant 0 : i32
      %dma_start3A_83 = tpu.memref_slice %arg5[%select_n3A_8, %dma_start3A_82] : memref<2640x128xi32, #tpu.memory_space<hbm>> -> memref<80x128xi32, #tpu.memory_space<hbm>>
      %dma_start3A_84 = arith.constant 0 : i32
      %dma_start3A_85 = tpu.memref_slice %arg5[%select_n3A_8, %dma_start3A_84] : memref<2640x128xi32, #tpu.memory_space<hbm>> -> memref<80x128xi32, #tpu.memory_space<hbm>>
      tpu.enqueue_dma source(%dma_start3A_85 : memref<80x128xi32, #tpu.memory_space<hbm>>) target(%arg10 : memref<80x128xi32, #tpu.memory_space<vmem>>) target_semaphore(%run_scoped3A : memref<!tpu.dma_semaphore, #tpu.memory_space<semaphore_mem>>)
      %dma_wait3A_86 = arith.constant 0 : i32
      %dma_wait3A_87 = tpu.memref_slice %arg5[%select_n3A_8, %dma_wait3A_86] : memref<2640x128xi32, #tpu.memory_space<hbm>> -> memref<80x128xi32, #tpu.memory_space<hbm>>
      %dma_wait3A_88 = arith.constant 0 : i32
      %dma_wait3A_89 = tpu.memref_slice %arg5[%select_n3A_8, %dma_wait3A_88] : memref<2640x128xi32, #tpu.memory_space<hbm>> -> memref<80x128xi32, #tpu.memory_space<hbm>>
      tpu.wait_dma2 semaphore(%run_scoped3A : memref<!tpu.dma_semaphore, #tpu.memory_space<semaphore_mem>>) src(%dma_wait3A_89 : memref<80x128xi32, #tpu.memory_space<hbm>>) dst(%arg10 : memref<80x128xi32, #tpu.memory_space<vmem>>)
      tpu.yield
    }) : () -> ()
    %dma_start3A = arith.constant 0 : i32
    %dma_start3A_11 = arith.constant 0 : i32
    %dma_start3A_12 = tpu.memref_slice %arg10[%dma_start3A, %dma_start3A_11] : memref<80x128xi32, #tpu.memory_space<vmem>> -> memref<1x128xi32, #tpu.memory_space<vmem>>
    %dma_start3A_13 = tpu.memref_squeeze %dma_start3A_12 : memref<1x128xi32, #tpu.memory_space<vmem>> -> memref<128xi32, #tpu.memory_space<vmem>>
    %dma_start3A_14 = arith.constant 0 : i32
    %dma_start3A_15 = arith.constant 0 : i32
    %dma_start3A_16 = tpu.memref_slice %arg2[%dma_start3A_14, %dma_start3A_15] : memref<10112x128xbf16, #tpu.memory_space<hbm>> -> memref<10112x128xbf16, #tpu.memory_space<hbm>>
    tpu.enqueue_indirect_dma source(%dma_start3A_16 : memref<10112x128xbf16, #tpu.memory_space<hbm>>) target(%arg11 : memref<128x128xbf16, #tpu.memory_space<vmem>>) offsets(%dma_start3A_13 : memref<128xi32, #tpu.memory_space<vmem>>) semaphore(%arg21 : memref<!tpu.dma_semaphore, #tpu.memory_space<semaphore_mem>>)
    %dma_start3A_17 = arith.constant 0 : i32
    %dma_start3A_18 = arith.constant 0 : i32
    %dma_start3A_19 = tpu.memref_slice %arg9[%dma_start3A_17, %dma_start3A_18] : memref<80x128xi32, #tpu.memory_space<vmem>> -> memref<1x128xi32, #tpu.memory_space<vmem>>
    %dma_start3A_20 = tpu.memref_squeeze %dma_start3A_19 : memref<1x128xi32, #tpu.memory_space<vmem>> -> memref<128xi32, #tpu.memory_space<vmem>>
    %dma_start3A_21 = arith.constant 0 : i32
    %dma_start3A_22 = arith.constant 0 : i32
    %dma_start3A_23 = tpu.memref_slice %arg3[%dma_start3A_21, %dma_start3A_22] : memref<10112x128xbf16, #tpu.memory_space<hbm>> -> memref<10112x128xbf16, #tpu.memory_space<hbm>>
    tpu.enqueue_indirect_dma source(%dma_start3A_23 : memref<10112x128xbf16, #tpu.memory_space<hbm>>) target(%arg13 : memref<128x128xbf16, #tpu.memory_space<vmem>>) offsets(%dma_start3A_20 : memref<128xi32, #tpu.memory_space<vmem>>) semaphore(%arg23 : memref<!tpu.dma_semaphore, #tpu.memory_space<semaphore_mem>>)
    %dma_start3A_24 = arith.constant 0 : i32
    %dma_start3A_25 = arith.constant 0 : i32
    %dma_start3A_26 = tpu.memref_slice %arg9[%dma_start3A_24, %dma_start3A_25] : memref<80x128xi32, #tpu.memory_space<vmem>> -> memref<1x128xi32, #tpu.memory_space<vmem>>
    %dma_start3A_27 = tpu.memref_squeeze %dma_start3A_26 : memref<1x128xi32, #tpu.memory_space<vmem>> -> memref<128xi32, #tpu.memory_space<vmem>>
    %dma_start3A_28 = arith.constant 0 : i32
    %dma_start3A_29 = arith.constant 0 : i32
    %dma_start3A_30 = tpu.memref_slice %arg6[%dma_start3A_28, %dma_start3A_29] : memref<10112x8xf32, #tpu.memory_space<hbm>> -> memref<10112x8xf32, #tpu.memory_space<hbm>>
    tpu.enqueue_indirect_dma source(%dma_start3A_30 : memref<10112x8xf32, #tpu.memory_space<hbm>>) target(%arg17 : memref<128x8xf32, #tpu.memory_space<vmem>>) offsets(%dma_start3A_27 : memref<128xi32, #tpu.memory_space<vmem>>) semaphore(%arg25 : memref<!tpu.dma_semaphore, #tpu.memory_space<semaphore_mem>>)
    %dma_start3A_31 = arith.constant 0 : i32
    %dma_start3A_32 = arith.constant 0 : i32
    %dma_start3A_33 = tpu.memref_slice %arg10[%dma_start3A_31, %dma_start3A_32] : memref<80x128xi32, #tpu.memory_space<vmem>> -> memref<1x128xi32, #tpu.memory_space<vmem>>
    %dma_start3A_34 = tpu.memref_squeeze %dma_start3A_33 : memref<1x128xi32, #tpu.memory_space<vmem>> -> memref<128xi32, #tpu.memory_space<vmem>>
    %dma_start3A_35 = arith.constant 0 : i32
    %dma_start3A_36 = arith.constant 0 : i32
    %dma_start3A_37 = tpu.memref_slice %arg6[%dma_start3A_35, %dma_start3A_36] : memref<10112x8xf32, #tpu.memory_space<hbm>> -> memref<10112x8xf32, #tpu.memory_space<hbm>>
    tpu.enqueue_indirect_dma source(%dma_start3A_37 : memref<10112x8xf32, #tpu.memory_space<hbm>>) target(%arg19 : memref<128x8xf32, #tpu.memory_space<vmem>>) offsets(%dma_start3A_34 : memref<128xi32, #tpu.memory_space<vmem>>) semaphore(%arg27 : memref<!tpu.dma_semaphore, #tpu.memory_space<semaphore_mem>>)
    %jit3A_38 = arith.constant 2 : i32
    %div3A = arith.divsi %select_n3A, %jit3A_38 : i32
    %sign3A = arith.constant 0 : i32
    %sign3A_39 = arith.cmpi sgt, %select_n3A, %sign3A : i32
    %sign3A_40 = arith.extui %sign3A_39 : i1 to i32
    %sign3A_41 = arith.constant 0 : i32
    %sign3A_42 = arith.cmpi slt, %select_n3A, %sign3A_41 : i32
    %sign3A_43 = arith.extui %sign3A_42 : i1 to i32
    %sign3A_44 = arith.subi %sign3A_40, %sign3A_43 : i32
    %sign3A_45 = arith.constant 0 : i32
    %sign3A_46 = arith.cmpi sgt, %jit3A_38, %sign3A_45 : i32
    %sign3A_47 = arith.extui %sign3A_46 : i1 to i32
    %sign3A_48 = arith.constant 0 : i32
    %sign3A_49 = arith.cmpi slt, %jit3A_38, %sign3A_48 : i32
    %sign3A_50 = arith.extui %sign3A_49 : i1 to i32
    %sign3A_51 = arith.subi %sign3A_47, %sign3A_50 : i32
    %ne3A = arith.cmpi ne, %sign3A_44, %sign3A_51 : i32
    %rem3A = arith.remsi %select_n3A, %jit3A_38 : i32
    %ne3A_52 = arith.constant 0 : i32
    %ne3A_53 = arith.cmpi ne, %rem3A, %ne3A_52 : i32
    %and3A = arith.andi %ne3A, %ne3A_53 : i1
    %sub3A = arith.constant 1 : i32
    %sub3A_54 = arith.subi %div3A, %sub3A : i32
    %select_n3A_55 = arith.select %and3A, %sub3A_54, %div3A : i32
    %while3A = arith.constant 0 : i32
    %while3A_56 = arith.constant 0 : i32
    %while3A_57 = arith.subi %select_n3A_55, %while3A_56 : i32
    %while3A_58 = arith.addi %while3A_56, %while3A_57 : i32
    %while3A_59 = arith.constant 1 : i32
    %while3A_60 = arith.divsi %while3A_57, %while3A_59 : i32
    %while3A_61 = arith.muli %while3A_60, %while3A_59 : i32
    %while3A_62 = arith.addi %while3A_56, %while3A_61 : i32
    %while3A_63 = arith.constant 1 : i32
    scf.for %while3A_82 = %while3A_56 to %while3A_62 step %while3A_63  : i32 {
      %mul3A_83 = arith.constant 2 : i32
      %mul3A_84 = arith.muli %while3A_82, %mul3A_83 : i32
      %add3A_85 = arith.constant 0 : i32
      %add3A_86 = arith.addi %mul3A_84, %add3A_85 : i32
      %gt3A = arith.constant 0 : i32
      %gt3A_87 = arith.cmpi sgt, %while3A_82, %gt3A : i32
      %convert_element_type3A = arith.extui %gt3A_87 : i1 to i32
      %cond3A = arith.constant 0 : i32
      %cond3A_88 = arith.cmpi ne, %convert_element_type3A, %cond3A : i32
      scf.if %cond3A_88 {
        %dma_wait3A_236 = arith.constant 0 : i32
        %dma_wait3A_237 = arith.constant 0 : i32
        %dma_wait3A_238 = tpu.memref_slice %arg7[%dma_wait3A_236, %dma_wait3A_237] : memref<327680x128xf32, #tpu.memory_space<hbm>> -> memref<128x128xf32, #tpu.memory_space<hbm>>
        %dma_wait3A_239 = arith.constant 0 : i32
        %dma_wait3A_240 = arith.constant 0 : i32
        %dma_wait3A_241 = tpu.memref_slice %arg7[%dma_wait3A_239, %dma_wait3A_240] : memref<327680x128xf32, #tpu.memory_space<hbm>> -> memref<128x128xf32, #tpu.memory_space<hbm>>
        tpu.wait_dma2 semaphore(%arg30 : memref<!tpu.dma_semaphore, #tpu.memory_space<semaphore_mem>>) src(%arg16 : memref<128x128xf32, #tpu.memory_space<vmem>>) dst(%dma_wait3A_241 : memref<128x128xf32, #tpu.memory_space<hbm>>)
        %dma_wait3A_242 = arith.constant 0 : i32
        %dma_wait3A_243 = arith.constant 0 : i32
        %dma_wait3A_244 = tpu.memref_slice %arg8[%dma_wait3A_242, %dma_wait3A_243] : memref<327680x128xf32, #tpu.memory_space<hbm>> -> memref<128x8xf32, #tpu.memory_space<hbm>>
        %dma_wait3A_245 = arith.constant 0 : i32
        %dma_wait3A_246 = arith.constant 0 : i32
        %dma_wait3A_247 = tpu.memref_slice %arg8[%dma_wait3A_245, %dma_wait3A_246] : memref<327680x128xf32, #tpu.memory_space<hbm>> -> memref<128x8xf32, #tpu.memory_space<hbm>>
        tpu.wait_dma2 semaphore(%arg32 : memref<!tpu.dma_semaphore, #tpu.memory_space<semaphore_mem>>) src(%arg18 : memref<128x8xf32, #tpu.memory_space<vmem>>) dst(%dma_wait3A_247 : memref<128x8xf32, #tpu.memory_space<hbm>>)
        %dma_wait3A_248 = arith.constant 0 : i32
        %dma_wait3A_249 = arith.constant 8 : i32
        %dma_wait3A_250 = tpu.memref_slice %arg8[%dma_wait3A_248, %dma_wait3A_249] : memref<327680x128xf32, #tpu.memory_space<hbm>> -> memref<128x8xf32, #tpu.memory_space<hbm>>
        %dma_wait3A_251 = arith.constant 0 : i32
        %dma_wait3A_252 = arith.constant 8 : i32
        %dma_wait3A_253 = tpu.memref_slice %arg8[%dma_wait3A_251, %dma_wait3A_252] : memref<327680x128xf32, #tpu.memory_space<hbm>> -> memref<128x8xf32, #tpu.memory_space<hbm>>
        tpu.wait_dma2 semaphore(%arg34 : memref<!tpu.dma_semaphore, #tpu.memory_space<semaphore_mem>>) src(%arg20 : memref<128x8xf32, #tpu.memory_space<vmem>>) dst(%dma_wait3A_253 : memref<128x8xf32, #tpu.memory_space<hbm>>)
      } else {
      }
      %add3A_89 = arith.constant 1 : i32
      %add3A_90 = arith.addi %add3A_86, %add3A_89 : i32
      %dma_start3A_91 = arith.constant 0 : i32
      %dma_start3A_92 = tpu.memref_slice %arg10[%add3A_90, %dma_start3A_91] : memref<80x128xi32, #tpu.memory_space<vmem>> -> memref<1x128xi32, #tpu.memory_space<vmem>>
      %dma_start3A_93 = tpu.memref_squeeze %dma_start3A_92 : memref<1x128xi32, #tpu.memory_space<vmem>> -> memref<128xi32, #tpu.memory_space<vmem>>
      %dma_start3A_94 = arith.constant 0 : i32
      %dma_start3A_95 = arith.constant 0 : i32
      %dma_start3A_96 = tpu.memref_slice %arg2[%dma_start3A_94, %dma_start3A_95] : memref<10112x128xbf16, #tpu.memory_space<hbm>> -> memref<10112x128xbf16, #tpu.memory_space<hbm>>
      tpu.enqueue_indirect_dma source(%dma_start3A_96 : memref<10112x128xbf16, #tpu.memory_space<hbm>>) target(%arg12 : memref<128x128xbf16, #tpu.memory_space<vmem>>) offsets(%dma_start3A_93 : memref<128xi32, #tpu.memory_space<vmem>>) semaphore(%arg22 : memref<!tpu.dma_semaphore, #tpu.memory_space<semaphore_mem>>)
      %dma_start3A_97 = arith.constant 0 : i32
      %dma_start3A_98 = tpu.memref_slice %arg9[%add3A_90, %dma_start3A_97] : memref<80x128xi32, #tpu.memory_space<vmem>> -> memref<1x128xi32, #tpu.memory_space<vmem>>
      %dma_start3A_99 = tpu.memref_squeeze %dma_start3A_98 : memref<1x128xi32, #tpu.memory_space<vmem>> -> memref<128xi32, #tpu.memory_space<vmem>>
      %dma_start3A_100 = arith.constant 0 : i32
      %dma_start3A_101 = arith.constant 0 : i32
      %dma_start3A_102 = tpu.memref_slice %arg3[%dma_start3A_100, %dma_start3A_101] : memref<10112x128xbf16, #tpu.memory_space<hbm>> -> memref<10112x128xbf16, #tpu.memory_space<hbm>>
      tpu.enqueue_indirect_dma source(%dma_start3A_102 : memref<10112x128xbf16, #tpu.memory_space<hbm>>) target(%arg14 : memref<128x128xbf16, #tpu.memory_space<vmem>>) offsets(%dma_start3A_99 : memref<128xi32, #tpu.memory_space<vmem>>) semaphore(%arg24 : memref<!tpu.dma_semaphore, #tpu.memory_space<semaphore_mem>>)
      %dma_start3A_103 = arith.constant 0 : i32
      %dma_start3A_104 = tpu.memref_slice %arg9[%add3A_90, %dma_start3A_103] : memref<80x128xi32, #tpu.memory_space<vmem>> -> memref<1x128xi32, #tpu.memory_space<vmem>>
      %dma_start3A_105 = tpu.memref_squeeze %dma_start3A_104 : memref<1x128xi32, #tpu.memory_space<vmem>> -> memref<128xi32, #tpu.memory_space<vmem>>
      %dma_start3A_106 = arith.constant 0 : i32
      %dma_start3A_107 = arith.constant 0 : i32
      %dma_start3A_108 = tpu.memref_slice %arg6[%dma_start3A_106, %dma_start3A_107] : memref<10112x8xf32, #tpu.memory_space<hbm>> -> memref<10112x8xf32, #tpu.memory_space<hbm>>
      tpu.enqueue_indirect_dma source(%dma_start3A_108 : memref<10112x8xf32, #tpu.memory_space<hbm>>) target(%arg18 : memref<128x8xf32, #tpu.memory_space<vmem>>) offsets(%dma_start3A_105 : memref<128xi32, #tpu.memory_space<vmem>>) semaphore(%arg26 : memref<!tpu.dma_semaphore, #tpu.memory_space<semaphore_mem>>)
      %dma_start3A_109 = arith.constant 0 : i32
      %dma_start3A_110 = tpu.memref_slice %arg10[%add3A_90, %dma_start3A_109] : memref<80x128xi32, #tpu.memory_space<vmem>> -> memref<1x128xi32, #tpu.memory_space<vmem>>
      %dma_start3A_111 = tpu.memref_squeeze %dma_start3A_110 : memref<1x128xi32, #tpu.memory_space<vmem>> -> memref<128xi32, #tpu.memory_space<vmem>>
      %dma_start3A_112 = arith.constant 0 : i32
      %dma_start3A_113 = arith.constant 0 : i32
      %dma_start3A_114 = tpu.memref_slice %arg6[%dma_start3A_112, %dma_start3A_113] : memref<10112x8xf32, #tpu.memory_space<hbm>> -> memref<10112x8xf32, #tpu.memory_space<hbm>>
      tpu.enqueue_indirect_dma source(%dma_start3A_114 : memref<10112x8xf32, #tpu.memory_space<hbm>>) target(%arg20 : memref<128x8xf32, #tpu.memory_space<vmem>>) offsets(%dma_start3A_111 : memref<128xi32, #tpu.memory_space<vmem>>) semaphore(%arg28 : memref<!tpu.dma_semaphore, #tpu.memory_space<semaphore_mem>>)
      %dma_wait3A_115 = arith.constant 0 : i32
      %dma_wait3A_116 = arith.constant 0 : i32
      %dma_wait3A_117 = tpu.memref_slice %arg2[%dma_wait3A_115, %dma_wait3A_116] : memref<10112x128xbf16, #tpu.memory_space<hbm>> -> memref<128x128xbf16, #tpu.memory_space<hbm>>
      %dma_wait3A_118 = arith.constant 0 : i32
      %dma_wait3A_119 = arith.constant 0 : i32
      %dma_wait3A_120 = tpu.memref_slice %arg2[%dma_wait3A_118, %dma_wait3A_119] : memref<10112x128xbf16, #tpu.memory_space<hbm>> -> memref<128x128xbf16, #tpu.memory_space<hbm>>
      tpu.wait_dma2 semaphore(%arg21 : memref<!tpu.dma_semaphore, #tpu.memory_space<semaphore_mem>>) src(%dma_wait3A_120 : memref<128x128xbf16, #tpu.memory_space<hbm>>) dst(%arg11 : memref<128x128xbf16, #tpu.memory_space<vmem>>)
      %dma_wait3A_121 = arith.constant 0 : i32
      %dma_wait3A_122 = arith.constant 0 : i32
      %dma_wait3A_123 = tpu.memref_slice %arg3[%dma_wait3A_121, %dma_wait3A_122] : memref<10112x128xbf16, #tpu.memory_space<hbm>> -> memref<128x128xbf16, #tpu.memory_space<hbm>>
      %dma_wait3A_124 = arith.constant 0 : i32
      %dma_wait3A_125 = arith.constant 0 : i32
      %dma_wait3A_126 = tpu.memref_slice %arg3[%dma_wait3A_124, %dma_wait3A_125] : memref<10112x128xbf16, #tpu.memory_space<hbm>> -> memref<128x128xbf16, #tpu.memory_space<hbm>>
      tpu.wait_dma2 semaphore(%arg23 : memref<!tpu.dma_semaphore, #tpu.memory_space<semaphore_mem>>) src(%dma_wait3A_126 : memref<128x128xbf16, #tpu.memory_space<hbm>>) dst(%arg13 : memref<128x128xbf16, #tpu.memory_space<vmem>>)
      %dma_wait3A_127 = arith.constant 0 : i32
      %dma_wait3A_128 = arith.constant 0 : i32
      %dma_wait3A_129 = tpu.memref_slice %arg6[%dma_wait3A_127, %dma_wait3A_128] : memref<10112x8xf32, #tpu.memory_space<hbm>> -> memref<128x8xf32, #tpu.memory_space<hbm>>
      %dma_wait3A_130 = arith.constant 0 : i32
      %dma_wait3A_131 = arith.constant 0 : i32
      %dma_wait3A_132 = tpu.memref_slice %arg6[%dma_wait3A_130, %dma_wait3A_131] : memref<10112x8xf32, #tpu.memory_space<hbm>> -> memref<128x8xf32, #tpu.memory_space<hbm>>
      tpu.wait_dma2 semaphore(%arg25 : memref<!tpu.dma_semaphore, #tpu.memory_space<semaphore_mem>>) src(%dma_wait3A_132 : memref<128x8xf32, #tpu.memory_space<hbm>>) dst(%arg17 : memref<128x8xf32, #tpu.memory_space<vmem>>)
      %dma_wait3A_133 = arith.constant 0 : i32
      %dma_wait3A_134 = arith.constant 0 : i32
      %dma_wait3A_135 = tpu.memref_slice %arg6[%dma_wait3A_133, %dma_wait3A_134] : memref<10112x8xf32, #tpu.memory_space<hbm>> -> memref<128x8xf32, #tpu.memory_space<hbm>>
      %dma_wait3A_136 = arith.constant 0 : i32
      %dma_wait3A_137 = arith.constant 0 : i32
      %dma_wait3A_138 = tpu.memref_slice %arg6[%dma_wait3A_136, %dma_wait3A_137] : memref<10112x8xf32, #tpu.memory_space<hbm>> -> memref<128x8xf32, #tpu.memory_space<hbm>>
      tpu.wait_dma2 semaphore(%arg27 : memref<!tpu.dma_semaphore, #tpu.memory_space<semaphore_mem>>) src(%dma_wait3A_138 : memref<128x8xf32, #tpu.memory_space<hbm>>) dst(%arg19 : memref<128x8xf32, #tpu.memory_space<vmem>>)
      %broadcast_in_dim3A = arith.constant -65536 : i32
      %broadcast_in_dim3A_139 = vector.broadcast %broadcast_in_dim3A : i32 to vector<16xi32>
      %scan3A = arith.constant 0 : i32
      %scan3A_140 = arith.constant 0 : i32
      %scan3A_141 = arith.constant 128 : i32
      %scan3A_142 = arith.addi %scan3A_140, %scan3A_141 : i32
      %scan3A_143 = arith.constant 1 : i32
      scf.for %scan3A_236 = %scan3A_140 to %scan3A_142 step %scan3A_143  : i32 {
        %get3A = arith.index_cast %scan3A_236 : i32 to index
        %get3A_237 = arith.constant 0 : index
        %get3A_238 = tpu.vector_load %arg11[%get3A, %get3A_237] {strides = array<i32>} : memref<128x128xbf16, #tpu.memory_space<vmem>>, vector<32xbf16>,
        %get3A_239 = arith.index_cast %scan3A_236 : i32 to index
        %get3A_240 = arith.constant 0 : index
        %get3A_241 = tpu.vector_load %arg13[%get3A_239, %get3A_240] {strides = array<i32>} : memref<128x128xbf16, #tpu.memory_space<vmem>>, vector<32xbf16>,
        %add3A_242 = arith.addf %get3A_238, %get3A_241 : vector<32xbf16>
        %bitcast3A = vector.bitcast %add3A_242 : vector<32xbf16> to vector<16xi32>
        %shift_left3A = arith.constant 16 : i32
        %shift_left3A_243 = vector.broadcast %shift_left3A : i32 to vector<16xi32>
        %shift_left3A_244 = arith.shli %bitcast3A, %shift_left3A_243 : vector<16xi32>
        %bitcast3A_245 = vector.bitcast %shift_left3A_244 : vector<16xi32> to vector<16xf32>
        %and3A_246 = arith.andi %bitcast3A, %broadcast_in_dim3A_139 : vector<16xi32>
        %bitcast3A_247 = vector.bitcast %and3A_246 : vector<16xi32> to vector<16xf32>
        %swap3A = arith.index_cast %scan3A_236 : i32 to index
        %swap3A_248 = arith.constant 0 : index
        %swap3A_249 = tpu.vector_load %arg15[%swap3A, %swap3A_248] {strides = array<i32>} : memref<128x128xf32, #tpu.memory_space<vmem>>, vector<16xf32>,
        tpu.vector_store %arg15[%swap3A, %swap3A_248], %bitcast3A_245 {strides = array<i32>} : memref<128x128xf32, #tpu.memory_space<vmem>>, vector<16xf32>,
        %swap3A_250 = arith.index_cast %scan3A_236 : i32 to index
        %swap3A_251 = arith.constant 16 : index
        %swap3A_252 = tpu.vector_load %arg15[%swap3A_250, %swap3A_251] {strides = array<i32>} : memref<128x128xf32, #tpu.memory_space<vmem>>, vector<16xf32>,
        tpu.vector_store %arg15[%swap3A_250, %swap3A_251], %bitcast3A_247 {strides = array<i32>} : memref<128x128xf32, #tpu.memory_space<vmem>>, vector<16xf32>,
        %get3A_253 = arith.index_cast %scan3A_236 : i32 to index
        %get3A_254 = arith.constant 32 : index
        %get3A_255 = tpu.vector_load %arg11[%get3A_253, %get3A_254] {strides = array<i32>} : memref<128x128xbf16, #tpu.memory_space<vmem>>, vector<32xbf16>,
        %get3A_256 = arith.index_cast %scan3A_236 : i32 to index
        %get3A_257 = arith.constant 32 : index
        %get3A_258 = tpu.vector_load %arg13[%get3A_256, %get3A_257] {strides = array<i32>} : memref<128x128xbf16, #tpu.memory_space<vmem>>, vector<32xbf16>,
        %add3A_259 = arith.addf %get3A_255, %get3A_258 : vector<32xbf16>
        %bitcast3A_260 = vector.bitcast %add3A_259 : vector<32xbf16> to vector<16xi32>
        %shift_left3A_261 = arith.constant 16 : i32
        %shift_left3A_262 = vector.broadcast %shift_left3A_261 : i32 to vector<16xi32>
        %shift_left3A_263 = arith.shli %bitcast3A_260, %shift_left3A_262 : vector<16xi32>
        %bitcast3A_264 = vector.bitcast %shift_left3A_263 : vector<16xi32> to vector<16xf32>
        %and3A_265 = arith.andi %bitcast3A_260, %broadcast_in_dim3A_139 : vector<16xi32>
        %bitcast3A_266 = vector.bitcast %and3A_265 : vector<16xi32> to vector<16xf32>
        %swap3A_267 = arith.index_cast %scan3A_236 : i32 to index
        %swap3A_268 = arith.constant 32 : index
        %swap3A_269 = tpu.vector_load %arg15[%swap3A_267, %swap3A_268] {strides = array<i32>} : memref<128x128xf32, #tpu.memory_space<vmem>>, vector<16xf32>,
        tpu.vector_store %arg15[%swap3A_267, %swap3A_268], %bitcast3A_264 {strides = array<i32>} : memref<128x128xf32, #tpu.memory_space<vmem>>, vector<16xf32>,
        %swap3A_270 = arith.index_cast %scan3A_236 : i32 to index
        %swap3A_271 = arith.constant 48 : index
        %swap3A_272 = tpu.vector_load %arg15[%swap3A_270, %swap3A_271] {strides = array<i32>} : memref<128x128xf32, #tpu.memory_space<vmem>>, vector<16xf32>,
        tpu.vector_store %arg15[%swap3A_270, %swap3A_271], %bitcast3A_266 {strides = array<i32>} : memref<128x128xf32, #tpu.memory_space<vmem>>, vector<16xf32>,
        %get3A_273 = arith.index_cast %scan3A_236 : i32 to index
        %get3A_274 = arith.constant 64 : index
        %get3A_275 = tpu.vector_load %arg11[%get3A_273, %get3A_274] {strides = array<i32>} : memref<128x128xbf16, #tpu.memory_space<vmem>>, vector<32xbf16>,
        %get3A_276 = arith.index_cast %scan3A_236 : i32 to index
        %get3A_277 = arith.constant 64 : index
        %get3A_278 = tpu.vector_load %arg13[%get3A_276, %get3A_277] {strides = array<i32>} : memref<128x128xbf16, #tpu.memory_space<vmem>>, vector<32xbf16>,
        %add3A_279 = arith.addf %get3A_275, %get3A_278 : vector<32xbf16>
        %bitcast3A_280 = vector.bitcast %add3A_279 : vector<32xbf16> to vector<16xi32>
        %shift_left3A_281 = arith.constant 16 : i32
        %shift_left3A_282 = vector.broadcast %shift_left3A_281 : i32 to vector<16xi32>
        %shift_left3A_283 = arith.shli %bitcast3A_280, %shift_left3A_282 : vector<16xi32>
        %bitcast3A_284 = vector.bitcast %shift_left3A_283 : vector<16xi32> to vector<16xf32>
        %and3A_285 = arith.andi %bitcast3A_280, %broadcast_in_dim3A_139 : vector<16xi32>
        %bitcast3A_286 = vector.bitcast %and3A_285 : vector<16xi32> to vector<16xf32>
        %swap3A_287 = arith.index_cast %scan3A_236 : i32 to index
        %swap3A_288 = arith.constant 64 : index
        %swap3A_289 = tpu.vector_load %arg15[%swap3A_287, %swap3A_288] {strides = array<i32>} : memref<128x128xf32, #tpu.memory_space<vmem>>, vector<16xf32>,
        tpu.vector_store %arg15[%swap3A_287, %swap3A_288], %bitcast3A_284 {strides = array<i32>} : memref<128x128xf32, #tpu.memory_space<vmem>>, vector<16xf32>,
        %swap3A_290 = arith.index_cast %scan3A_236 : i32 to index
        %swap3A_291 = arith.constant 80 : index
        %swap3A_292 = tpu.vector_load %arg15[%swap3A_290, %swap3A_291] {strides = array<i32>} : memref<128x128xf32, #tpu.memory_space<vmem>>, vector<16xf32>,
        tpu.vector_store %arg15[%swap3A_290, %swap3A_291], %bitcast3A_286 {strides = array<i32>} : memref<128x128xf32, #tpu.memory_space<vmem>>, vector<16xf32>,
        %get3A_293 = arith.index_cast %scan3A_236 : i32 to index
        %get3A_294 = arith.constant 96 : index
        %get3A_295 = tpu.vector_load %arg11[%get3A_293, %get3A_294] {strides = array<i32>} : memref<128x128xbf16, #tpu.memory_space<vmem>>, vector<32xbf16>,
        %get3A_296 = arith.index_cast %scan3A_236 : i32 to index
        %get3A_297 = arith.constant 96 : index
        %get3A_298 = tpu.vector_load %arg13[%get3A_296, %get3A_297] {strides = array<i32>} : memref<128x128xbf16, #tpu.memory_space<vmem>>, vector<32xbf16>,
        %add3A_299 = arith.addf %get3A_295, %get3A_298 : vector<32xbf16>
        %bitcast3A_300 = vector.bitcast %add3A_299 : vector<32xbf16> to vector<16xi32>
        %shift_left3A_301 = arith.constant 16 : i32
        %shift_left3A_302 = vector.broadcast %shift_left3A_301 : i32 to vector<16xi32>
        %shift_left3A_303 = arith.shli %bitcast3A_300, %shift_left3A_302 : vector<16xi32>
        %bitcast3A_304 = vector.bitcast %shift_left3A_303 : vector<16xi32> to vector<16xf32>
        %and3A_305 = arith.andi %bitcast3A_300, %broadcast_in_dim3A_139 : vector<16xi32>
        %bitcast3A_306 = vector.bitcast %and3A_305 : vector<16xi32> to vector<16xf32>
        %swap3A_307 = arith.index_cast %scan3A_236 : i32 to index
        %swap3A_308 = arith.constant 96 : index
        %swap3A_309 = tpu.vector_load %arg15[%swap3A_307, %swap3A_308] {strides = array<i32>} : memref<128x128xf32, #tpu.memory_space<vmem>>, vector<16xf32>,
        tpu.vector_store %arg15[%swap3A_307, %swap3A_308], %bitcast3A_304 {strides = array<i32>} : memref<128x128xf32, #tpu.memory_space<vmem>>, vector<16xf32>,
        %swap3A_310 = arith.index_cast %scan3A_236 : i32 to index
        %swap3A_311 = arith.constant 112 : index
        %swap3A_312 = tpu.vector_load %arg15[%swap3A_310, %swap3A_311] {strides = array<i32>} : memref<128x128xf32, #tpu.memory_space<vmem>>, vector<16xf32>,
        tpu.vector_store %arg15[%swap3A_310, %swap3A_311], %bitcast3A_306 {strides = array<i32>} : memref<128x128xf32, #tpu.memory_space<vmem>>, vector<16xf32>,
      }
      %scan3A_144 = arith.constant 128 : i32
      %mul3A_145 = arith.constant 128 : i32
      %mul3A_146 = arith.muli %add3A_86, %mul3A_145 : i32
      %add3A_147 = arith.addi %multiple_of3A, %mul3A_146 : i32
      %multiple_of3A_148 = tpu.assume_multiple %add3A_147, 8 : i32
      %dma_start3A_149 = arith.constant 0 : i32
      %dma_start3A_150 = tpu.memref_slice %arg7[%multiple_of3A_148, %dma_start3A_149] : memref<327680x128xf32, #tpu.memory_space<hbm>> -> memref<128x128xf32, #tpu.memory_space<hbm>>
      %dma_start3A_151 = arith.constant 0 : i32
      %dma_start3A_152 = tpu.memref_slice %arg7[%multiple_of3A_148, %dma_start3A_151] : memref<327680x128xf32, #tpu.memory_space<hbm>> -> memref<128x128xf32, #tpu.memory_space<hbm>>
      tpu.enqueue_dma source(%arg15 : memref<128x128xf32, #tpu.memory_space<vmem>>) target(%dma_start3A_152 : memref<128x128xf32, #tpu.memory_space<hbm>>) target_semaphore(%arg29 : memref<!tpu.dma_semaphore, #tpu.memory_space<semaphore_mem>>)
      %dma_start3A_153 = arith.constant 0 : i32
      %dma_start3A_154 = tpu.memref_slice %arg8[%multiple_of3A_148, %dma_start3A_153] : memref<327680x128xf32, #tpu.memory_space<hbm>> -> memref<128x8xf32, #tpu.memory_space<hbm>>
      %dma_start3A_155 = arith.constant 0 : i32
      %dma_start3A_156 = tpu.memref_slice %arg8[%multiple_of3A_148, %dma_start3A_155] : memref<327680x128xf32, #tpu.memory_space<hbm>> -> memref<128x8xf32, #tpu.memory_space<hbm>>
      tpu.enqueue_dma source(%arg17 : memref<128x8xf32, #tpu.memory_space<vmem>>) target(%dma_start3A_156 : memref<128x8xf32, #tpu.memory_space<hbm>>) target_semaphore(%arg31 : memref<!tpu.dma_semaphore, #tpu.memory_space<semaphore_mem>>)
      %dma_start3A_157 = arith.constant 8 : i32
      %dma_start3A_158 = tpu.memref_slice %arg8[%multiple_of3A_148, %dma_start3A_157] : memref<327680x128xf32, #tpu.memory_space<hbm>> -> memref<128x8xf32, #tpu.memory_space<hbm>>
      %dma_start3A_159 = arith.constant 8 : i32
      %dma_start3A_160 = tpu.memref_slice %arg8[%multiple_of3A_148, %dma_start3A_159] : memref<327680x128xf32, #tpu.memory_space<hbm>> -> memref<128x8xf32, #tpu.memory_space<hbm>>
      tpu.enqueue_dma source(%arg19 : memref<128x8xf32, #tpu.memory_space<vmem>>) target(%dma_start3A_160 : memref<128x8xf32, #tpu.memory_space<hbm>>) target_semaphore(%arg33 : memref<!tpu.dma_semaphore, #tpu.memory_space<semaphore_mem>>)
      %mul3A_161 = arith.constant 2 : i32
      %mul3A_162 = arith.muli %while3A_82, %mul3A_161 : i32
      %add3A_163 = arith.constant 1 : i32
      %add3A_164 = arith.addi %mul3A_162, %add3A_163 : i32
      %dma_wait3A_165 = arith.constant 0 : i32
      %dma_wait3A_166 = arith.constant 0 : i32
      %dma_wait3A_167 = tpu.memref_slice %arg7[%dma_wait3A_165, %dma_wait3A_166] : memref<327680x128xf32, #tpu.memory_space<hbm>> -> memref<128x128xf32, #tpu.memory_space<hbm>>
      %dma_wait3A_168 = arith.constant 0 : i32
      %dma_wait3A_169 = arith.constant 0 : i32
      %dma_wait3A_170 = tpu.memref_slice %arg7[%dma_wait3A_168, %dma_wait3A_169] : memref<327680x128xf32, #tpu.memory_space<hbm>> -> memref<128x128xf32, #tpu.memory_space<hbm>>
      tpu.wait_dma2 semaphore(%arg29 : memref<!tpu.dma_semaphore, #tpu.memory_space<semaphore_mem>>) src(%arg15 : memref<128x128xf32, #tpu.memory_space<vmem>>) dst(%dma_wait3A_170 : memref<128x128xf32, #tpu.memory_space<hbm>>)
      %dma_wait3A_171 = arith.constant 0 : i32
      %dma_wait3A_172 = arith.constant 0 : i32
      %dma_wait3A_173 = tpu.memref_slice %arg8[%dma_wait3A_171, %dma_wait3A_172] : memref<327680x128xf32, #tpu.memory_space<hbm>> -> memref<128x8xf32, #tpu.memory_space<hbm>>
      %dma_wait3A_174 = arith.constant 0 : i32
      %dma_wait3A_175 = arith.constant 0 : i32
      %dma_wait3A_176 = tpu.memref_slice %arg8[%dma_wait3A_174, %dma_wait3A_175] : memref<327680x128xf32, #tpu.memory_space<hbm>> -> memref<128x8xf32, #tpu.memory_space<hbm>>
      tpu.wait_dma2 semaphore(%arg31 : memref<!tpu.dma_semaphore, #tpu.memory_space<semaphore_mem>>) src(%arg17 : memref<128x8xf32, #tpu.memory_space<vmem>>) dst(%dma_wait3A_176 : memref<128x8xf32, #tpu.memory_space<hbm>>)
      %dma_wait3A_177 = arith.constant 0 : i32
      %dma_wait3A_178 = arith.constant 8 : i32
      %dma_wait3A_179 = tpu.memref_slice %arg8[%dma_wait3A_177, %dma_wait3A_178] : memref<327680x128xf32, #tpu.memory_space<hbm>> -> memref<128x8xf32, #tpu.memory_space<hbm>>
      %dma_wait3A_180 = arith.constant 0 : i32
      %dma_wait3A_181 = arith.constant 8 : i32
      %dma_wait3A_182 = tpu.memref_slice %arg8[%dma_wait3A_180, %dma_wait3A_181] : memref<327680x128xf32, #tpu.memory_space<hbm>> -> memref<128x8xf32, #tpu.memory_space<hbm>>
      tpu.wait_dma2 semaphore(%arg33 : memref<!tpu.dma_semaphore, #tpu.memory_space<semaphore_mem>>) src(%arg19 : memref<128x8xf32, #tpu.memory_space<vmem>>) dst(%dma_wait3A_182 : memref<128x8xf32, #tpu.memory_space<hbm>>)
      %sub3A_183 = arith.constant 1 : i32
      %sub3A_184 = arith.subi %select_n3A_55, %sub3A_183 : i32
      %lt3A = arith.cmpi slt, %while3A_82, %sub3A_184 : i32
      %convert_element_type3A_185 = arith.extui %lt3A : i1 to i32
      %cond3A_186 = arith.constant 0 : i32
      %cond3A_187 = arith.cmpi ne, %convert_element_type3A_185, %cond3A_186 : i32
      scf.if %cond3A_187 {
        %add3A_236 = arith.constant 1 : i32
        %add3A_237 = arith.addi %add3A_164, %add3A_236 : i32
        %dma_start3A_238 = arith.constant 0 : i32
        %dma_start3A_239 = tpu.memref_slice %arg10[%add3A_237, %dma_start3A_238] : memref<80x128xi32, #tpu.memory_space<vmem>> -> memref<1x128xi32, #tpu.memory_space<vmem>>
        %dma_start3A_240 = tpu.memref_squeeze %dma_start3A_239 : memref<1x128xi32, #tpu.memory_space<vmem>> -> memref<128xi32, #tpu.memory_space<vmem>>
        %dma_start3A_241 = arith.constant 0 : i32
        %dma_start3A_242 = arith.constant 0 : i32
        %dma_start3A_243 = tpu.memref_slice %arg2[%dma_start3A_241, %dma_start3A_242] : memref<10112x128xbf16, #tpu.memory_space<hbm>> -> memref<10112x128xbf16, #tpu.memory_space<hbm>>
        tpu.enqueue_indirect_dma source(%dma_start3A_243 : memref<10112x128xbf16, #tpu.memory_space<hbm>>) target(%arg11 : memref<128x128xbf16, #tpu.memory_space<vmem>>) offsets(%dma_start3A_240 : memref<128xi32, #tpu.memory_space<vmem>>) semaphore(%arg21 : memref<!tpu.dma_semaphore, #tpu.memory_space<semaphore_mem>>)
        %dma_start3A_244 = arith.constant 0 : i32
        %dma_start3A_245 = tpu.memref_slice %arg9[%add3A_237, %dma_start3A_244] : memref<80x128xi32, #tpu.memory_space<vmem>> -> memref<1x128xi32, #tpu.memory_space<vmem>>
        %dma_start3A_246 = tpu.memref_squeeze %dma_start3A_245 : memref<1x128xi32, #tpu.memory_space<vmem>> -> memref<128xi32, #tpu.memory_space<vmem>>
        %dma_start3A_247 = arith.constant 0 : i32
        %dma_start3A_248 = arith.constant 0 : i32
        %dma_start3A_249 = tpu.memref_slice %arg3[%dma_start3A_247, %dma_start3A_248] : memref<10112x128xbf16, #tpu.memory_space<hbm>> -> memref<10112x128xbf16, #tpu.memory_space<hbm>>
        tpu.enqueue_indirect_dma source(%dma_start3A_249 : memref<10112x128xbf16, #tpu.memory_space<hbm>>) target(%arg13 : memref<128x128xbf16, #tpu.memory_space<vmem>>) offsets(%dma_start3A_246 : memref<128xi32, #tpu.memory_space<vmem>>) semaphore(%arg23 : memref<!tpu.dma_semaphore, #tpu.memory_space<semaphore_mem>>)
        %dma_start3A_250 = arith.constant 0 : i32
        %dma_start3A_251 = tpu.memref_slice %arg9[%add3A_237, %dma_start3A_250] : memref<80x128xi32, #tpu.memory_space<vmem>> -> memref<1x128xi32, #tpu.memory_space<vmem>>
        %dma_start3A_252 = tpu.memref_squeeze %dma_start3A_251 : memref<1x128xi32, #tpu.memory_space<vmem>> -> memref<128xi32, #tpu.memory_space<vmem>>
        %dma_start3A_253 = arith.constant 0 : i32
        %dma_start3A_254 = arith.constant 0 : i32
        %dma_start3A_255 = tpu.memref_slice %arg6[%dma_start3A_253, %dma_start3A_254] : memref<10112x8xf32, #tpu.memory_space<hbm>> -> memref<10112x8xf32, #tpu.memory_space<hbm>>
        tpu.enqueue_indirect_dma source(%dma_start3A_255 : memref<10112x8xf32, #tpu.memory_space<hbm>>) target(%arg17 : memref<128x8xf32, #tpu.memory_space<vmem>>) offsets(%dma_start3A_252 : memref<128xi32, #tpu.memory_space<vmem>>) semaphore(%arg25 : memref<!tpu.dma_semaphore, #tpu.memory_space<semaphore_mem>>)
        %dma_start3A_256 = arith.constant 0 : i32
        %dma_start3A_257 = tpu.memref_slice %arg10[%add3A_237, %dma_start3A_256] : memref<80x128xi32, #tpu.memory_space<vmem>> -> memref<1x128xi32, #tpu.memory_space<vmem>>
        %dma_start3A_258 = tpu.memref_squeeze %dma_start3A_257 : memref<1x128xi32, #tpu.memory_space<vmem>> -> memref<128xi32, #tpu.memory_space<vmem>>
        %dma_start3A_259 = arith.constant 0 : i32
        %dma_start3A_260 = arith.constant 0 : i32
        %dma_start3A_261 = tpu.memref_slice %arg6[%dma_start3A_259, %dma_start3A_260] : memref<10112x8xf32, #tpu.memory_space<hbm>> -> memref<10112x8xf32, #tpu.memory_space<hbm>>
        tpu.enqueue_indirect_dma source(%dma_start3A_261 : memref<10112x8xf32, #tpu.memory_space<hbm>>) target(%arg19 : memref<128x8xf32, #tpu.memory_space<vmem>>) offsets(%dma_start3A_258 : memref<128xi32, #tpu.memory_space<vmem>>) semaphore(%arg27 : memref<!tpu.dma_semaphore, #tpu.memory_space<semaphore_mem>>)
      } else {
      }
      %dma_wait3A_188 = arith.constant 0 : i32
      %dma_wait3A_189 = arith.constant 0 : i32
      %dma_wait3A_190 = tpu.memref_slice %arg2[%dma_wait3A_188, %dma_wait3A_189] : memref<10112x128xbf16, #tpu.memory_space<hbm>> -> memref<128x128xbf16, #tpu.memory_space<hbm>>
      %dma_wait3A_191 = arith.constant 0 : i32
      %dma_wait3A_192 = arith.constant 0 : i32
      %dma_wait3A_193 = tpu.memref_slice %arg2[%dma_wait3A_191, %dma_wait3A_192] : memref<10112x128xbf16, #tpu.memory_space<hbm>> -> memref<128x128xbf16, #tpu.memory_space<hbm>>
      tpu.wait_dma2 semaphore(%arg22 : memref<!tpu.dma_semaphore, #tpu.memory_space<semaphore_mem>>) src(%dma_wait3A_193 : memref<128x128xbf16, #tpu.memory_space<hbm>>) dst(%arg12 : memref<128x128xbf16, #tpu.memory_space<vmem>>)
      %dma_wait3A_194 = arith.constant 0 : i32
      %dma_wait3A_195 = arith.constant 0 : i32
      %dma_wait3A_196 = tpu.memref_slice %arg3[%dma_wait3A_194, %dma_wait3A_195] : memref<10112x128xbf16, #tpu.memory_space<hbm>> -> memref<128x128xbf16, #tpu.memory_space<hbm>>
      %dma_wait3A_197 = arith.constant 0 : i32
      %dma_wait3A_198 = arith.constant 0 : i32
      %dma_wait3A_199 = tpu.memref_slice %arg3[%dma_wait3A_197, %dma_wait3A_198] : memref<10112x128xbf16, #tpu.memory_space<hbm>> -> memref<128x128xbf16, #tpu.memory_space<hbm>>
      tpu.wait_dma2 semaphore(%arg24 : memref<!tpu.dma_semaphore, #tpu.memory_space<semaphore_mem>>) src(%dma_wait3A_199 : memref<128x128xbf16, #tpu.memory_space<hbm>>) dst(%arg14 : memref<128x128xbf16, #tpu.memory_space<vmem>>)
      %dma_wait3A_200 = arith.constant 0 : i32
      %dma_wait3A_201 = arith.constant 0 : i32
      %dma_wait3A_202 = tpu.memref_slice %arg6[%dma_wait3A_200, %dma_wait3A_201] : memref<10112x8xf32, #tpu.memory_space<hbm>> -> memref<128x8xf32, #tpu.memory_space<hbm>>
      %dma_wait3A_203 = arith.constant 0 : i32
      %dma_wait3A_204 = arith.constant 0 : i32
      %dma_wait3A_205 = tpu.memref_slice %arg6[%dma_wait3A_203, %dma_wait3A_204] : memref<10112x8xf32, #tpu.memory_space<hbm>> -> memref<128x8xf32, #tpu.memory_space<hbm>>
      tpu.wait_dma2 semaphore(%arg26 : memref<!tpu.dma_semaphore, #tpu.memory_space<semaphore_mem>>) src(%dma_wait3A_205 : memref<128x8xf32, #tpu.memory_space<hbm>>) dst(%arg18 : memref<128x8xf32, #tpu.memory_space<vmem>>)
      %dma_wait3A_206 = arith.constant 0 : i32
      %dma_wait3A_207 = arith.constant 0 : i32
      %dma_wait3A_208 = tpu.memref_slice %arg6[%dma_wait3A_206, %dma_wait3A_207] : memref<10112x8xf32, #tpu.memory_space<hbm>> -> memref<128x8xf32, #tpu.memory_space<hbm>>
      %dma_wait3A_209 = arith.constant 0 : i32
      %dma_wait3A_210 = arith.constant 0 : i32
      %dma_wait3A_211 = tpu.memref_slice %arg6[%dma_wait3A_209, %dma_wait3A_210] : memref<10112x8xf32, #tpu.memory_space<hbm>> -> memref<128x8xf32, #tpu.memory_space<hbm>>
      tpu.wait_dma2 semaphore(%arg28 : memref<!tpu.dma_semaphore, #tpu.memory_space<semaphore_mem>>) src(%dma_wait3A_211 : memref<128x8xf32, #tpu.memory_space<hbm>>) dst(%arg20 : memref<128x8xf32, #tpu.memory_space<vmem>>)
      %broadcast_in_dim3A_212 = arith.constant -65536 : i32
      %broadcast_in_dim3A_213 = vector.broadcast %broadcast_in_dim3A_212 : i32 to vector<16xi32>
      %scan3A_214 = arith.constant 0 : i32
      %scan3A_215 = arith.constant 0 : i32
      %scan3A_216 = arith.constant 128 : i32
      %scan3A_217 = arith.addi %scan3A_215, %scan3A_216 : i32
      %scan3A_218 = arith.constant 1 : i32
      scf.for %scan3A_236 = %scan3A_215 to %scan3A_217 step %scan3A_218  : i32 {
        %get3A = arith.index_cast %scan3A_236 : i32 to index
        %get3A_237 = arith.constant 0 : index
        %get3A_238 = tpu.vector_load %arg12[%get3A, %get3A_237] {strides = array<i32>} : memref<128x128xbf16, #tpu.memory_space<vmem>>, vector<32xbf16>,
        %get3A_239 = arith.index_cast %scan3A_236 : i32 to index
        %get3A_240 = arith.constant 0 : index
        %get3A_241 = tpu.vector_load %arg14[%get3A_239, %get3A_240] {strides = array<i32>} : memref<128x128xbf16, #tpu.memory_space<vmem>>, vector<32xbf16>,
        %add3A_242 = arith.addf %get3A_238, %get3A_241 : vector<32xbf16>
        %bitcast3A = vector.bitcast %add3A_242 : vector<32xbf16> to vector<16xi32>
        %shift_left3A = arith.constant 16 : i32
        %shift_left3A_243 = vector.broadcast %shift_left3A : i32 to vector<16xi32>
        %shift_left3A_244 = arith.shli %bitcast3A, %shift_left3A_243 : vector<16xi32>
        %bitcast3A_245 = vector.bitcast %shift_left3A_244 : vector<16xi32> to vector<16xf32>
        %and3A_246 = arith.andi %bitcast3A, %broadcast_in_dim3A_213 : vector<16xi32>
        %bitcast3A_247 = vector.bitcast %and3A_246 : vector<16xi32> to vector<16xf32>
        %swap3A = arith.index_cast %scan3A_236 : i32 to index
        %swap3A_248 = arith.constant 0 : index
        %swap3A_249 = tpu.vector_load %arg16[%swap3A, %swap3A_248] {strides = array<i32>} : memref<128x128xf32, #tpu.memory_space<vmem>>, vector<16xf32>,
        tpu.vector_store %arg16[%swap3A, %swap3A_248], %bitcast3A_245 {strides = array<i32>} : memref<128x128xf32, #tpu.memory_space<vmem>>, vector<16xf32>,
        %swap3A_250 = arith.index_cast %scan3A_236 : i32 to index
        %swap3A_251 = arith.constant 16 : index
        %swap3A_252 = tpu.vector_load %arg16[%swap3A_250, %swap3A_251] {strides = array<i32>} : memref<128x128xf32, #tpu.memory_space<vmem>>, vector<16xf32>,
        tpu.vector_store %arg16[%swap3A_250, %swap3A_251], %bitcast3A_247 {strides = array<i32>} : memref<128x128xf32, #tpu.memory_space<vmem>>, vector<16xf32>,
        %get3A_253 = arith.index_cast %scan3A_236 : i32 to index
        %get3A_254 = arith.constant 32 : index
        %get3A_255 = tpu.vector_load %arg12[%get3A_253, %get3A_254] {strides = array<i32>} : memref<128x128xbf16, #tpu.memory_space<vmem>>, vector<32xbf16>,
        %get3A_256 = arith.index_cast %scan3A_236 : i32 to index
        %get3A_257 = arith.constant 32 : index
        %get3A_258 = tpu.vector_load %arg14[%get3A_256, %get3A_257] {strides = array<i32>} : memref<128x128xbf16, #tpu.memory_space<vmem>>, vector<32xbf16>,
        %add3A_259 = arith.addf %get3A_255, %get3A_258 : vector<32xbf16>
        %bitcast3A_260 = vector.bitcast %add3A_259 : vector<32xbf16> to vector<16xi32>
        %shift_left3A_261 = arith.constant 16 : i32
        %shift_left3A_262 = vector.broadcast %shift_left3A_261 : i32 to vector<16xi32>
        %shift_left3A_263 = arith.shli %bitcast3A_260, %shift_left3A_262 : vector<16xi32>
        %bitcast3A_264 = vector.bitcast %shift_left3A_263 : vector<16xi32> to vector<16xf32>
        %and3A_265 = arith.andi %bitcast3A_260, %broadcast_in_dim3A_213 : vector<16xi32>
        %bitcast3A_266 = vector.bitcast %and3A_265 : vector<16xi32> to vector<16xf32>
        %swap3A_267 = arith.index_cast %scan3A_236 : i32 to index
        %swap3A_268 = arith.constant 32 : index
        %swap3A_269 = tpu.vector_load %arg16[%swap3A_267, %swap3A_268] {strides = array<i32>} : memref<128x128xf32, #tpu.memory_space<vmem>>, vector<16xf32>,
        tpu.vector_store %arg16[%swap3A_267, %swap3A_268], %bitcast3A_264 {strides = array<i32>} : memref<128x128xf32, #tpu.memory_space<vmem>>, vector<16xf32>,
        %swap3A_270 = arith.index_cast %scan3A_236 : i32 to index
        %swap3A_271 = arith.constant 48 : index
        %swap3A_272 = tpu.vector_load %arg16[%swap3A_270, %swap3A_271] {strides = array<i32>} : memref<128x128xf32, #tpu.memory_space<vmem>>, vector<16xf32>,
        tpu.vector_store %arg16[%swap3A_270, %swap3A_271], %bitcast3A_266 {strides = array<i32>} : memref<128x128xf32, #tpu.memory_space<vmem>>, vector<16xf32>,
        %get3A_273 = arith.index_cast %scan3A_236 : i32 to index
        %get3A_274 = arith.constant 64 : index
        %get3A_275 = tpu.vector_load %arg12[%get3A_273, %get3A_274] {strides = array<i32>} : memref<128x128xbf16, #tpu.memory_space<vmem>>, vector<32xbf16>,
        %get3A_276 = arith.index_cast %scan3A_236 : i32 to index
        %get3A_277 = arith.constant 64 : index
        %get3A_278 = tpu.vector_load %arg14[%get3A_276, %get3A_277] {strides = array<i32>} : memref<128x128xbf16, #tpu.memory_space<vmem>>, vector<32xbf16>,
        %add3A_279 = arith.addf %get3A_275, %get3A_278 : vector<32xbf16>
        %bitcast3A_280 = vector.bitcast %add3A_279 : vector<32xbf16> to vector<16xi32>
        %shift_left3A_281 = arith.constant 16 : i32
        %shift_left3A_282 = vector.broadcast %shift_left3A_281 : i32 to vector<16xi32>
        %shift_left3A_283 = arith.shli %bitcast3A_280, %shift_left3A_282 : vector<16xi32>
        %bitcast3A_284 = vector.bitcast %shift_left3A_283 : vector<16xi32> to vector<16xf32>
        %and3A_285 = arith.andi %bitcast3A_280, %broadcast_in_dim3A_213 : vector<16xi32>
        %bitcast3A_286 = vector.bitcast %and3A_285 : vector<16xi32> to vector<16xf32>
        %swap3A_287 = arith.index_cast %scan3A_236 : i32 to index
        %swap3A_288 = arith.constant 64 : index
        %swap3A_289 = tpu.vector_load %arg16[%swap3A_287, %swap3A_288] {strides = array<i32>} : memref<128x128xf32, #tpu.memory_space<vmem>>, vector<16xf32>,
        tpu.vector_store %arg16[%swap3A_287, %swap3A_288], %bitcast3A_284 {strides = array<i32>} : memref<128x128xf32, #tpu.memory_space<vmem>>, vector<16xf32>,
        %swap3A_290 = arith.index_cast %scan3A_236 : i32 to index
        %swap3A_291 = arith.constant 80 : index
        %swap3A_292 = tpu.vector_load %arg16[%swap3A_290, %swap3A_291] {strides = array<i32>} : memref<128x128xf32, #tpu.memory_space<vmem>>, vector<16xf32>,
        tpu.vector_store %arg16[%swap3A_290, %swap3A_291], %bitcast3A_286 {strides = array<i32>} : memref<128x128xf32, #tpu.memory_space<vmem>>, vector<16xf32>,
        %get3A_293 = arith.index_cast %scan3A_236 : i32 to index
        %get3A_294 = arith.constant 96 : index
        %get3A_295 = tpu.vector_load %arg12[%get3A_293, %get3A_294] {strides = array<i32>} : memref<128x128xbf16, #tpu.memory_space<vmem>>, vector<32xbf16>,
        %get3A_296 = arith.index_cast %scan3A_236 : i32 to index
        %get3A_297 = arith.constant 96 : index
        %get3A_298 = tpu.vector_load %arg14[%get3A_296, %get3A_297] {strides = array<i32>} : memref<128x128xbf16, #tpu.memory_space<vmem>>, vector<32xbf16>,
        %add3A_299 = arith.addf %get3A_295, %get3A_298 : vector<32xbf16>
        %bitcast3A_300 = vector.bitcast %add3A_299 : vector<32xbf16> to vector<16xi32>
        %shift_left3A_301 = arith.constant 16 : i32
        %shift_left3A_302 = vector.broadcast %shift_left3A_301 : i32 to vector<16xi32>
        %shift_left3A_303 = arith.shli %bitcast3A_300, %shift_left3A_302 : vector<16xi32>
        %bitcast3A_304 = vector.bitcast %shift_left3A_303 : vector<16xi32> to vector<16xf32>
        %and3A_305 = arith.andi %bitcast3A_300, %broadcast_in_dim3A_213 : vector<16xi32>
        %bitcast3A_306 = vector.bitcast %and3A_305 : vector<16xi32> to vector<16xf32>
        %swap3A_307 = arith.index_cast %scan3A_236 : i32 to index
        %swap3A_308 = arith.constant 96 : index
        %swap3A_309 = tpu.vector_load %arg16[%swap3A_307, %swap3A_308] {strides = array<i32>} : memref<128x128xf32, #tpu.memory_space<vmem>>, vector<16xf32>,
        tpu.vector_store %arg16[%swap3A_307, %swap3A_308], %bitcast3A_304 {strides = array<i32>} : memref<128x128xf32, #tpu.memory_space<vmem>>, vector<16xf32>,
        %swap3A_310 = arith.index_cast %scan3A_236 : i32 to index
        %swap3A_311 = arith.constant 112 : index
        %swap3A_312 = tpu.vector_load %arg16[%swap3A_310, %swap3A_311] {strides = array<i32>} : memref<128x128xf32, #tpu.memory_space<vmem>>, vector<16xf32>,
        tpu.vector_store %arg16[%swap3A_310, %swap3A_311], %bitcast3A_306 {strides = array<i32>} : memref<128x128xf32, #tpu.memory_space<vmem>>, vector<16xf32>,
      }
      %scan3A_219 = arith.constant 128 : i32
      %mul3A_220 = arith.constant 128 : i32
      %mul3A_221 = arith.muli %add3A_164, %mul3A_220 : i32
      %add3A_222 = arith.addi %multiple_of3A, %mul3A_221 : i32
      %multiple_of3A_223 = tpu.assume_multiple %add3A_222, 8 : i32
      %dma_start3A_224 = arith.constant 0 : i32
      %dma_start3A_225 = tpu.memref_slice %arg7[%multiple_of3A_223, %dma_start3A_224] : memref<327680x128xf32, #tpu.memory_space<hbm>> -> memref<128x128xf32, #tpu.memory_space<hbm>>
      %dma_start3A_226 = arith.constant 0 : i32
      %dma_start3A_227 = tpu.memref_slice %arg7[%multiple_of3A_223, %dma_start3A_226] : memref<327680x128xf32, #tpu.memory_space<hbm>> -> memref<128x128xf32, #tpu.memory_space<hbm>>
      tpu.enqueue_dma source(%arg16 : memref<128x128xf32, #tpu.memory_space<vmem>>) target(%dma_start3A_227 : memref<128x128xf32, #tpu.memory_space<hbm>>) target_semaphore(%arg30 : memref<!tpu.dma_semaphore, #tpu.memory_space<semaphore_mem>>)
      %dma_start3A_228 = arith.constant 0 : i32
      %dma_start3A_229 = tpu.memref_slice %arg8[%multiple_of3A_223, %dma_start3A_228] : memref<327680x128xf32, #tpu.memory_space<hbm>> -> memref<128x8xf32, #tpu.memory_space<hbm>>
      %dma_start3A_230 = arith.constant 0 : i32
      %dma_start3A_231 = tpu.memref_slice %arg8[%multiple_of3A_223, %dma_start3A_230] : memref<327680x128xf32, #tpu.memory_space<hbm>> -> memref<128x8xf32, #tpu.memory_space<hbm>>
      tpu.enqueue_dma source(%arg18 : memref<128x8xf32, #tpu.memory_space<vmem>>) target(%dma_start3A_231 : memref<128x8xf32, #tpu.memory_space<hbm>>) target_semaphore(%arg32 : memref<!tpu.dma_semaphore, #tpu.memory_space<semaphore_mem>>)
      %dma_start3A_232 = arith.constant 8 : i32
      %dma_start3A_233 = tpu.memref_slice %arg8[%multiple_of3A_223, %dma_start3A_232] : memref<327680x128xf32, #tpu.memory_space<hbm>> -> memref<128x8xf32, #tpu.memory_space<hbm>>
      %dma_start3A_234 = arith.constant 8 : i32
      %dma_start3A_235 = tpu.memref_slice %arg8[%multiple_of3A_223, %dma_start3A_234] : memref<327680x128xf32, #tpu.memory_space<hbm>> -> memref<128x8xf32, #tpu.memory_space<hbm>>
      tpu.enqueue_dma source(%arg20 : memref<128x8xf32, #tpu.memory_space<vmem>>) target(%dma_start3A_235 : memref<128x8xf32, #tpu.memory_space<hbm>>) target_semaphore(%arg34 : memref<!tpu.dma_semaphore, #tpu.memory_space<semaphore_mem>>)
    }
    %while3A_64 = arith.constant 1 : i32
    scf.for %while3A_82 = %while3A_62 to %while3A_58 step %while3A_64  : i32 {
      %mul3A_83 = arith.constant 2 : i32
      %mul3A_84 = arith.muli %while3A_82, %mul3A_83 : i32
      %add3A_85 = arith.constant 0 : i32
      %add3A_86 = arith.addi %mul3A_84, %add3A_85 : i32
      %gt3A = arith.constant 0 : i32
      %gt3A_87 = arith.cmpi sgt, %while3A_82, %gt3A : i32
      %convert_element_type3A = arith.extui %gt3A_87 : i1 to i32
      %cond3A = arith.constant 0 : i32
      %cond3A_88 = arith.cmpi ne, %convert_element_type3A, %cond3A : i32
      scf.if %cond3A_88 {
        %dma_wait3A_236 = arith.constant 0 : i32
        %dma_wait3A_237 = arith.constant 0 : i32
        %dma_wait3A_238 = tpu.memref_slice %arg7[%dma_wait3A_236, %dma_wait3A_237] : memref<327680x128xf32, #tpu.memory_space<hbm>> -> memref<128x128xf32, #tpu.memory_space<hbm>>
        %dma_wait3A_239 = arith.constant 0 : i32
        %dma_wait3A_240 = arith.constant 0 : i32
        %dma_wait3A_241 = tpu.memref_slice %arg7[%dma_wait3A_239, %dma_wait3A_240] : memref<327680x128xf32, #tpu.memory_space<hbm>> -> memref<128x128xf32, #tpu.memory_space<hbm>>
        tpu.wait_dma2 semaphore(%arg30 : memref<!tpu.dma_semaphore, #tpu.memory_space<semaphore_mem>>) src(%arg16 : memref<128x128xf32, #tpu.memory_space<vmem>>) dst(%dma_wait3A_241 : memref<128x128xf32, #tpu.memory_space<hbm>>)
        %dma_wait3A_242 = arith.constant 0 : i32
        %dma_wait3A_243 = arith.constant 0 : i32
        %dma_wait3A_244 = tpu.memref_slice %arg8[%dma_wait3A_242, %dma_wait3A_243] : memref<327680x128xf32, #tpu.memory_space<hbm>> -> memref<128x8xf32, #tpu.memory_space<hbm>>
        %dma_wait3A_245 = arith.constant 0 : i32
        %dma_wait3A_246 = arith.constant 0 : i32
        %dma_wait3A_247 = tpu.memref_slice %arg8[%dma_wait3A_245, %dma_wait3A_246] : memref<327680x128xf32, #tpu.memory_space<hbm>> -> memref<128x8xf32, #tpu.memory_space<hbm>>
        tpu.wait_dma2 semaphore(%arg32 : memref<!tpu.dma_semaphore, #tpu.memory_space<semaphore_mem>>) src(%arg18 : memref<128x8xf32, #tpu.memory_space<vmem>>) dst(%dma_wait3A_247 : memref<128x8xf32, #tpu.memory_space<hbm>>)
        %dma_wait3A_248 = arith.constant 0 : i32
        %dma_wait3A_249 = arith.constant 8 : i32
        %dma_wait3A_250 = tpu.memref_slice %arg8[%dma_wait3A_248, %dma_wait3A_249] : memref<327680x128xf32, #tpu.memory_space<hbm>> -> memref<128x8xf32, #tpu.memory_space<hbm>>
        %dma_wait3A_251 = arith.constant 0 : i32
        %dma_wait3A_252 = arith.constant 8 : i32
        %dma_wait3A_253 = tpu.memref_slice %arg8[%dma_wait3A_251, %dma_wait3A_252] : memref<327680x128xf32, #tpu.memory_space<hbm>> -> memref<128x8xf32, #tpu.memory_space<hbm>>
        tpu.wait_dma2 semaphore(%arg34 : memref<!tpu.dma_semaphore, #tpu.memory_space<semaphore_mem>>) src(%arg20 : memref<128x8xf32, #tpu.memory_space<vmem>>) dst(%dma_wait3A_253 : memref<128x8xf32, #tpu.memory_space<hbm>>)
      } else {
      }
      %add3A_89 = arith.constant 1 : i32
      %add3A_90 = arith.addi %add3A_86, %add3A_89 : i32
      %dma_start3A_91 = arith.constant 0 : i32
      %dma_start3A_92 = tpu.memref_slice %arg10[%add3A_90, %dma_start3A_91] : memref<80x128xi32, #tpu.memory_space<vmem>> -> memref<1x128xi32, #tpu.memory_space<vmem>>
      %dma_start3A_93 = tpu.memref_squeeze %dma_start3A_92 : memref<1x128xi32, #tpu.memory_space<vmem>> -> memref<128xi32, #tpu.memory_space<vmem>>
      %dma_start3A_94 = arith.constant 0 : i32
      %dma_start3A_95 = arith.constant 0 : i32
      %dma_start3A_96 = tpu.memref_slice %arg2[%dma_start3A_94, %dma_start3A_95] : memref<10112x128xbf16, #tpu.memory_space<hbm>> -> memref<10112x128xbf16, #tpu.memory_space<hbm>>
      tpu.enqueue_indirect_dma source(%dma_start3A_96 : memref<10112x128xbf16, #tpu.memory_space<hbm>>) target(%arg12 : memref<128x128xbf16, #tpu.memory_space<vmem>>) offsets(%dma_start3A_93 : memref<128xi32, #tpu.memory_space<vmem>>) semaphore(%arg22 : memref<!tpu.dma_semaphore, #tpu.memory_space<semaphore_mem>>)
      %dma_start3A_97 = arith.constant 0 : i32
      %dma_start3A_98 = tpu.memref_slice %arg9[%add3A_90, %dma_start3A_97] : memref<80x128xi32, #tpu.memory_space<vmem>> -> memref<1x128xi32, #tpu.memory_space<vmem>>
      %dma_start3A_99 = tpu.memref_squeeze %dma_start3A_98 : memref<1x128xi32, #tpu.memory_space<vmem>> -> memref<128xi32, #tpu.memory_space<vmem>>
      %dma_start3A_100 = arith.constant 0 : i32
      %dma_start3A_101 = arith.constant 0 : i32
      %dma_start3A_102 = tpu.memref_slice %arg3[%dma_start3A_100, %dma_start3A_101] : memref<10112x128xbf16, #tpu.memory_space<hbm>> -> memref<10112x128xbf16, #tpu.memory_space<hbm>>
      tpu.enqueue_indirect_dma source(%dma_start3A_102 : memref<10112x128xbf16, #tpu.memory_space<hbm>>) target(%arg14 : memref<128x128xbf16, #tpu.memory_space<vmem>>) offsets(%dma_start3A_99 : memref<128xi32, #tpu.memory_space<vmem>>) semaphore(%arg24 : memref<!tpu.dma_semaphore, #tpu.memory_space<semaphore_mem>>)
      %dma_start3A_103 = arith.constant 0 : i32
      %dma_start3A_104 = tpu.memref_slice %arg9[%add3A_90, %dma_start3A_103] : memref<80x128xi32, #tpu.memory_space<vmem>> -> memref<1x128xi32, #tpu.memory_space<vmem>>
      %dma_start3A_105 = tpu.memref_squeeze %dma_start3A_104 : memref<1x128xi32, #tpu.memory_space<vmem>> -> memref<128xi32, #tpu.memory_space<vmem>>
      %dma_start3A_106 = arith.constant 0 : i32
      %dma_start3A_107 = arith.constant 0 : i32
      %dma_start3A_108 = tpu.memref_slice %arg6[%dma_start3A_106, %dma_start3A_107] : memref<10112x8xf32, #tpu.memory_space<hbm>> -> memref<10112x8xf32, #tpu.memory_space<hbm>>
      tpu.enqueue_indirect_dma source(%dma_start3A_108 : memref<10112x8xf32, #tpu.memory_space<hbm>>) target(%arg18 : memref<128x8xf32, #tpu.memory_space<vmem>>) offsets(%dma_start3A_105 : memref<128xi32, #tpu.memory_space<vmem>>) semaphore(%arg26 : memref<!tpu.dma_semaphore, #tpu.memory_space<semaphore_mem>>)
      %dma_start3A_109 = arith.constant 0 : i32
      %dma_start3A_110 = tpu.memref_slice %arg10[%add3A_90, %dma_start3A_109] : memref<80x128xi32, #tpu.memory_space<vmem>> -> memref<1x128xi32, #tpu.memory_space<vmem>>
      %dma_start3A_111 = tpu.memref_squeeze %dma_start3A_110 : memref<1x128xi32, #tpu.memory_space<vmem>> -> memref<128xi32, #tpu.memory_space<vmem>>
      %dma_start3A_112 = arith.constant 0 : i32
      %dma_start3A_113 = arith.constant 0 : i32
      %dma_start3A_114 = tpu.memref_slice %arg6[%dma_start3A_112, %dma_start3A_113] : memref<10112x8xf32, #tpu.memory_space<hbm>> -> memref<10112x8xf32, #tpu.memory_space<hbm>>
      tpu.enqueue_indirect_dma source(%dma_start3A_114 : memref<10112x8xf32, #tpu.memory_space<hbm>>) target(%arg20 : memref<128x8xf32, #tpu.memory_space<vmem>>) offsets(%dma_start3A_111 : memref<128xi32, #tpu.memory_space<vmem>>) semaphore(%arg28 : memref<!tpu.dma_semaphore, #tpu.memory_space<semaphore_mem>>)
      %dma_wait3A_115 = arith.constant 0 : i32
      %dma_wait3A_116 = arith.constant 0 : i32
      %dma_wait3A_117 = tpu.memref_slice %arg2[%dma_wait3A_115, %dma_wait3A_116] : memref<10112x128xbf16, #tpu.memory_space<hbm>> -> memref<128x128xbf16, #tpu.memory_space<hbm>>
      %dma_wait3A_118 = arith.constant 0 : i32
      %dma_wait3A_119 = arith.constant 0 : i32
      %dma_wait3A_120 = tpu.memref_slice %arg2[%dma_wait3A_118, %dma_wait3A_119] : memref<10112x128xbf16, #tpu.memory_space<hbm>> -> memref<128x128xbf16, #tpu.memory_space<hbm>>
      tpu.wait_dma2 semaphore(%arg21 : memref<!tpu.dma_semaphore, #tpu.memory_space<semaphore_mem>>) src(%dma_wait3A_120 : memref<128x128xbf16, #tpu.memory_space<hbm>>) dst(%arg11 : memref<128x128xbf16, #tpu.memory_space<vmem>>)
      %dma_wait3A_121 = arith.constant 0 : i32
      %dma_wait3A_122 = arith.constant 0 : i32
      %dma_wait3A_123 = tpu.memref_slice %arg3[%dma_wait3A_121, %dma_wait3A_122] : memref<10112x128xbf16, #tpu.memory_space<hbm>> -> memref<128x128xbf16, #tpu.memory_space<hbm>>
      %dma_wait3A_124 = arith.constant 0 : i32
      %dma_wait3A_125 = arith.constant 0 : i32
      %dma_wait3A_126 = tpu.memref_slice %arg3[%dma_wait3A_124, %dma_wait3A_125] : memref<10112x128xbf16, #tpu.memory_space<hbm>> -> memref<128x128xbf16, #tpu.memory_space<hbm>>
      tpu.wait_dma2 semaphore(%arg23 : memref<!tpu.dma_semaphore, #tpu.memory_space<semaphore_mem>>) src(%dma_wait3A_126 : memref<128x128xbf16, #tpu.memory_space<hbm>>) dst(%arg13 : memref<128x128xbf16, #tpu.memory_space<vmem>>)
      %dma_wait3A_127 = arith.constant 0 : i32
      %dma_wait3A_128 = arith.constant 0 : i32
      %dma_wait3A_129 = tpu.memref_slice %arg6[%dma_wait3A_127, %dma_wait3A_128] : memref<10112x8xf32, #tpu.memory_space<hbm>> -> memref<128x8xf32, #tpu.memory_space<hbm>>
      %dma_wait3A_130 = arith.constant 0 : i32
      %dma_wait3A_131 = arith.constant 0 : i32
      %dma_wait3A_132 = tpu.memref_slice %arg6[%dma_wait3A_130, %dma_wait3A_131] : memref<10112x8xf32, #tpu.memory_space<hbm>> -> memref<128x8xf32, #tpu.memory_space<hbm>>
      tpu.wait_dma2 semaphore(%arg25 : memref<!tpu.dma_semaphore, #tpu.memory_space<semaphore_mem>>) src(%dma_wait3A_132 : memref<128x8xf32, #tpu.memory_space<hbm>>) dst(%arg17 : memref<128x8xf32, #tpu.memory_space<vmem>>)
      %dma_wait3A_133 = arith.constant 0 : i32
      %dma_wait3A_134 = arith.constant 0 : i32
      %dma_wait3A_135 = tpu.memref_slice %arg6[%dma_wait3A_133, %dma_wait3A_134] : memref<10112x8xf32, #tpu.memory_space<hbm>> -> memref<128x8xf32, #tpu.memory_space<hbm>>
      %dma_wait3A_136 = arith.constant 0 : i32
      %dma_wait3A_137 = arith.constant 0 : i32
      %dma_wait3A_138 = tpu.memref_slice %arg6[%dma_wait3A_136, %dma_wait3A_137] : memref<10112x8xf32, #tpu.memory_space<hbm>> -> memref<128x8xf32, #tpu.memory_space<hbm>>
      tpu.wait_dma2 semaphore(%arg27 : memref<!tpu.dma_semaphore, #tpu.memory_space<semaphore_mem>>) src(%dma_wait3A_138 : memref<128x8xf32, #tpu.memory_space<hbm>>) dst(%arg19 : memref<128x8xf32, #tpu.memory_space<vmem>>)
      %broadcast_in_dim3A = arith.constant -65536 : i32
      %broadcast_in_dim3A_139 = vector.broadcast %broadcast_in_dim3A : i32 to vector<16xi32>
      %scan3A = arith.constant 0 : i32
      %scan3A_140 = arith.constant 0 : i32
      %scan3A_141 = arith.constant 128 : i32
      %scan3A_142 = arith.addi %scan3A_140, %scan3A_141 : i32
      %scan3A_143 = arith.constant 1 : i32
      scf.for %scan3A_236 = %scan3A_140 to %scan3A_142 step %scan3A_143  : i32 {
        %get3A = arith.index_cast %scan3A_236 : i32 to index
        %get3A_237 = arith.constant 0 : index
        %get3A_238 = tpu.vector_load %arg11[%get3A, %get3A_237] {strides = array<i32>} : memref<128x128xbf16, #tpu.memory_space<vmem>>, vector<32xbf16>,
        %get3A_239 = arith.index_cast %scan3A_236 : i32 to index
        %get3A_240 = arith.constant 0 : index
        %get3A_241 = tpu.vector_load %arg13[%get3A_239, %get3A_240] {strides = array<i32>} : memref<128x128xbf16, #tpu.memory_space<vmem>>, vector<32xbf16>,
        %add3A_242 = arith.addf %get3A_238, %get3A_241 : vector<32xbf16>
        %bitcast3A = vector.bitcast %add3A_242 : vector<32xbf16> to vector<16xi32>
        %shift_left3A = arith.constant 16 : i32
        %shift_left3A_243 = vector.broadcast %shift_left3A : i32 to vector<16xi32>
        %shift_left3A_244 = arith.shli %bitcast3A, %shift_left3A_243 : vector<16xi32>
        %bitcast3A_245 = vector.bitcast %shift_left3A_244 : vector<16xi32> to vector<16xf32>
        %and3A_246 = arith.andi %bitcast3A, %broadcast_in_dim3A_139 : vector<16xi32>
        %bitcast3A_247 = vector.bitcast %and3A_246 : vector<16xi32> to vector<16xf32>
        %swap3A = arith.index_cast %scan3A_236 : i32 to index
        %swap3A_248 = arith.constant 0 : index
        %swap3A_249 = tpu.vector_load %arg15[%swap3A, %swap3A_248] {strides = array<i32>} : memref<128x128xf32, #tpu.memory_space<vmem>>, vector<16xf32>,
        tpu.vector_store %arg15[%swap3A, %swap3A_248], %bitcast3A_245 {strides = array<i32>} : memref<128x128xf32, #tpu.memory_space<vmem>>, vector<16xf32>,
        %swap3A_250 = arith.index_cast %scan3A_236 : i32 to index
        %swap3A_251 = arith.constant 16 : index
        %swap3A_252 = tpu.vector_load %arg15[%swap3A_250, %swap3A_251] {strides = array<i32>} : memref<128x128xf32, #tpu.memory_space<vmem>>, vector<16xf32>,
        tpu.vector_store %arg15[%swap3A_250, %swap3A_251], %bitcast3A_247 {strides = array<i32>} : memref<128x128xf32, #tpu.memory_space<vmem>>, vector<16xf32>,
        %get3A_253 = arith.index_cast %scan3A_236 : i32 to index
        %get3A_254 = arith.constant 32 : index
        %get3A_255 = tpu.vector_load %arg11[%get3A_253, %get3A_254] {strides = array<i32>} : memref<128x128xbf16, #tpu.memory_space<vmem>>, vector<32xbf16>,
        %get3A_256 = arith.index_cast %scan3A_236 : i32 to index
        %get3A_257 = arith.constant 32 : index
        %get3A_258 = tpu.vector_load %arg13[%get3A_256, %get3A_257] {strides = array<i32>} : memref<128x128xbf16, #tpu.memory_space<vmem>>, vector<32xbf16>,
        %add3A_259 = arith.addf %get3A_255, %get3A_258 : vector<32xbf16>
        %bitcast3A_260 = vector.bitcast %add3A_259 : vector<32xbf16> to vector<16xi32>
        %shift_left3A_261 = arith.constant 16 : i32
        %shift_left3A_262 = vector.broadcast %shift_left3A_261 : i32 to vector<16xi32>
        %shift_left3A_263 = arith.shli %bitcast3A_260, %shift_left3A_262 : vector<16xi32>
        %bitcast3A_264 = vector.bitcast %shift_left3A_263 : vector<16xi32> to vector<16xf32>
        %and3A_265 = arith.andi %bitcast3A_260, %broadcast_in_dim3A_139 : vector<16xi32>
        %bitcast3A_266 = vector.bitcast %and3A_265 : vector<16xi32> to vector<16xf32>
        %swap3A_267 = arith.index_cast %scan3A_236 : i32 to index
        %swap3A_268 = arith.constant 32 : index
        %swap3A_269 = tpu.vector_load %arg15[%swap3A_267, %swap3A_268] {strides = array<i32>} : memref<128x128xf32, #tpu.memory_space<vmem>>, vector<16xf32>,
        tpu.vector_store %arg15[%swap3A_267, %swap3A_268], %bitcast3A_264 {strides = array<i32>} : memref<128x128xf32, #tpu.memory_space<vmem>>, vector<16xf32>,
        %swap3A_270 = arith.index_cast %scan3A_236 : i32 to index
        %swap3A_271 = arith.constant 48 : index
        %swap3A_272 = tpu.vector_load %arg15[%swap3A_270, %swap3A_271] {strides = array<i32>} : memref<128x128xf32, #tpu.memory_space<vmem>>, vector<16xf32>,
        tpu.vector_store %arg15[%swap3A_270, %swap3A_271], %bitcast3A_266 {strides = array<i32>} : memref<128x128xf32, #tpu.memory_space<vmem>>, vector<16xf32>,
        %get3A_273 = arith.index_cast %scan3A_236 : i32 to index
        %get3A_274 = arith.constant 64 : index
        %get3A_275 = tpu.vector_load %arg11[%get3A_273, %get3A_274] {strides = array<i32>} : memref<128x128xbf16, #tpu.memory_space<vmem>>, vector<32xbf16>,
        %get3A_276 = arith.index_cast %scan3A_236 : i32 to index
        %get3A_277 = arith.constant 64 : index
        %get3A_278 = tpu.vector_load %arg13[%get3A_276, %get3A_277] {strides = array<i32>} : memref<128x128xbf16, #tpu.memory_space<vmem>>, vector<32xbf16>,
        %add3A_279 = arith.addf %get3A_275, %get3A_278 : vector<32xbf16>
        %bitcast3A_280 = vector.bitcast %add3A_279 : vector<32xbf16> to vector<16xi32>
        %shift_left3A_281 = arith.constant 16 : i32
        %shift_left3A_282 = vector.broadcast %shift_left3A_281 : i32 to vector<16xi32>
        %shift_left3A_283 = arith.shli %bitcast3A_280, %shift_left3A_282 : vector<16xi32>
        %bitcast3A_284 = vector.bitcast %shift_left3A_283 : vector<16xi32> to vector<16xf32>
        %and3A_285 = arith.andi %bitcast3A_280, %broadcast_in_dim3A_139 : vector<16xi32>
        %bitcast3A_286 = vector.bitcast %and3A_285 : vector<16xi32> to vector<16xf32>
        %swap3A_287 = arith.index_cast %scan3A_236 : i32 to index
        %swap3A_288 = arith.constant 64 : index
        %swap3A_289 = tpu.vector_load %arg15[%swap3A_287, %swap3A_288] {strides = array<i32>} : memref<128x128xf32, #tpu.memory_space<vmem>>, vector<16xf32>,
        tpu.vector_store %arg15[%swap3A_287, %swap3A_288], %bitcast3A_284 {strides = array<i32>} : memref<128x128xf32, #tpu.memory_space<vmem>>, vector<16xf32>,
        %swap3A_290 = arith.index_cast %scan3A_236 : i32 to index
        %swap3A_291 = arith.constant 80 : index
        %swap3A_292 = tpu.vector_load %arg15[%swap3A_290, %swap3A_291] {strides = array<i32>} : memref<128x128xf32, #tpu.memory_space<vmem>>, vector<16xf32>,
        tpu.vector_store %arg15[%swap3A_290, %swap3A_291], %bitcast3A_286 {strides = array<i32>} : memref<128x128xf32, #tpu.memory_space<vmem>>, vector<16xf32>,
        %get3A_293 = arith.index_cast %scan3A_236 : i32 to index
        %get3A_294 = arith.constant 96 : index
        %get3A_295 = tpu.vector_load %arg11[%get3A_293, %get3A_294] {strides = array<i32>} : memref<128x128xbf16, #tpu.memory_space<vmem>>, vector<32xbf16>,
        %get3A_296 = arith.index_cast %scan3A_236 : i32 to index
        %get3A_297 = arith.constant 96 : index
        %get3A_298 = tpu.vector_load %arg13[%get3A_296, %get3A_297] {strides = array<i32>} : memref<128x128xbf16, #tpu.memory_space<vmem>>, vector<32xbf16>,
        %add3A_299 = arith.addf %get3A_295, %get3A_298 : vector<32xbf16>
        %bitcast3A_300 = vector.bitcast %add3A_299 : vector<32xbf16> to vector<16xi32>
        %shift_left3A_301 = arith.constant 16 : i32
        %shift_left3A_302 = vector.broadcast %shift_left3A_301 : i32 to vector<16xi32>
        %shift_left3A_303 = arith.shli %bitcast3A_300, %shift_left3A_302 : vector<16xi32>
        %bitcast3A_304 = vector.bitcast %shift_left3A_303 : vector<16xi32> to vector<16xf32>
        %and3A_305 = arith.andi %bitcast3A_300, %broadcast_in_dim3A_139 : vector<16xi32>
        %bitcast3A_306 = vector.bitcast %and3A_305 : vector<16xi32> to vector<16xf32>
        %swap3A_307 = arith.index_cast %scan3A_236 : i32 to index
        %swap3A_308 = arith.constant 96 : index
        %swap3A_309 = tpu.vector_load %arg15[%swap3A_307, %swap3A_308] {strides = array<i32>} : memref<128x128xf32, #tpu.memory_space<vmem>>, vector<16xf32>,
        tpu.vector_store %arg15[%swap3A_307, %swap3A_308], %bitcast3A_304 {strides = array<i32>} : memref<128x128xf32, #tpu.memory_space<vmem>>, vector<16xf32>,
        %swap3A_310 = arith.index_cast %scan3A_236 : i32 to index
        %swap3A_311 = arith.constant 112 : index
        %swap3A_312 = tpu.vector_load %arg15[%swap3A_310, %swap3A_311] {strides = array<i32>} : memref<128x128xf32, #tpu.memory_space<vmem>>, vector<16xf32>,
        tpu.vector_store %arg15[%swap3A_310, %swap3A_311], %bitcast3A_306 {strides = array<i32>} : memref<128x128xf32, #tpu.memory_space<vmem>>, vector<16xf32>,
      }
      %scan3A_144 = arith.constant 128 : i32
      %mul3A_145 = arith.constant 128 : i32
      %mul3A_146 = arith.muli %add3A_86, %mul3A_145 : i32
      %add3A_147 = arith.addi %multiple_of3A, %mul3A_146 : i32
      %multiple_of3A_148 = tpu.assume_multiple %add3A_147, 8 : i32
      %dma_start3A_149 = arith.constant 0 : i32
      %dma_start3A_150 = tpu.memref_slice %arg7[%multiple_of3A_148, %dma_start3A_149] : memref<327680x128xf32, #tpu.memory_space<hbm>> -> memref<128x128xf32, #tpu.memory_space<hbm>>
      %dma_start3A_151 = arith.constant 0 : i32
      %dma_start3A_152 = tpu.memref_slice %arg7[%multiple_of3A_148, %dma_start3A_151] : memref<327680x128xf32, #tpu.memory_space<hbm>> -> memref<128x128xf32, #tpu.memory_space<hbm>>
      tpu.enqueue_dma source(%arg15 : memref<128x128xf32, #tpu.memory_space<vmem>>) target(%dma_start3A_152 : memref<128x128xf32, #tpu.memory_space<hbm>>) target_semaphore(%arg29 : memref<!tpu.dma_semaphore, #tpu.memory_space<semaphore_mem>>)
      %dma_start3A_153 = arith.constant 0 : i32
      %dma_start3A_154 = tpu.memref_slice %arg8[%multiple_of3A_148, %dma_start3A_153] : memref<327680x128xf32, #tpu.memory_space<hbm>> -> memref<128x8xf32, #tpu.memory_space<hbm>>
      %dma_start3A_155 = arith.constant 0 : i32
      %dma_start3A_156 = tpu.memref_slice %arg8[%multiple_of3A_148, %dma_start3A_155] : memref<327680x128xf32, #tpu.memory_space<hbm>> -> memref<128x8xf32, #tpu.memory_space<hbm>>
      tpu.enqueue_dma source(%arg17 : memref<128x8xf32, #tpu.memory_space<vmem>>) target(%dma_start3A_156 : memref<128x8xf32, #tpu.memory_space<hbm>>) target_semaphore(%arg31 : memref<!tpu.dma_semaphore, #tpu.memory_space<semaphore_mem>>)
      %dma_start3A_157 = arith.constant 8 : i32
      %dma_start3A_158 = tpu.memref_slice %arg8[%multiple_of3A_148, %dma_start3A_157] : memref<327680x128xf32, #tpu.memory_space<hbm>> -> memref<128x8xf32, #tpu.memory_space<hbm>>
      %dma_start3A_159 = arith.constant 8 : i32
      %dma_start3A_160 = tpu.memref_slice %arg8[%multiple_of3A_148, %dma_start3A_159] : memref<327680x128xf32, #tpu.memory_space<hbm>> -> memref<128x8xf32, #tpu.memory_space<hbm>>
      tpu.enqueue_dma source(%arg19 : memref<128x8xf32, #tpu.memory_space<vmem>>) target(%dma_start3A_160 : memref<128x8xf32, #tpu.memory_space<hbm>>) target_semaphore(%arg33 : memref<!tpu.dma_semaphore, #tpu.memory_space<semaphore_mem>>)
      %mul3A_161 = arith.constant 2 : i32
      %mul3A_162 = arith.muli %while3A_82, %mul3A_161 : i32
      %add3A_163 = arith.constant 1 : i32
      %add3A_164 = arith.addi %mul3A_162, %add3A_163 : i32
      %dma_wait3A_165 = arith.constant 0 : i32
      %dma_wait3A_166 = arith.constant 0 : i32
      %dma_wait3A_167 = tpu.memref_slice %arg7[%dma_wait3A_165, %dma_wait3A_166] : memref<327680x128xf32, #tpu.memory_space<hbm>> -> memref<128x128xf32, #tpu.memory_space<hbm>>
      %dma_wait3A_168 = arith.constant 0 : i32
      %dma_wait3A_169 = arith.constant 0 : i32
      %dma_wait3A_170 = tpu.memref_slice %arg7[%dma_wait3A_168, %dma_wait3A_169] : memref<327680x128xf32, #tpu.memory_space<hbm>> -> memref<128x128xf32, #tpu.memory_space<hbm>>
      tpu.wait_dma2 semaphore(%arg29 : memref<!tpu.dma_semaphore, #tpu.memory_space<semaphore_mem>>) src(%arg15 : memref<128x128xf32, #tpu.memory_space<vmem>>) dst(%dma_wait3A_170 : memref<128x128xf32, #tpu.memory_space<hbm>>)
      %dma_wait3A_171 = arith.constant 0 : i32
      %dma_wait3A_172 = arith.constant 0 : i32
      %dma_wait3A_173 = tpu.memref_slice %arg8[%dma_wait3A_171, %dma_wait3A_172] : memref<327680x128xf32, #tpu.memory_space<hbm>> -> memref<128x8xf32, #tpu.memory_space<hbm>>
      %dma_wait3A_174 = arith.constant 0 : i32
      %dma_wait3A_175 = arith.constant 0 : i32
      %dma_wait3A_176 = tpu.memref_slice %arg8[%dma_wait3A_174, %dma_wait3A_175] : memref<327680x128xf32, #tpu.memory_space<hbm>> -> memref<128x8xf32, #tpu.memory_space<hbm>>
      tpu.wait_dma2 semaphore(%arg31 : memref<!tpu.dma_semaphore, #tpu.memory_space<semaphore_mem>>) src(%arg17 : memref<128x8xf32, #tpu.memory_space<vmem>>) dst(%dma_wait3A_176 : memref<128x8xf32, #tpu.memory_space<hbm>>)
      %dma_wait3A_177 = arith.constant 0 : i32
      %dma_wait3A_178 = arith.constant 8 : i32
      %dma_wait3A_179 = tpu.memref_slice %arg8[%dma_wait3A_177, %dma_wait3A_178] : memref<327680x128xf32, #tpu.memory_space<hbm>> -> memref<128x8xf32, #tpu.memory_space<hbm>>
      %dma_wait3A_180 = arith.constant 0 : i32
      %dma_wait3A_181 = arith.constant 8 : i32
      %dma_wait3A_182 = tpu.memref_slice %arg8[%dma_wait3A_180, %dma_wait3A_181] : memref<327680x128xf32, #tpu.memory_space<hbm>> -> memref<128x8xf32, #tpu.memory_space<hbm>>
      tpu.wait_dma2 semaphore(%arg33 : memref<!tpu.dma_semaphore, #tpu.memory_space<semaphore_mem>>) src(%arg19 : memref<128x8xf32, #tpu.memory_space<vmem>>) dst(%dma_wait3A_182 : memref<128x8xf32, #tpu.memory_space<hbm>>)
      %sub3A_183 = arith.constant 1 : i32
      %sub3A_184 = arith.subi %select_n3A_55, %sub3A_183 : i32
      %lt3A = arith.cmpi slt, %while3A_82, %sub3A_184 : i32
      %convert_element_type3A_185 = arith.extui %lt3A : i1 to i32
      %cond3A_186 = arith.constant 0 : i32
      %cond3A_187 = arith.cmpi ne, %convert_element_type3A_185, %cond3A_186 : i32
      scf.if %cond3A_187 {
        %add3A_236 = arith.constant 1 : i32
        %add3A_237 = arith.addi %add3A_164, %add3A_236 : i32
        %dma_start3A_238 = arith.constant 0 : i32
        %dma_start3A_239 = tpu.memref_slice %arg10[%add3A_237, %dma_start3A_238] : memref<80x128xi32, #tpu.memory_space<vmem>> -> memref<1x128xi32, #tpu.memory_space<vmem>>
        %dma_start3A_240 = tpu.memref_squeeze %dma_start3A_239 : memref<1x128xi32, #tpu.memory_space<vmem>> -> memref<128xi32, #tpu.memory_space<vmem>>
        %dma_start3A_241 = arith.constant 0 : i32
        %dma_start3A_242 = arith.constant 0 : i32
        %dma_start3A_243 = tpu.memref_slice %arg2[%dma_start3A_241, %dma_start3A_242] : memref<10112x128xbf16, #tpu.memory_space<hbm>> -> memref<10112x128xbf16, #tpu.memory_space<hbm>>
        tpu.enqueue_indirect_dma source(%dma_start3A_243 : memref<10112x128xbf16, #tpu.memory_space<hbm>>) target(%arg11 : memref<128x128xbf16, #tpu.memory_space<vmem>>) offsets(%dma_start3A_240 : memref<128xi32, #tpu.memory_space<vmem>>) semaphore(%arg21 : memref<!tpu.dma_semaphore, #tpu.memory_space<semaphore_mem>>)
        %dma_start3A_244 = arith.constant 0 : i32
        %dma_start3A_245 = tpu.memref_slice %arg9[%add3A_237, %dma_start3A_244] : memref<80x128xi32, #tpu.memory_space<vmem>> -> memref<1x128xi32, #tpu.memory_space<vmem>>
        %dma_start3A_246 = tpu.memref_squeeze %dma_start3A_245 : memref<1x128xi32, #tpu.memory_space<vmem>> -> memref<128xi32, #tpu.memory_space<vmem>>
        %dma_start3A_247 = arith.constant 0 : i32
        %dma_start3A_248 = arith.constant 0 : i32
        %dma_start3A_249 = tpu.memref_slice %arg3[%dma_start3A_247, %dma_start3A_248] : memref<10112x128xbf16, #tpu.memory_space<hbm>> -> memref<10112x128xbf16, #tpu.memory_space<hbm>>
        tpu.enqueue_indirect_dma source(%dma_start3A_249 : memref<10112x128xbf16, #tpu.memory_space<hbm>>) target(%arg13 : memref<128x128xbf16, #tpu.memory_space<vmem>>) offsets(%dma_start3A_246 : memref<128xi32, #tpu.memory_space<vmem>>) semaphore(%arg23 : memref<!tpu.dma_semaphore, #tpu.memory_space<semaphore_mem>>)
        %dma_start3A_250 = arith.constant 0 : i32
        %dma_start3A_251 = tpu.memref_slice %arg9[%add3A_237, %dma_start3A_250] : memref<80x128xi32, #tpu.memory_space<vmem>> -> memref<1x128xi32, #tpu.memory_space<vmem>>
        %dma_start3A_252 = tpu.memref_squeeze %dma_start3A_251 : memref<1x128xi32, #tpu.memory_space<vmem>> -> memref<128xi32, #tpu.memory_space<vmem>>
        %dma_start3A_253 = arith.constant 0 : i32
        %dma_start3A_254 = arith.constant 0 : i32
        %dma_start3A_255 = tpu.memref_slice %arg6[%dma_start3A_253, %dma_start3A_254] : memref<10112x8xf32, #tpu.memory_space<hbm>> -> memref<10112x8xf32, #tpu.memory_space<hbm>>
        tpu.enqueue_indirect_dma source(%dma_start3A_255 : memref<10112x8xf32, #tpu.memory_space<hbm>>) target(%arg17 : memref<128x8xf32, #tpu.memory_space<vmem>>) offsets(%dma_start3A_252 : memref<128xi32, #tpu.memory_space<vmem>>) semaphore(%arg25 : memref<!tpu.dma_semaphore, #tpu.memory_space<semaphore_mem>>)
        %dma_start3A_256 = arith.constant 0 : i32
        %dma_start3A_257 = tpu.memref_slice %arg10[%add3A_237, %dma_start3A_256] : memref<80x128xi32, #tpu.memory_space<vmem>> -> memref<1x128xi32, #tpu.memory_space<vmem>>
        %dma_start3A_258 = tpu.memref_squeeze %dma_start3A_257 : memref<1x128xi32, #tpu.memory_space<vmem>> -> memref<128xi32, #tpu.memory_space<vmem>>
        %dma_start3A_259 = arith.constant 0 : i32
        %dma_start3A_260 = arith.constant 0 : i32
        %dma_start3A_261 = tpu.memref_slice %arg6[%dma_start3A_259, %dma_start3A_260] : memref<10112x8xf32, #tpu.memory_space<hbm>> -> memref<10112x8xf32, #tpu.memory_space<hbm>>
        tpu.enqueue_indirect_dma source(%dma_start3A_261 : memref<10112x8xf32, #tpu.memory_space<hbm>>) target(%arg19 : memref<128x8xf32, #tpu.memory_space<vmem>>) offsets(%dma_start3A_258 : memref<128xi32, #tpu.memory_space<vmem>>) semaphore(%arg27 : memref<!tpu.dma_semaphore, #tpu.memory_space<semaphore_mem>>)
      } else {
      }
      %dma_wait3A_188 = arith.constant 0 : i32
      %dma_wait3A_189 = arith.constant 0 : i32
      %dma_wait3A_190 = tpu.memref_slice %arg2[%dma_wait3A_188, %dma_wait3A_189] : memref<10112x128xbf16, #tpu.memory_space<hbm>> -> memref<128x128xbf16, #tpu.memory_space<hbm>>
      %dma_wait3A_191 = arith.constant 0 : i32
      %dma_wait3A_192 = arith.constant 0 : i32
      %dma_wait3A_193 = tpu.memref_slice %arg2[%dma_wait3A_191, %dma_wait3A_192] : memref<10112x128xbf16, #tpu.memory_space<hbm>> -> memref<128x128xbf16, #tpu.memory_space<hbm>>
      tpu.wait_dma2 semaphore(%arg22 : memref<!tpu.dma_semaphore, #tpu.memory_space<semaphore_mem>>) src(%dma_wait3A_193 : memref<128x128xbf16, #tpu.memory_space<hbm>>) dst(%arg12 : memref<128x128xbf16, #tpu.memory_space<vmem>>)
      %dma_wait3A_194 = arith.constant 0 : i32
      %dma_wait3A_195 = arith.constant 0 : i32
      %dma_wait3A_196 = tpu.memref_slice %arg3[%dma_wait3A_194, %dma_wait3A_195] : memref<10112x128xbf16, #tpu.memory_space<hbm>> -> memref<128x128xbf16, #tpu.memory_space<hbm>>
      %dma_wait3A_197 = arith.constant 0 : i32
      %dma_wait3A_198 = arith.constant 0 : i32
      %dma_wait3A_199 = tpu.memref_slice %arg3[%dma_wait3A_197, %dma_wait3A_198] : memref<10112x128xbf16, #tpu.memory_space<hbm>> -> memref<128x128xbf16, #tpu.memory_space<hbm>>
      tpu.wait_dma2 semaphore(%arg24 : memref<!tpu.dma_semaphore, #tpu.memory_space<semaphore_mem>>) src(%dma_wait3A_199 : memref<128x128xbf16, #tpu.memory_space<hbm>>) dst(%arg14 : memref<128x128xbf16, #tpu.memory_space<vmem>>)
      %dma_wait3A_200 = arith.constant 0 : i32
      %dma_wait3A_201 = arith.constant 0 : i32
      %dma_wait3A_202 = tpu.memref_slice %arg6[%dma_wait3A_200, %dma_wait3A_201] : memref<10112x8xf32, #tpu.memory_space<hbm>> -> memref<128x8xf32, #tpu.memory_space<hbm>>
      %dma_wait3A_203 = arith.constant 0 : i32
      %dma_wait3A_204 = arith.constant 0 : i32
      %dma_wait3A_205 = tpu.memref_slice %arg6[%dma_wait3A_203, %dma_wait3A_204] : memref<10112x8xf32, #tpu.memory_space<hbm>> -> memref<128x8xf32, #tpu.memory_space<hbm>>
      tpu.wait_dma2 semaphore(%arg26 : memref<!tpu.dma_semaphore, #tpu.memory_space<semaphore_mem>>) src(%dma_wait3A_205 : memref<128x8xf32, #tpu.memory_space<hbm>>) dst(%arg18 : memref<128x8xf32, #tpu.memory_space<vmem>>)
      %dma_wait3A_206 = arith.constant 0 : i32
      %dma_wait3A_207 = arith.constant 0 : i32
      %dma_wait3A_208 = tpu.memref_slice %arg6[%dma_wait3A_206, %dma_wait3A_207] : memref<10112x8xf32, #tpu.memory_space<hbm>> -> memref<128x8xf32, #tpu.memory_space<hbm>>
      %dma_wait3A_209 = arith.constant 0 : i32
      %dma_wait3A_210 = arith.constant 0 : i32
      %dma_wait3A_211 = tpu.memref_slice %arg6[%dma_wait3A_209, %dma_wait3A_210] : memref<10112x8xf32, #tpu.memory_space<hbm>> -> memref<128x8xf32, #tpu.memory_space<hbm>>
      tpu.wait_dma2 semaphore(%arg28 : memref<!tpu.dma_semaphore, #tpu.memory_space<semaphore_mem>>) src(%dma_wait3A_211 : memref<128x8xf32, #tpu.memory_space<hbm>>) dst(%arg20 : memref<128x8xf32, #tpu.memory_space<vmem>>)
      %broadcast_in_dim3A_212 = arith.constant -65536 : i32
      %broadcast_in_dim3A_213 = vector.broadcast %broadcast_in_dim3A_212 : i32 to vector<16xi32>
      %scan3A_214 = arith.constant 0 : i32
      %scan3A_215 = arith.constant 0 : i32
      %scan3A_216 = arith.constant 128 : i32
      %scan3A_217 = arith.addi %scan3A_215, %scan3A_216 : i32
      %scan3A_218 = arith.constant 1 : i32
      scf.for %scan3A_236 = %scan3A_215 to %scan3A_217 step %scan3A_218  : i32 {
        %get3A = arith.index_cast %scan3A_236 : i32 to index
        %get3A_237 = arith.constant 0 : index
        %get3A_238 = tpu.vector_load %arg12[%get3A, %get3A_237] {strides = array<i32>} : memref<128x128xbf16, #tpu.memory_space<vmem>>, vector<32xbf16>,
        %get3A_239 = arith.index_cast %scan3A_236 : i32 to index
        %get3A_240 = arith.constant 0 : index
        %get3A_241 = tpu.vector_load %arg14[%get3A_239, %get3A_240] {strides = array<i32>} : memref<128x128xbf16, #tpu.memory_space<vmem>>, vector<32xbf16>,
        %add3A_242 = arith.addf %get3A_238, %get3A_241 : vector<32xbf16>
        %bitcast3A = vector.bitcast %add3A_242 : vector<32xbf16> to vector<16xi32>
        %shift_left3A = arith.constant 16 : i32
        %shift_left3A_243 = vector.broadcast %shift_left3A : i32 to vector<16xi32>
        %shift_left3A_244 = arith.shli %bitcast3A, %shift_left3A_243 : vector<16xi32>
        %bitcast3A_245 = vector.bitcast %shift_left3A_244 : vector<16xi32> to vector<16xf32>
        %and3A_246 = arith.andi %bitcast3A, %broadcast_in_dim3A_213 : vector<16xi32>
        %bitcast3A_247 = vector.bitcast %and3A_246 : vector<16xi32> to vector<16xf32>
        %swap3A = arith.index_cast %scan3A_236 : i32 to index
        %swap3A_248 = arith.constant 0 : index
        %swap3A_249 = tpu.vector_load %arg16[%swap3A, %swap3A_248] {strides = array<i32>} : memref<128x128xf32, #tpu.memory_space<vmem>>, vector<16xf32>,
        tpu.vector_store %arg16[%swap3A, %swap3A_248], %bitcast3A_245 {strides = array<i32>} : memref<128x128xf32, #tpu.memory_space<vmem>>, vector<16xf32>,
        %swap3A_250 = arith.index_cast %scan3A_236 : i32 to index
        %swap3A_251 = arith.constant 16 : index
        %swap3A_252 = tpu.vector_load %arg16[%swap3A_250, %swap3A_251] {strides = array<i32>} : memref<128x128xf32, #tpu.memory_space<vmem>>, vector<16xf32>,
        tpu.vector_store %arg16[%swap3A_250, %swap3A_251], %bitcast3A_247 {strides = array<i32>} : memref<128x128xf32, #tpu.memory_space<vmem>>, vector<16xf32>,
        %get3A_253 = arith.index_cast %scan3A_236 : i32 to index
        %get3A_254 = arith.constant 32 : index
        %get3A_255 = tpu.vector_load %arg12[%get3A_253, %get3A_254] {strides = array<i32>} : memref<128x128xbf16, #tpu.memory_space<vmem>>, vector<32xbf16>,
        %get3A_256 = arith.index_cast %scan3A_236 : i32 to index
        %get3A_257 = arith.constant 32 : index
        %get3A_258 = tpu.vector_load %arg14[%get3A_256, %get3A_257] {strides = array<i32>} : memref<128x128xbf16, #tpu.memory_space<vmem>>, vector<32xbf16>,
        %add3A_259 = arith.addf %get3A_255, %get3A_258 : vector<32xbf16>
        %bitcast3A_260 = vector.bitcast %add3A_259 : vector<32xbf16> to vector<16xi32>
        %shift_left3A_261 = arith.constant 16 : i32
        %shift_left3A_262 = vector.broadcast %shift_left3A_261 : i32 to vector<16xi32>
        %shift_left3A_263 = arith.shli %bitcast3A_260, %shift_left3A_262 : vector<16xi32>
        %bitcast3A_264 = vector.bitcast %shift_left3A_263 : vector<16xi32> to vector<16xf32>
        %and3A_265 = arith.andi %bitcast3A_260, %broadcast_in_dim3A_213 : vector<16xi32>
        %bitcast3A_266 = vector.bitcast %and3A_265 : vector<16xi32> to vector<16xf32>
        %swap3A_267 = arith.index_cast %scan3A_236 : i32 to index
        %swap3A_268 = arith.constant 32 : index
        %swap3A_269 = tpu.vector_load %arg16[%swap3A_267, %swap3A_268] {strides = array<i32>} : memref<128x128xf32, #tpu.memory_space<vmem>>, vector<16xf32>,
        tpu.vector_store %arg16[%swap3A_267, %swap3A_268], %bitcast3A_264 {strides = array<i32>} : memref<128x128xf32, #tpu.memory_space<vmem>>, vector<16xf32>,
        %swap3A_270 = arith.index_cast %scan3A_236 : i32 to index
        %swap3A_271 = arith.constant 48 : index
        %swap3A_272 = tpu.vector_load %arg16[%swap3A_270, %swap3A_271] {strides = array<i32>} : memref<128x128xf32, #tpu.memory_space<vmem>>, vector<16xf32>,
        tpu.vector_store %arg16[%swap3A_270, %swap3A_271], %bitcast3A_266 {strides = array<i32>} : memref<128x128xf32, #tpu.memory_space<vmem>>, vector<16xf32>,
        %get3A_273 = arith.index_cast %scan3A_236 : i32 to index
        %get3A_274 = arith.constant 64 : index
        %get3A_275 = tpu.vector_load %arg12[%get3A_273, %get3A_274] {strides = array<i32>} : memref<128x128xbf16, #tpu.memory_space<vmem>>, vector<32xbf16>,
        %get3A_276 = arith.index_cast %scan3A_236 : i32 to index
        %get3A_277 = arith.constant 64 : index
        %get3A_278 = tpu.vector_load %arg14[%get3A_276, %get3A_277] {strides = array<i32>} : memref<128x128xbf16, #tpu.memory_space<vmem>>, vector<32xbf16>,
        %add3A_279 = arith.addf %get3A_275, %get3A_278 : vector<32xbf16>
        %bitcast3A_280 = vector.bitcast %add3A_279 : vector<32xbf16> to vector<16xi32>
        %shift_left3A_281 = arith.constant 16 : i32
        %shift_left3A_282 = vector.broadcast %shift_left3A_281 : i32 to vector<16xi32>
        %shift_left3A_283 = arith.shli %bitcast3A_280, %shift_left3A_282 : vector<16xi32>
        %bitcast3A_284 = vector.bitcast %shift_left3A_283 : vector<16xi32> to vector<16xf32>
        %and3A_285 = arith.andi %bitcast3A_280, %broadcast_in_dim3A_213 : vector<16xi32>
        %bitcast3A_286 = vector.bitcast %and3A_285 : vector<16xi32> to vector<16xf32>
        %swap3A_287 = arith.index_cast %scan3A_236 : i32 to index
        %swap3A_288 = arith.constant 64 : index
        %swap3A_289 = tpu.vector_load %arg16[%swap3A_287, %swap3A_288] {strides = array<i32>} : memref<128x128xf32, #tpu.memory_space<vmem>>, vector<16xf32>,
        tpu.vector_store %arg16[%swap3A_287, %swap3A_288], %bitcast3A_284 {strides = array<i32>} : memref<128x128xf32, #tpu.memory_space<vmem>>, vector<16xf32>,
        %swap3A_290 = arith.index_cast %scan3A_236 : i32 to index
        %swap3A_291 = arith.constant 80 : index
        %swap3A_292 = tpu.vector_load %arg16[%swap3A_290, %swap3A_291] {strides = array<i32>} : memref<128x128xf32, #tpu.memory_space<vmem>>, vector<16xf32>,
        tpu.vector_store %arg16[%swap3A_290, %swap3A_291], %bitcast3A_286 {strides = array<i32>} : memref<128x128xf32, #tpu.memory_space<vmem>>, vector<16xf32>,
        %get3A_293 = arith.index_cast %scan3A_236 : i32 to index
        %get3A_294 = arith.constant 96 : index
        %get3A_295 = tpu.vector_load %arg12[%get3A_293, %get3A_294] {strides = array<i32>} : memref<128x128xbf16, #tpu.memory_space<vmem>>, vector<32xbf16>,
        %get3A_296 = arith.index_cast %scan3A_236 : i32 to index
        %get3A_297 = arith.constant 96 : index
        %get3A_298 = tpu.vector_load %arg14[%get3A_296, %get3A_297] {strides = array<i32>} : memref<128x128xbf16, #tpu.memory_space<vmem>>, vector<32xbf16>,
        %add3A_299 = arith.addf %get3A_295, %get3A_298 : vector<32xbf16>
        %bitcast3A_300 = vector.bitcast %add3A_299 : vector<32xbf16> to vector<16xi32>
        %shift_left3A_301 = arith.constant 16 : i32
        %shift_left3A_302 = vector.broadcast %shift_left3A_301 : i32 to vector<16xi32>
        %shift_left3A_303 = arith.shli %bitcast3A_300, %shift_left3A_302 : vector<16xi32>
        %bitcast3A_304 = vector.bitcast %shift_left3A_303 : vector<16xi32> to vector<16xf32>
        %and3A_305 = arith.andi %bitcast3A_300, %broadcast_in_dim3A_213 : vector<16xi32>
        %bitcast3A_306 = vector.bitcast %and3A_305 : vector<16xi32> to vector<16xf32>
        %swap3A_307 = arith.index_cast %scan3A_236 : i32 to index
        %swap3A_308 = arith.constant 96 : index
        %swap3A_309 = tpu.vector_load %arg16[%swap3A_307, %swap3A_308] {strides = array<i32>} : memref<128x128xf32, #tpu.memory_space<vmem>>, vector<16xf32>,
        tpu.vector_store %arg16[%swap3A_307, %swap3A_308], %bitcast3A_304 {strides = array<i32>} : memref<128x128xf32, #tpu.memory_space<vmem>>, vector<16xf32>,
        %swap3A_310 = arith.index_cast %scan3A_236 : i32 to index
        %swap3A_311 = arith.constant 112 : index
        %swap3A_312 = tpu.vector_load %arg16[%swap3A_310, %swap3A_311] {strides = array<i32>} : memref<128x128xf32, #tpu.memory_space<vmem>>, vector<16xf32>,
        tpu.vector_store %arg16[%swap3A_310, %swap3A_311], %bitcast3A_306 {strides = array<i32>} : memref<128x128xf32, #tpu.memory_space<vmem>>, vector<16xf32>,
      }
      %scan3A_219 = arith.constant 128 : i32
      %mul3A_220 = arith.constant 128 : i32
      %mul3A_221 = arith.muli %add3A_164, %mul3A_220 : i32
      %add3A_222 = arith.addi %multiple_of3A, %mul3A_221 : i32
      %multiple_of3A_223 = tpu.assume_multiple %add3A_222, 8 : i32
      %dma_start3A_224 = arith.constant 0 : i32
      %dma_start3A_225 = tpu.memref_slice %arg7[%multiple_of3A_223, %dma_start3A_224] : memref<327680x128xf32, #tpu.memory_space<hbm>> -> memref<128x128xf32, #tpu.memory_space<hbm>>
      %dma_start3A_226 = arith.constant 0 : i32
      %dma_start3A_227 = tpu.memref_slice %arg7[%multiple_of3A_223, %dma_start3A_226] : memref<327680x128xf32, #tpu.memory_space<hbm>> -> memref<128x128xf32, #tpu.memory_space<hbm>>
      tpu.enqueue_dma source(%arg16 : memref<128x128xf32, #tpu.memory_space<vmem>>) target(%dma_start3A_227 : memref<128x128xf32, #tpu.memory_space<hbm>>) target_semaphore(%arg30 : memref<!tpu.dma_semaphore, #tpu.memory_space<semaphore_mem>>)
      %dma_start3A_228 = arith.constant 0 : i32
      %dma_start3A_229 = tpu.memref_slice %arg8[%multiple_of3A_223, %dma_start3A_228] : memref<327680x128xf32, #tpu.memory_space<hbm>> -> memref<128x8xf32, #tpu.memory_space<hbm>>
      %dma_start3A_230 = arith.constant 0 : i32
      %dma_start3A_231 = tpu.memref_slice %arg8[%multiple_of3A_223, %dma_start3A_230] : memref<327680x128xf32, #tpu.memory_space<hbm>> -> memref<128x8xf32, #tpu.memory_space<hbm>>
      tpu.enqueue_dma source(%arg18 : memref<128x8xf32, #tpu.memory_space<vmem>>) target(%dma_start3A_231 : memref<128x8xf32, #tpu.memory_space<hbm>>) target_semaphore(%arg32 : memref<!tpu.dma_semaphore, #tpu.memory_space<semaphore_mem>>)
      %dma_start3A_232 = arith.constant 8 : i32
      %dma_start3A_233 = tpu.memref_slice %arg8[%multiple_of3A_223, %dma_start3A_232] : memref<327680x128xf32, #tpu.memory_space<hbm>> -> memref<128x8xf32, #tpu.memory_space<hbm>>
      %dma_start3A_234 = arith.constant 8 : i32
      %dma_start3A_235 = tpu.memref_slice %arg8[%multiple_of3A_223, %dma_start3A_234] : memref<327680x128xf32, #tpu.memory_space<hbm>> -> memref<128x8xf32, #tpu.memory_space<hbm>>
      tpu.enqueue_dma source(%arg20 : memref<128x8xf32, #tpu.memory_space<vmem>>) target(%dma_start3A_235 : memref<128x8xf32, #tpu.memory_space<hbm>>) target_semaphore(%arg34 : memref<!tpu.dma_semaphore, #tpu.memory_space<semaphore_mem>>)
    }
    %dma_wait3A = arith.constant 0 : i32
    %dma_wait3A_65 = arith.constant 0 : i32
    %dma_wait3A_66 = tpu.memref_slice %arg7[%dma_wait3A, %dma_wait3A_65] : memref<327680x128xf32, #tpu.memory_space<hbm>> -> memref<128x128xf32, #tpu.memory_space<hbm>>
    %dma_wait3A_67 = arith.constant 0 : i32
    %dma_wait3A_68 = arith.constant 0 : i32
    %dma_wait3A_69 = tpu.memref_slice %arg7[%dma_wait3A_67, %dma_wait3A_68] : memref<327680x128xf32, #tpu.memory_space<hbm>> -> memref<128x128xf32, #tpu.memory_space<hbm>>
    tpu.wait_dma2 semaphore(%arg30 : memref<!tpu.dma_semaphore, #tpu.memory_space<semaphore_mem>>) src(%arg16 : memref<128x128xf32, #tpu.memory_space<vmem>>) dst(%dma_wait3A_69 : memref<128x128xf32, #tpu.memory_space<hbm>>)
    %dma_wait3A_70 = arith.constant 0 : i32
    %dma_wait3A_71 = arith.constant 0 : i32
    %dma_wait3A_72 = tpu.memref_slice %arg8[%dma_wait3A_70, %dma_wait3A_71] : memref<327680x128xf32, #tpu.memory_space<hbm>> -> memref<128x8xf32, #tpu.memory_space<hbm>>
    %dma_wait3A_73 = arith.constant 0 : i32
    %dma_wait3A_74 = arith.constant 0 : i32
    %dma_wait3A_75 = tpu.memref_slice %arg8[%dma_wait3A_73, %dma_wait3A_74] : memref<327680x128xf32, #tpu.memory_space<hbm>> -> memref<128x8xf32, #tpu.memory_space<hbm>>
    tpu.wait_dma2 semaphore(%arg32 : memref<!tpu.dma_semaphore, #tpu.memory_space<semaphore_mem>>) src(%arg18 : memref<128x8xf32, #tpu.memory_space<vmem>>) dst(%dma_wait3A_75 : memref<128x8xf32, #tpu.memory_space<hbm>>)
    %dma_wait3A_76 = arith.constant 0 : i32
    %dma_wait3A_77 = arith.constant 8 : i32
    %dma_wait3A_78 = tpu.memref_slice %arg8[%dma_wait3A_76, %dma_wait3A_77] : memref<327680x128xf32, #tpu.memory_space<hbm>> -> memref<128x8xf32, #tpu.memory_space<hbm>>
    %dma_wait3A_79 = arith.constant 0 : i32
    %dma_wait3A_80 = arith.constant 8 : i32
    %dma_wait3A_81 = tpu.memref_slice %arg8[%dma_wait3A_79, %dma_wait3A_80] : memref<327680x128xf32, #tpu.memory_space<hbm>> -> memref<128x8xf32, #tpu.memory_space<hbm>>
    tpu.wait_dma2 semaphore(%arg34 : memref<!tpu.dma_semaphore, #tpu.memory_space<semaphore_mem>>) src(%arg20 : memref<128x8xf32, #tpu.memory_space<vmem>>) dst(%dma_wait3A_81 : memref<128x8xf32, #tpu.memory_space<hbm>>)
    return
  }
}

module attributes {stable_mosaic.version = 14 : i64} {
  func.func @_k1_body(%arg0: i32, %arg1: memref<1264x128xf32, #tpu.memory_space<vmem>>, %arg2: memref<128x128xf32, #tpu.memory_space<vmem>>, %arg3: memref<128x128xf32, #tpu.memory_space<vmem>>, %arg4: memref<1x128xf32, #tpu.memory_space<vmem>>, %arg5: memref<1264x128xbf16, #tpu.memory_space<vmem>>, %arg6: memref<1264x128xbf16, #tpu.memory_space<vmem>>) attributes {dimension_semantics = [#tpu.dimension_semantics<arbitrary>], iteration_bounds = array<i64: 8>, scalar_prefetch = 0 : i64, scratch_operands = 0 : i64, tpu.core_type = #tpu.core_type<tc>, window_params = [{transform_indices = @transform_0, window_bounds = array<i64: 1264, 128>}, {pipeline_mode = #tpu.pipeline_mode<synchronous>, transform_indices = @transform_1, window_bounds = array<i64: 128, 128>}, {pipeline_mode = #tpu.pipeline_mode<synchronous>, transform_indices = @transform_2, window_bounds = array<i64: 128, 128>}, {pipeline_mode = #tpu.pipeline_mode<synchronous>, transform_indices = @transform_3, window_bounds = array<i64: 1, 128>}, {transform_indices = @transform_4, window_bounds = array<i64: 1264, 128>}, {transform_indices = @transform_5, window_bounds = array<i64: 1264, 128>}]} {
    %get3A = arith.constant 0 : index
    %get3A_0 = arith.constant 0 : index
    %get3A_1 = vector.load %arg1[%get3A, %get3A_0] : memref<1264x128xf32, #tpu.memory_space<vmem>>, vector<1264x128xf32>
    %get3A_2 = arith.constant 0 : index
    %get3A_3 = arith.constant 0 : index
    %get3A_4 = vector.load %arg2[%get3A_2, %get3A_3] : memref<128x128xf32, #tpu.memory_space<vmem>>, vector<128x128xf32>
    %dot_general3A = arith.constant dense<0.000000e+00> : vector<1264x128xf32>
    %dot_general3A_5 = tpu.matmul %get3A_1, %get3A_4, %dot_general3A {dimension_numbers = #tpu.dot_dimension_numbers<[1], [0], [0], [1], [0, 0, 1, 1], [], []>, transpose_lhs_hint = false} : vector<1264x128xf32>, vector<128x128xf32>, vector<1264x128xf32> -> vector<1264x128xf32>
    %get3A_6 = arith.constant 0 : index
    %get3A_7 = arith.constant 0 : index
    %get3A_8 = vector.load %arg4[%get3A_6, %get3A_7] : memref<1x128xf32, #tpu.memory_space<vmem>>, vector<1x128xf32>
    %add3A = vector.broadcast %get3A_8 : vector<1x128xf32> to vector<1264x128xf32>
    %add3A_9 = arith.addf %dot_general3A_5, %add3A : vector<1264x128xf32>
    %get3A_10 = arith.constant 0 : index
    %get3A_11 = arith.constant 0 : index
    %get3A_12 = vector.load %arg3[%get3A_10, %get3A_11] : memref<128x128xf32, #tpu.memory_space<vmem>>, vector<128x128xf32>
    %dot_general3A_13 = arith.constant dense<0.000000e+00> : vector<1264x128xf32>
    %dot_general3A_14 = tpu.matmul %get3A_1, %get3A_12, %dot_general3A_13 {dimension_numbers = #tpu.dot_dimension_numbers<[1], [0], [0], [1], [0, 0, 1, 1], [], []>, transpose_lhs_hint = false} : vector<1264x128xf32>, vector<128x128xf32>, vector<1264x128xf32> -> vector<1264x128xf32>
    %convert_element_type3A = arith.truncf %add3A_9 : vector<1264x128xf32> to vector<1264x128xbf16>
    %swap3A = arith.constant 0 : index
    %swap3A_15 = arith.constant 0 : index
    %swap3A_16 = vector.load %arg5[%swap3A, %swap3A_15] : memref<1264x128xbf16, #tpu.memory_space<vmem>>, vector<1264x128xbf16>
    tpu.vector_store %arg5[%swap3A, %swap3A_15], %convert_element_type3A {strides = array<i32>} : memref<1264x128xbf16, #tpu.memory_space<vmem>>, vector<1264x128xbf16>,
    %convert_element_type3A_17 = arith.truncf %dot_general3A_14 : vector<1264x128xf32> to vector<1264x128xbf16>
    %swap3A_18 = arith.constant 0 : index
    %swap3A_19 = arith.constant 0 : index
    %swap3A_20 = vector.load %arg6[%swap3A_18, %swap3A_19] : memref<1264x128xbf16, #tpu.memory_space<vmem>>, vector<1264x128xbf16>
    tpu.vector_store %arg6[%swap3A_18, %swap3A_19], %convert_element_type3A_17 {strides = array<i32>} : memref<1264x128xbf16, #tpu.memory_space<vmem>>, vector<1264x128xbf16>,
    return
  }
  func.func @transform_0(%arg0: i32) -> (i32, i32) {
    %c0_i32 = arith.constant 0 : i32
    %c0_i32_0 = arith.constant 0 : i32
    return %arg0, %c0_i32 : i32, i32
  }
  func.func @transform_1(%arg0: i32) -> (i32, i32) {
    %c0_i32 = arith.constant 0 : i32
    %c0_i32_0 = arith.constant 0 : i32
    %c0_i32_1 = arith.constant 0 : i32
    return %c0_i32, %c0_i32_0 : i32, i32
  }
  func.func @transform_2(%arg0: i32) -> (i32, i32) {
    %c0_i32 = arith.constant 0 : i32
    %c0_i32_0 = arith.constant 0 : i32
    %c0_i32_1 = arith.constant 0 : i32
    return %c0_i32, %c0_i32_0 : i32, i32
  }
  func.func @transform_3(%arg0: i32) -> (i32, i32) {
    %c0_i32 = arith.constant 0 : i32
    %c0_i32_0 = arith.constant 0 : i32
    %c0_i32_1 = arith.constant 0 : i32
    return %c0_i32, %c0_i32_0 : i32, i32
  }
  func.func @transform_4(%arg0: i32) -> (i32, i32) {
    %c0_i32 = arith.constant 0 : i32
    %c0_i32_0 = arith.constant 0 : i32
    return %arg0, %c0_i32 : i32, i32
  }
  func.func @transform_5(%arg0: i32) -> (i32, i32) {
    %c0_i32 = arith.constant 0 : i32
    %c0_i32_0 = arith.constant 0 : i32
    return %arg0, %c0_i32 : i32, i32
  }
}

module attributes {stable_mosaic.version = 14 : i64} {
  func.func @_k3_body(%arg0: i32, %arg1: memref<1024x128xf32, #tpu.memory_space<vmem>>, %arg2: memref<1024x128xf32, #tpu.memory_space<vmem>>, %arg3: memref<32x128xf32, #tpu.memory_space<vmem>>, %arg4: memref<128x128xbf16, #tpu.memory_space<vmem>>, %arg5: memref<1x128xf32, #tpu.memory_space<vmem>>, %arg6: memref<128x1xf32, #tpu.memory_space<vmem>>, %arg7: memref<1x1xf32, #tpu.memory_space<vmem>>, %arg8: memref<128x128xbf16, #tpu.memory_space<vmem>>, %arg9: memref<1x128xf32, #tpu.memory_space<vmem>>, %arg10: memref<128x1xf32, #tpu.memory_space<vmem>>, %arg11: memref<1024x128xf32, #tpu.memory_space<vmem>>, %arg12: memref<1024x128xf32, #tpu.memory_space<vmem>>) attributes {dimension_semantics = [#tpu.dimension_semantics<arbitrary>], iteration_bounds = array<i64: 320>, scalar_prefetch = 0 : i64, scratch_operands = 0 : i64, tpu.core_type = #tpu.core_type<tc>, window_params = [{transform_indices = @transform_0, window_bounds = array<i64: 1024, 128>}, {transform_indices = @transform_1, window_bounds = array<i64: 1024, 128>}, {pipeline_mode = #tpu.pipeline_mode<synchronous>, transform_indices = @transform_2, window_bounds = array<i64: 32, 128>}, {pipeline_mode = #tpu.pipeline_mode<synchronous>, transform_indices = @transform_3, window_bounds = array<i64: 128, 128>}, {pipeline_mode = #tpu.pipeline_mode<synchronous>, transform_indices = @transform_4, window_bounds = array<i64: 1, 128>}, {pipeline_mode = #tpu.pipeline_mode<synchronous>, transform_indices = @transform_5, window_bounds = array<i64: 128, 1>}, {pipeline_mode = #tpu.pipeline_mode<synchronous>, transform_indices = @transform_6, window_bounds = array<i64: 1, 1>}, {pipeline_mode = #tpu.pipeline_mode<synchronous>, transform_indices = @transform_7, window_bounds = array<i64: 128, 128>}, {pipeline_mode = #tpu.pipeline_mode<synchronous>, transform_indices = @transform_8, window_bounds = array<i64: 1, 128>}, {pipeline_mode = #tpu.pipeline_mode<synchronous>, transform_indices = @transform_9, window_bounds = array<i64: 128, 1>}, {transform_indices = @transform_10, window_bounds = array<i64: 1024, 128>}, {transform_indices = @transform_11, window_bounds = array<i64: 1024, 128>}]} {
    %get3A = arith.constant 0 : index
    %get3A_0 = arith.constant 0 : index
    %get3A_1 = vector.load %arg2[%get3A, %get3A_0] : memref<1024x128xf32, #tpu.memory_space<vmem>>, vector<1024x128xf32>
    %slice3A = vector.extract_strided_slice %get3A_1 {offsets = [0, 8], sizes = [1024, 3], strides = [1, 1]} : vector<1024x128xf32> to vector<1024x3xf32>
    %slice3A_2 = vector.extract_strided_slice %get3A_1 {offsets = [0, 0], sizes = [1024, 3], strides = [1, 1]} : vector<1024x128xf32> to vector<1024x3xf32>
    %sub3A = arith.subf %slice3A, %slice3A_2 : vector<1024x3xf32>
    %mul3A = arith.mulf %sub3A, %sub3A : vector<1024x3xf32>
    %reduce_sum3A = arith.constant dense<0.000000e+00> : vector<1024xf32>
    %reduce_sum3A_3 = vector.multi_reduction <add>, %mul3A, %reduce_sum3A [1] : vector<1024x3xf32> to vector<1024xf32>
    %broadcast_in_dim3A = vector.shape_cast %reduce_sum3A_3 : vector<1024xf32> to vector<1024x1xf32>
    %slice3A_4 = vector.extract_strided_slice %get3A_1 {offsets = [0, 3], sizes = [1024, 1], strides = [1, 1]} : vector<1024x128xf32> to vector<1024x1xf32>
    %mul3A_5 = arith.constant 2.000000e+00 : f32
    %mul3A_6 = vector.broadcast %mul3A_5 : f32 to vector<1024x1xf32>
    %mul3A_7 = arith.mulf %mul3A_6, %slice3A_4 : vector<1024x1xf32>
    %sub3A_8 = arith.constant 3.000000e+00 : f32
    %sub3A_9 = vector.broadcast %sub3A_8 : f32 to vector<1024x1xf32>
    %sub3A_10 = arith.subf %sub3A_9, %mul3A_7 : vector<1024x1xf32>
    %slice3A_11 = vector.extract_strided_slice %get3A_1 {offsets = [0, 11], sizes = [1024, 1], strides = [1, 1]} : vector<1024x128xf32> to vector<1024x1xf32>
    %sub3A_12 = arith.subf %sub3A_10, %slice3A_11 : vector<1024x1xf32>
    %add3A = arith.constant 9.99999993E-9 : f32
    %add3A_13 = vector.broadcast %add3A : f32 to vector<1024x1xf32>
    %add3A_14 = arith.addf %broadcast_in_dim3A, %add3A_13 : vector<1024x1xf32>
    %sqrt3A = math.sqrt %add3A_14 : vector<1024x1xf32>
    %iota3A = tpu.iota {dimensions = array<i32: 1>} : vector<1x32xi32>
    %convert_element_type3A = arith.sitofp %iota3A : vector<1x32xi32> to vector<1x32xf32>
    %mul3A_15 = arith.constant 0.526315808 : f32
    %mul3A_16 = vector.broadcast %mul3A_15 : f32 to vector<1x32xf32>
    %mul3A_17 = arith.mulf %convert_element_type3A, %mul3A_16 : vector<1x32xf32>
    %sub3A_18 = vector.broadcast %sqrt3A : vector<1024x1xf32> to vector<1024x32xf32>
    %sub3A_19 = vector.broadcast %mul3A_17 : vector<1x32xf32> to vector<1024x32xf32>
    %sub3A_20 = arith.subf %sub3A_18, %sub3A_19 : vector<1024x32xf32>
    %integer_pow3A = arith.mulf %sub3A_20, %sub3A_20 : vector<1024x32xf32>
    %mul3A_21 = arith.constant -1.805000e+00 : f32
    %mul3A_22 = vector.broadcast %mul3A_21 : f32 to vector<1024x32xf32>
    %mul3A_23 = arith.mulf %mul3A_22, %integer_pow3A : vector<1024x32xf32>
    %exp3A = math.exp %mul3A_23 : vector<1024x32xf32>
    %sub3A_24 = arith.constant 2.000000e+01 : f32
    %sub3A_25 = vector.broadcast %sub3A_24 : f32 to vector<1x32xf32>
    %sub3A_26 = arith.subf %convert_element_type3A, %sub3A_25 : vector<1x32xf32>
    %eq3A = vector.broadcast %sub3A_12 : vector<1024x1xf32> to vector<1024x32xf32>
    %eq3A_27 = vector.broadcast %sub3A_26 : vector<1x32xf32> to vector<1024x32xf32>
    %eq3A_28 = arith.cmpf oeq, %eq3A, %eq3A_27 : vector<1024x32xf32>
    %convert_element_type3A_29 = arith.extui %eq3A_28 : vector<1024x32xi1> to vector<1024x32xi32>
    %convert_element_type3A_30 = arith.sitofp %convert_element_type3A_29 : vector<1024x32xi32> to vector<1024x32xf32>
    %lt3A = arith.constant 2.000000e+01 : f32
    %lt3A_31 = vector.broadcast %lt3A : f32 to vector<1x32xf32>
    %lt3A_32 = arith.cmpf olt, %convert_element_type3A, %lt3A_31 : vector<1x32xf32>
    %convert_element_type3A_33 = arith.extui %lt3A_32 : vector<1x32xi1> to vector<1x32xi32>
    %convert_element_type3A_34 = arith.sitofp %convert_element_type3A_33 : vector<1x32xi32> to vector<1x32xf32>
    %mul3A_35 = vector.broadcast %convert_element_type3A_34 : vector<1x32xf32> to vector<1024x32xf32>
    %mul3A_36 = arith.mulf %exp3A, %mul3A_35 : vector<1024x32xf32>
    %add3A_37 = arith.addf %mul3A_36, %convert_element_type3A_30 : vector<1024x32xf32>
    %get3A_38 = arith.constant 0 : index
    %get3A_39 = arith.constant 0 : index
    %get3A_40 = vector.load %arg1[%get3A_38, %get3A_39] : memref<1024x128xf32, #tpu.memory_space<vmem>>, vector<1024x128xf32>
    %get3A_41 = arith.constant 0 : index
    %get3A_42 = arith.constant 0 : index
    %get3A_43 = vector.load %arg3[%get3A_41, %get3A_42] : memref<32x128xf32, #tpu.memory_space<vmem>>, vector<32x128xf32>
    %dot_general3A = arith.constant dense<0.000000e+00> : vector<1024x128xf32>
    %dot_general3A_44 = tpu.matmul %add3A_37, %get3A_43, %dot_general3A {dimension_numbers = #tpu.dot_dimension_numbers<[1], [0], [0], [1], [0, 0, 1, 1], [], []>, transpose_lhs_hint = false} : vector<1024x32xf32>, vector<32x128xf32>, vector<1024x128xf32> -> vector<1024x128xf32>
    %add3A_45 = arith.addf %get3A_40, %dot_general3A_44 : vector<1024x128xf32>
    %logistic3A = arith.negf %add3A_45 : vector<1024x128xf32>
    %logistic3A_46 = math.exp %logistic3A : vector<1024x128xf32>
    %logistic3A_47 = arith.constant 1.000000e+00 : f32
    %logistic3A_48 = vector.broadcast %logistic3A_47 : f32 to vector<1024x128xf32>
    %logistic3A_49 = arith.addf %logistic3A_48, %logistic3A_46 : vector<1024x128xf32>
    %logistic3A_50 = arith.divf %logistic3A_48, %logistic3A_49 : vector<1024x128xf32>
    %mul3A_51 = arith.mulf %add3A_45, %logistic3A_50 : vector<1024x128xf32>
    %convert_element_type3A_52 = arith.truncf %mul3A_51 : vector<1024x128xf32> to vector<1024x128xbf16>
    %get3A_53 = arith.constant 0 : index
    %get3A_54 = arith.constant 0 : index
    %get3A_55 = vector.load %arg4[%get3A_53, %get3A_54] : memref<128x128xbf16, #tpu.memory_space<vmem>>, vector<128x128xbf16>
    %dot_general3A_56 = arith.constant dense<0.000000e+00> : vector<1024x128xf32>
    %dot_general3A_57 = tpu.matmul %convert_element_type3A_52, %get3A_55, %dot_general3A_56 {dimension_numbers = #tpu.dot_dimension_numbers<[1], [0], [0], [1], [0, 0, 1, 1], [], []>, transpose_lhs_hint = false} : vector<1024x128xbf16>, vector<128x128xbf16>, vector<1024x128xf32> -> vector<1024x128xf32>
    %get3A_58 = arith.constant 0 : index
    %get3A_59 = arith.constant 0 : index
    %get3A_60 = vector.load %arg5[%get3A_58, %get3A_59] : memref<1x128xf32, #tpu.memory_space<vmem>>, vector<1x128xf32>
    %add3A_61 = vector.broadcast %get3A_60 : vector<1x128xf32> to vector<1024x128xf32>
    %add3A_62 = arith.addf %dot_general3A_57, %add3A_61 : vector<1024x128xf32>
    %logistic3A_63 = arith.negf %add3A_62 : vector<1024x128xf32>
    %logistic3A_64 = math.exp %logistic3A_63 : vector<1024x128xf32>
    %logistic3A_65 = arith.constant 1.000000e+00 : f32
    %logistic3A_66 = vector.broadcast %logistic3A_65 : f32 to vector<1024x128xf32>
    %logistic3A_67 = arith.addf %logistic3A_66, %logistic3A_64 : vector<1024x128xf32>
    %logistic3A_68 = arith.divf %logistic3A_66, %logistic3A_67 : vector<1024x128xf32>
    %mul3A_69 = arith.mulf %add3A_62, %logistic3A_68 : vector<1024x128xf32>
    %convert_element_type3A_70 = arith.truncf %mul3A_69 : vector<1024x128xf32> to vector<1024x128xbf16>
    %get3A_71 = arith.constant 0 : index
    %get3A_72 = arith.constant 0 : index
    %get3A_73 = vector.load %arg6[%get3A_71, %get3A_72] : memref<128x1xf32, #tpu.memory_space<vmem>>, vector<128x1xf32>
    %dot_general3A_74 = arith.constant dense<0.000000e+00> : vector<1024x1xf32>
    %dot_general3A_75 = tpu.matmul %mul3A_69, %get3A_73, %dot_general3A_74 {dimension_numbers = #tpu.dot_dimension_numbers<[1], [0], [0], [1], [0, 0, 1, 1], [], []>, transpose_lhs_hint = false} : vector<1024x128xf32>, vector<128x1xf32>, vector<1024x1xf32> -> vector<1024x1xf32>
    %get3A_76 = arith.constant 0 : index
    %get3A_77 = arith.constant 0 : index
    %get3A_78 = vector.load %arg7[%get3A_76, %get3A_77] : memref<1x1xf32, #tpu.memory_space<vmem>>, vector<1x1xf32>
    %add3A_79 = vector.broadcast %get3A_78 : vector<1x1xf32> to vector<1024x1xf32>
    %add3A_80 = arith.addf %dot_general3A_75, %add3A_79 : vector<1024x1xf32>
    %logistic3A_81 = arith.negf %add3A_80 : vector<1024x1xf32>
    %logistic3A_82 = math.exp %logistic3A_81 : vector<1024x1xf32>
    %logistic3A_83 = arith.constant 1.000000e+00 : f32
    %logistic3A_84 = vector.broadcast %logistic3A_83 : f32 to vector<1024x1xf32>
    %logistic3A_85 = arith.addf %logistic3A_84, %logistic3A_82 : vector<1024x1xf32>
    %logistic3A_86 = arith.divf %logistic3A_84, %logistic3A_85 : vector<1024x1xf32>
    %mul3A_87 = vector.broadcast %logistic3A_86 : vector<1024x1xf32> to vector<1024x128xf32>
    %mul3A_88 = arith.mulf %mul3A_69, %mul3A_87 : vector<1024x128xf32>
    %swap3A = arith.constant 0 : index
    %swap3A_89 = arith.constant 0 : index
    %swap3A_90 = vector.load %arg11[%swap3A, %swap3A_89] : memref<1024x128xf32, #tpu.memory_space<vmem>>, vector<1024x128xf32>
    tpu.vector_store %arg11[%swap3A, %swap3A_89], %mul3A_88 {strides = array<i32>} : memref<1024x128xf32, #tpu.memory_space<vmem>>, vector<1024x128xf32>,
    %get3A_91 = arith.constant 0 : index
    %get3A_92 = arith.constant 0 : index
    %get3A_93 = vector.load %arg8[%get3A_91, %get3A_92] : memref<128x128xbf16, #tpu.memory_space<vmem>>, vector<128x128xbf16>
    %dot_general3A_94 = arith.constant dense<0.000000e+00> : vector<1024x128xf32>
    %dot_general3A_95 = tpu.matmul %convert_element_type3A_70, %get3A_93, %dot_general3A_94 {dimension_numbers = #tpu.dot_dimension_numbers<[1], [0], [0], [1], [0, 0, 1, 1], [], []>, transpose_lhs_hint = false} : vector<1024x128xbf16>, vector<128x128xbf16>, vector<1024x128xf32> -> vector<1024x128xf32>
    %get3A_96 = arith.constant 0 : index
    %get3A_97 = arith.constant 0 : index
    %get3A_98 = vector.load %arg9[%get3A_96, %get3A_97] : memref<1x128xf32, #tpu.memory_space<vmem>>, vector<1x128xf32>
    %add3A_99 = vector.broadcast %get3A_98 : vector<1x128xf32> to vector<1024x128xf32>
    %add3A_100 = arith.addf %dot_general3A_95, %add3A_99 : vector<1024x128xf32>
    %logistic3A_101 = arith.negf %add3A_100 : vector<1024x128xf32>
    %logistic3A_102 = math.exp %logistic3A_101 : vector<1024x128xf32>
    %logistic3A_103 = arith.constant 1.000000e+00 : f32
    %logistic3A_104 = vector.broadcast %logistic3A_103 : f32 to vector<1024x128xf32>
    %logistic3A_105 = arith.addf %logistic3A_104, %logistic3A_102 : vector<1024x128xf32>
    %logistic3A_106 = arith.divf %logistic3A_104, %logistic3A_105 : vector<1024x128xf32>
    %mul3A_107 = arith.mulf %add3A_100, %logistic3A_106 : vector<1024x128xf32>
    %get3A_108 = arith.constant 0 : index
    %get3A_109 = arith.constant 0 : index
    %get3A_110 = vector.load %arg10[%get3A_108, %get3A_109] : memref<128x1xf32, #tpu.memory_space<vmem>>, vector<128x1xf32>
    %dot_general3A_111 = arith.constant dense<0.000000e+00> : vector<1024x1xf32>
    %dot_general3A_112 = tpu.matmul %mul3A_107, %get3A_110, %dot_general3A_111 {dimension_numbers = #tpu.dot_dimension_numbers<[1], [0], [0], [1], [0, 0, 1, 1], [], []>, transpose_lhs_hint = false} : vector<1024x128xf32>, vector<128x1xf32>, vector<1024x1xf32> -> vector<1024x1xf32>
    %tanh3A = math.tanh %dot_general3A_112 : vector<1024x1xf32>
    %add3A_113 = arith.constant 1.000000e+00 : f32
    %add3A_114 = vector.broadcast %add3A_113 : f32 to vector<1024x1xf32>
    %add3A_115 = arith.addf %sqrt3A, %add3A_114 : vector<1024x1xf32>
    %div3A = arith.divf %tanh3A, %add3A_115 : vector<1024x1xf32>
    %mul3A_116 = vector.broadcast %div3A : vector<1024x1xf32> to vector<1024x3xf32>
    %mul3A_117 = arith.mulf %sub3A, %mul3A_116 : vector<1024x3xf32>
    %broadcast_in_dim3A_118 = arith.constant 0.000000e+00 : f32
    %broadcast_in_dim3A_119 = vector.broadcast %broadcast_in_dim3A_118 : f32 to vector<1024x125xf32>
    %concatenate3A = tpu.concatenate %mul3A_117, %broadcast_in_dim3A_119 in 1 : vector<1024x3xf32>, vector<1024x125xf32> -> vector<1024x128xf32>
    %swap3A_120 = arith.constant 0 : index
    %swap3A_121 = arith.constant 0 : index
    %swap3A_122 = vector.load %arg12[%swap3A_120, %swap3A_121] : memref<1024x128xf32, #tpu.memory_space<vmem>>, vector<1024x128xf32>
    tpu.vector_store %arg12[%swap3A_120, %swap3A_121], %concatenate3A {strides = array<i32>} : memref<1024x128xf32, #tpu.memory_space<vmem>>, vector<1024x128xf32>,
    return
  }
  func.func @transform_0(%arg0: i32) -> (i32, i32) {
    %c0_i32 = arith.constant 0 : i32
    %c0_i32_0 = arith.constant 0 : i32
    return %arg0, %c0_i32 : i32, i32
  }
  func.func @transform_1(%arg0: i32) -> (i32, i32) {
    %c0_i32 = arith.constant 0 : i32
    %c0_i32_0 = arith.constant 0 : i32
    return %arg0, %c0_i32 : i32, i32
  }
  func.func @transform_2(%arg0: i32) -> (i32, i32) {
    %c0_i32 = arith.constant 0 : i32
    %c0_i32_0 = arith.constant 0 : i32
    %c0_i32_1 = arith.constant 0 : i32
    return %c0_i32, %c0_i32_0 : i32, i32
  }
  func.func @transform_3(%arg0: i32) -> (i32, i32) {
    %c0_i32 = arith.constant 0 : i32
    %c0_i32_0 = arith.constant 0 : i32
    %c0_i32_1 = arith.constant 0 : i32
    return %c0_i32, %c0_i32_0 : i32, i32
  }
  func.func @transform_4(%arg0: i32) -> (i32, i32) {
    %c0_i32 = arith.constant 0 : i32
    %c0_i32_0 = arith.constant 0 : i32
    %c0_i32_1 = arith.constant 0 : i32
    return %c0_i32, %c0_i32_0 : i32, i32
  }
  func.func @transform_5(%arg0: i32) -> (i32, i32) {
    %c0_i32 = arith.constant 0 : i32
    %c0_i32_0 = arith.constant 0 : i32
    %c0_i32_1 = arith.constant 0 : i32
    return %c0_i32, %c0_i32_0 : i32, i32
  }
  func.func @transform_6(%arg0: i32) -> (i32, i32) {
    %c0_i32 = arith.constant 0 : i32
    %c0_i32_0 = arith.constant 0 : i32
    %c0_i32_1 = arith.constant 0 : i32
    return %c0_i32, %c0_i32_0 : i32, i32
  }
  func.func @transform_7(%arg0: i32) -> (i32, i32) {
    %c0_i32 = arith.constant 0 : i32
    %c0_i32_0 = arith.constant 0 : i32
    %c0_i32_1 = arith.constant 0 : i32
    return %c0_i32, %c0_i32_0 : i32, i32
  }
  func.func @transform_8(%arg0: i32) -> (i32, i32) {
    %c0_i32 = arith.constant 0 : i32
    %c0_i32_0 = arith.constant 0 : i32
    %c0_i32_1 = arith.constant 0 : i32
    return %c0_i32, %c0_i32_0 : i32, i32
  }
  func.func @transform_9(%arg0: i32) -> (i32, i32) {
    %c0_i32 = arith.constant 0 : i32
    %c0_i32_0 = arith.constant 0 : i32
    %c0_i32_1 = arith.constant 0 : i32
    return %c0_i32, %c0_i32_0 : i32, i32
  }
  func.func @transform_10(%arg0: i32) -> (i32, i32) {
    %c0_i32 = arith.constant 0 : i32
    %c0_i32_0 = arith.constant 0 : i32
    return %arg0, %c0_i32 : i32, i32
  }
  func.func @transform_11(%arg0: i32) -> (i32, i32) {
    %c0_i32 = arith.constant 0 : i32
    %c0_i32_0 = arith.constant 0 : i32
    return %arg0, %c0_i32 : i32, i32
  }
}

module attributes {stable_mosaic.version = 14 : i64} {
  func.func @_k5_body(%arg0: i32, %arg1: memref<2000x128xf32, #tpu.memory_space<vmem>>, %arg2: memref<2000x128xf32, #tpu.memory_space<vmem>>, %arg3: memref<2000x128xf32, #tpu.memory_space<vmem>>, %arg4: memref<2000x4xf32, #tpu.memory_space<vmem>>, %arg5: memref<2000x8xf32, #tpu.memory_space<vmem>>, %arg6: memref<2000x8xf32, #tpu.memory_space<vmem>>, %arg7: memref<2000x1xf32, #tpu.memory_space<vmem>>, %arg8: memref<128x128xf32, #tpu.memory_space<vmem>>, %arg9: memref<128x128xf32, #tpu.memory_space<vmem>>, %arg10: memref<1x128xf32, #tpu.memory_space<vmem>>, %arg11: memref<128x128xf32, #tpu.memory_space<vmem>>, %arg12: memref<1x128xf32, #tpu.memory_space<vmem>>, %arg13: memref<2000x128xf32, #tpu.memory_space<vmem>>, %arg14: memref<2000x4xf32, #tpu.memory_space<vmem>>) attributes {dimension_semantics = [#tpu.dimension_semantics<arbitrary>], iteration_bounds = array<i64: 5>, scalar_prefetch = 0 : i64, scratch_operands = 0 : i64, tpu.core_type = #tpu.core_type<tc>, window_params = [{transform_indices = @transform_0, window_bounds = array<i64: 2000, 128>}, {transform_indices = @transform_1, window_bounds = array<i64: 2000, 128>}, {transform_indices = @transform_2, window_bounds = array<i64: 2000, 128>}, {transform_indices = @transform_3, window_bounds = array<i64: 2000, 4>}, {transform_indices = @transform_4, window_bounds = array<i64: 2000, 8>}, {transform_indices = @transform_5, window_bounds = array<i64: 2000, 8>}, {transform_indices = @transform_6, window_bounds = array<i64: 2000, 1>}, {pipeline_mode = #tpu.pipeline_mode<synchronous>, transform_indices = @transform_7, window_bounds = array<i64: 128, 128>}, {pipeline_mode = #tpu.pipeline_mode<synchronous>, transform_indices = @transform_8, window_bounds = array<i64: 128, 128>}, {pipeline_mode = #tpu.pipeline_mode<synchronous>, transform_indices = @transform_9, window_bounds = array<i64: 1, 128>}, {pipeline_mode = #tpu.pipeline_mode<synchronous>, transform_indices = @transform_10, window_bounds = array<i64: 128, 128>}, {pipeline_mode = #tpu.pipeline_mode<synchronous>, transform_indices = @transform_11, window_bounds = array<i64: 1, 128>}, {transform_indices = @transform_12, window_bounds = array<i64: 2000, 128>}, {transform_indices = @transform_13, window_bounds = array<i64: 2000, 4>}]} {
    %get3A = arith.constant 0 : index
    %get3A_0 = arith.constant 0 : index
    %get3A_1 = vector.load %arg1[%get3A, %get3A_0] : memref<2000x128xf32, #tpu.memory_space<vmem>>, vector<2000x128xf32>
    %get3A_2 = arith.constant 0 : index
    %get3A_3 = arith.constant 0 : index
    %get3A_4 = vector.load %arg2[%get3A_2, %get3A_3] : memref<2000x128xf32, #tpu.memory_space<vmem>>, vector<2000x128xf32>
    %add3A = arith.addf %get3A_1, %get3A_4 : vector<2000x128xf32>
    %get3A_5 = arith.constant 0 : index
    %get3A_6 = arith.constant 0 : index
    %get3A_7 = vector.load %arg3[%get3A_5, %get3A_6] : memref<2000x128xf32, #tpu.memory_space<vmem>>, vector<2000x128xf32>
    %get3A_8 = arith.constant 0 : index
    %get3A_9 = arith.constant 0 : index
    %get3A_10 = vector.load %arg8[%get3A_8, %get3A_9] : memref<128x128xf32, #tpu.memory_space<vmem>>, vector<128x128xf32>
    %dot_general3A = arith.constant dense<0.000000e+00> : vector<2000x128xf32>
    %dot_general3A_11 = tpu.matmul %add3A, %get3A_10, %dot_general3A {dimension_numbers = #tpu.dot_dimension_numbers<[1], [0], [0], [1], [0, 0, 1, 1], [], []>, transpose_lhs_hint = false} : vector<2000x128xf32>, vector<128x128xf32>, vector<2000x128xf32> -> vector<2000x128xf32>
    %get3A_12 = arith.constant 0 : index
    %get3A_13 = arith.constant 0 : index
    %get3A_14 = vector.load %arg9[%get3A_12, %get3A_13] : memref<128x128xf32, #tpu.memory_space<vmem>>, vector<128x128xf32>
    %dot_general3A_15 = arith.constant dense<0.000000e+00> : vector<2000x128xf32>
    %dot_general3A_16 = tpu.matmul %get3A_7, %get3A_14, %dot_general3A_15 {dimension_numbers = #tpu.dot_dimension_numbers<[1], [0], [0], [1], [0, 0, 1, 1], [], []>, transpose_lhs_hint = false} : vector<2000x128xf32>, vector<128x128xf32>, vector<2000x128xf32> -> vector<2000x128xf32>
    %add3A_17 = arith.addf %dot_general3A_11, %dot_general3A_16 : vector<2000x128xf32>
    %get3A_18 = arith.constant 0 : index
    %get3A_19 = arith.constant 0 : index
    %get3A_20 = vector.load %arg10[%get3A_18, %get3A_19] : memref<1x128xf32, #tpu.memory_space<vmem>>, vector<1x128xf32>
    %add3A_21 = vector.broadcast %get3A_20 : vector<1x128xf32> to vector<2000x128xf32>
    %add3A_22 = arith.addf %add3A_17, %add3A_21 : vector<2000x128xf32>
    %logistic3A = arith.negf %add3A_22 : vector<2000x128xf32>
    %logistic3A_23 = math.exp %logistic3A : vector<2000x128xf32>
    %logistic3A_24 = arith.constant 1.000000e+00 : f32
    %logistic3A_25 = vector.broadcast %logistic3A_24 : f32 to vector<2000x128xf32>
    %logistic3A_26 = arith.addf %logistic3A_25, %logistic3A_23 : vector<2000x128xf32>
    %logistic3A_27 = arith.divf %logistic3A_25, %logistic3A_26 : vector<2000x128xf32>
    %mul3A = arith.mulf %add3A_22, %logistic3A_27 : vector<2000x128xf32>
    %get3A_28 = arith.constant 0 : index
    %get3A_29 = arith.constant 0 : index
    %get3A_30 = vector.load %arg11[%get3A_28, %get3A_29] : memref<128x128xf32, #tpu.memory_space<vmem>>, vector<128x128xf32>
    %dot_general3A_31 = arith.constant dense<0.000000e+00> : vector<2000x128xf32>
    %dot_general3A_32 = tpu.matmul %mul3A, %get3A_30, %dot_general3A_31 {dimension_numbers = #tpu.dot_dimension_numbers<[1], [0], [0], [1], [0, 0, 1, 1], [], []>, transpose_lhs_hint = false} : vector<2000x128xf32>, vector<128x128xf32>, vector<2000x128xf32> -> vector<2000x128xf32>
    %add3A_33 = arith.addf %get3A_7, %dot_general3A_32 : vector<2000x128xf32>
    %get3A_34 = arith.constant 0 : index
    %get3A_35 = arith.constant 0 : index
    %get3A_36 = vector.load %arg12[%get3A_34, %get3A_35] : memref<1x128xf32, #tpu.memory_space<vmem>>, vector<1x128xf32>
    %add3A_37 = vector.broadcast %get3A_36 : vector<1x128xf32> to vector<2000x128xf32>
    %add3A_38 = arith.addf %add3A_33, %add3A_37 : vector<2000x128xf32>
    %swap3A = arith.constant 0 : index
    %swap3A_39 = arith.constant 0 : index
    %swap3A_40 = vector.load %arg13[%swap3A, %swap3A_39] : memref<2000x128xf32, #tpu.memory_space<vmem>>, vector<2000x128xf32>
    tpu.vector_store %arg13[%swap3A, %swap3A_39], %add3A_38 {strides = array<i32>} : memref<2000x128xf32, #tpu.memory_space<vmem>>, vector<2000x128xf32>,
    %get3A_41 = arith.constant 0 : index
    %get3A_42 = arith.constant 0 : index
    %get3A_43 = vector.load %arg5[%get3A_41, %get3A_42] : memref<2000x8xf32, #tpu.memory_space<vmem>>, vector<2000x8xf32>
    %get3A_44 = arith.constant 0 : index
    %get3A_45 = arith.constant 0 : index
    %get3A_46 = vector.load %arg6[%get3A_44, %get3A_45] : memref<2000x8xf32, #tpu.memory_space<vmem>>, vector<2000x8xf32>
    %add3A_47 = arith.addf %get3A_43, %get3A_46 : vector<2000x8xf32>
    %slice3A = vector.extract_strided_slice %add3A_47 {offsets = [0, 0], sizes = [2000, 4], strides = [1, 1]} : vector<2000x8xf32> to vector<2000x4xf32>
    %get3A_48 = arith.constant 0 : index
    %get3A_49 = arith.constant 0 : index
    %get3A_50 = vector.load %arg4[%get3A_48, %get3A_49] : memref<2000x4xf32, #tpu.memory_space<vmem>>, vector<2000x4xf32>
    %get3A_51 = arith.constant 0 : index
    %get3A_52 = arith.constant 0 : index
    %get3A_53 = vector.load %arg7[%get3A_51, %get3A_52] : memref<2000x1xf32, #tpu.memory_space<vmem>>, vector<2000x1xf32>
    %mul3A_54 = vector.broadcast %get3A_53 : vector<2000x1xf32> to vector<2000x4xf32>
    %mul3A_55 = arith.mulf %slice3A, %mul3A_54 : vector<2000x4xf32>
    %add3A_56 = arith.addf %get3A_50, %mul3A_55 : vector<2000x4xf32>
    %swap3A_57 = arith.constant 0 : index
    %swap3A_58 = arith.constant 0 : index
    %swap3A_59 = vector.load %arg14[%swap3A_57, %swap3A_58] : memref<2000x4xf32, #tpu.memory_space<vmem>>, vector<2000x4xf32>
    tpu.vector_store %arg14[%swap3A_57, %swap3A_58], %add3A_56 {strides = array<i32>} : memref<2000x4xf32, #tpu.memory_space<vmem>>, vector<2000x4xf32>,
    return
  }
  func.func @transform_0(%arg0: i32) -> (i32, i32) {
    %c0_i32 = arith.constant 0 : i32
    %c0_i32_0 = arith.constant 0 : i32
    return %arg0, %c0_i32 : i32, i32
  }
  func.func @transform_1(%arg0: i32) -> (i32, i32) {
    %c0_i32 = arith.constant 0 : i32
    %c0_i32_0 = arith.constant 0 : i32
    return %arg0, %c0_i32 : i32, i32
  }
  func.func @transform_2(%arg0: i32) -> (i32, i32) {
    %c0_i32 = arith.constant 0 : i32
    %c0_i32_0 = arith.constant 0 : i32
    return %arg0, %c0_i32 : i32, i32
  }
  func.func @transform_3(%arg0: i32) -> (i32, i32) {
    %c0_i32 = arith.constant 0 : i32
    %c0_i32_0 = arith.constant 0 : i32
    return %arg0, %c0_i32 : i32, i32
  }
  func.func @transform_4(%arg0: i32) -> (i32, i32) {
    %c0_i32 = arith.constant 0 : i32
    %c0_i32_0 = arith.constant 0 : i32
    return %arg0, %c0_i32 : i32, i32
  }
  func.func @transform_5(%arg0: i32) -> (i32, i32) {
    %c0_i32 = arith.constant 0 : i32
    %c0_i32_0 = arith.constant 0 : i32
    return %arg0, %c0_i32 : i32, i32
  }
  func.func @transform_6(%arg0: i32) -> (i32, i32) {
    %c0_i32 = arith.constant 0 : i32
    %c0_i32_0 = arith.constant 0 : i32
    return %arg0, %c0_i32 : i32, i32
  }
  func.func @transform_7(%arg0: i32) -> (i32, i32) {
    %c0_i32 = arith.constant 0 : i32
    %c0_i32_0 = arith.constant 0 : i32
    %c0_i32_1 = arith.constant 0 : i32
    return %c0_i32, %c0_i32_0 : i32, i32
  }
  func.func @transform_8(%arg0: i32) -> (i32, i32) {
    %c0_i32 = arith.constant 0 : i32
    %c0_i32_0 = arith.constant 0 : i32
    %c0_i32_1 = arith.constant 0 : i32
    return %c0_i32, %c0_i32_0 : i32, i32
  }
  func.func @transform_9(%arg0: i32) -> (i32, i32) {
    %c0_i32 = arith.constant 0 : i32
    %c0_i32_0 = arith.constant 0 : i32
    %c0_i32_1 = arith.constant 0 : i32
    return %c0_i32, %c0_i32_0 : i32, i32
  }
  func.func @transform_10(%arg0: i32) -> (i32, i32) {
    %c0_i32 = arith.constant 0 : i32
    %c0_i32_0 = arith.constant 0 : i32
    %c0_i32_1 = arith.constant 0 : i32
    return %c0_i32, %c0_i32_0 : i32, i32
  }
  func.func @transform_11(%arg0: i32) -> (i32, i32) {
    %c0_i32 = arith.constant 0 : i32
    %c0_i32_0 = arith.constant 0 : i32
    %c0_i32_1 = arith.constant 0 : i32
    return %c0_i32, %c0_i32_0 : i32, i32
  }
  func.func @transform_12(%arg0: i32) -> (i32, i32) {
    %c0_i32 = arith.constant 0 : i32
    %c0_i32_0 = arith.constant 0 : i32
    return %arg0, %c0_i32 : i32, i32
  }
  func.func @transform_13(%arg0: i32) -> (i32, i32) {
    %c0_i32 = arith.constant 0 : i32
    %c0_i32_0 = arith.constant 0 : i32
    return %arg0, %c0_i32 : i32, i32
  }
}

</mosaic_0001>

<sc_bundles>
// kernel: kernel.10.cloned.1.call-start
scs
__scs_entry_jumppad:
0x0: {  	(pc) =	sbr.rel $0x88, $3  }
0x1: {  	(tag) =	ssettag $0x0;
	lr =	simm.s32 $0x1  }
0x2: {  	[smem:$0x3F90] =	sst lr;
	_ =	strace $0xD0000000  }
0x3: {  	_ = 	snop  }
0x4: {  	_ = 	snop  }
0x5: {  	_ = 	snop  }
0x6: {  	_ = 	snop  }
0x7: {  	_ = 	snop  }
__scs_overlays_trampoline_lowered:
0x8: {  	[smem:$0x3F9F] =	sst s0  }
0x9: {  	[smem:$0x3FA0] =	sst s1  }
0xa: {  	[smem:$0x3FA1] =	sst s2  }
0xb: {  	[smem:$0x3FA2] =	sst s3  }
0xc: {  	[smem:$0x3FA3] =	sst s4  }
0xd: {  	[smem:$0x3FA4] =	sst s5  }
0xe: {  	[smem:$0x3FA5] =	sst s6  }
0xf: {  	[smem:$0x3FA6] =	sst s7  }
0x10: {  	[smem:$0x3FA7] =	sst s8  }
0x11: {  	[smem:$0x3FA8] =	sst s9;
	s0 =	simm.s32 @!p0 $0x0  }
0x12: {  	s1 =	sld [smem:$0x3F8E];
	s0 =	simm.s32 @p0 $0x1  }
0x13: {  	[smem:$0x3FA9] =	sst s0;
	s0 =	simm.s32 @!p1 $0x0  }
0x14: {  	s2 =	sld [smem:$0x3F8D];
	s0 =	simm.s32 @p1 $0x1  }
0x15: {  	[smem:$0x3FAA] =	sst s0;
	s0 =	simm.s32 @!p2 $0x0  }
0x16: {  	s3 =	sld [smem:$0x3FDB];
	s0 =	simm.s32 @p2 $0x1  }
0x17: {  	s4 =	simm.s32 $0x1BF5;
	[smem:$0x3FAC] =	sst s0  }
0x18: {  	s0 =	sld [smem:$0x3F8F];
	_ =	swait.ge [sflag:s4], $0x0  }
0x19: {  	s7 =	sld [smem:$0x3F90]  }
0x1a: {  	s8 =	sadd.s32 $0xFFFFE003, lr  }
0x1b: {  	s9 =	sadd.s32 $0xFFFFFEF7, lr;
	s5 =	simm.s32 $0xFFFFFFFF;
	p2 =	slt.u32 s8, $0xFFFFF086  }
0x1c: {  	p1 =	slt.u32 s9, $0xF7A;
	s5 =	simm.s32 @!p2 $0x0  }
0x1d: {  	s5 =	simm.s32 @p1 $0x1;
	p0 =	seq.s32 s7, s2  }
0x1e: {  	s7 =	smul.u32 @!p0 $0xF7A, s2;
	p2 =	seq.s32 @!p0 s5, $0x0  }
0x1f: {  	s9 =	smul.u32 $0xF7A, s1;
	s8 =	simm.s32 @!p0 $0x1BF5;
	p2 =	por !p2, p0  }
0x20: {  	[sflag:s8] =	ssyncset.s32 @!p0 $0xFFFFF086;
	s6 =	sadd.s32 @!p0 s3, s7;
	s7 =	simm.s32 @!p0 $0x108  }
0x21: {  	s3 =	sadd.s32 s3, s9;
	s6 =	sadd.s32 @!p0 $0x88, s6;
	s7 =	simm.s32 @p2 $0x1082  }
0x22: {  	[simem:s7], [sflag:s8] =	dma.local @!p0 [hbm:s6], $0xF7A  }
0x23: {  	s9 =	sor.u32 $0xD0000000, s2;
	s6 =	simm.s32 $0x108;
	_ =	swait.ge @!p0 [sflag:s8], $0x0  }
0x24: {  	s3 =	sadd.s32 $0x88, s3;
	s6 =	simm.s32 @!p1 $0x1082;
	[sflag:s4] =	ssyncset.s32 $0xFFFFF086  }
0x25: {  	[simem:s6], [sflag:s4] =	dma.local [hbm:s3], $0xF7A  }
0x26: {  	[smem:$0x3F90] =	sst s1;
	(tag) =	ssettag s2;
	_ =	strace s9  }
0x27: {  	s1 =	sld [smem:$0x3FA0]  }
0x28: {  	s2 =	sld [smem:$0x3FA1]  }
0x29: {  	s4 =	sld [smem:$0x3FA3]  }
0x2a: {  	p0 =	seq.s32 s5, $0x0;
	s5 =	sld [smem:$0x3FA4]  }
0x2b: {  	s6 =	sld [smem:$0x3FA5]  }
0x2c: {  	s7 =	sld [smem:$0x3FA6]  }
0x2d: {  	s3 =	simm.s32 $0x108;
	s8 =	sld [smem:$0x3FA7]  }
0x2e: {  	s3 =	simm.s32 @!p0 $0x1082;
	s9 =	sld [smem:$0x3FA8]  }
0x2f: {  	lr =	sadd.s32 s0, s3;
	s0 =	sld [smem:$0x3F9F]  }
0x30: {  	s3 =	sld [smem:$0x3FA2]  }
0x31: {  	[smem:$0x3FAB] =	sst s10  }
0x32: {  	s10 =	sld [smem:$0x3FA9];
	_ =	sdelay $0x3  }
0x33: {  	p0 =	seq.s32 s10, $0x1;
	s10 =	sld [smem:$0x3FAB];
	_ =	sdelay $0x3  }
0x34: {  	[smem:$0x3FAB] =	sst s10  }
0x35: {  	s10 =	sld [smem:$0x3FAA];
	_ =	sdelay $0x3  }
0x36: {  	p1 =	seq.s32 s10, $0x1;
	s10 =	sld [smem:$0x3FAB];
	_ =	sdelay $0x3  }
0x37: {  	[smem:$0x3FAB] =	sst s10  }
0x38: {  	s10 =	sld [smem:$0x3FAC]  }
0x39: {  	_ = 	snop;
	(pc) =	sbr.ind lr, $3  }
0x3a: {  	_ = 	snop  }
0x3b: {  	_ = 	snop  }
0x3c: {  	p2 =	seq.s32 s10, $0x1;
	s10 =	sld [smem:$0x3FAB]  }
0x3d: {  	_ =	shalt  }
0x3e: {  	_ =	shalt  }
0x3f: {  	_ =	shalt  }
0x40: {  	_ =	shalt  }
0x41: {  	_ =	shalt  }
0x42: {  	_ =	shalt  }
0x43: {  	_ =	shalt  }
0x44: {  	_ =	shalt  }
0x45: {  	_ =	shalt  }
0x46: {  	_ =	shalt  }
0x47: {  	_ =	shalt  }
0x48: {  	_ =	shalt  }
0x49: {  	_ =	shalt  }
0x4a: {  	_ =	shalt  }
0x4b: {  	_ =	shalt  }
0x4c: {  	_ =	shalt  }
0x4d: {  	_ =	shalt  }
0x4e: {  	_ =	shalt  }
0x4f: {  	_ =	shalt  }
0x50: {  	_ =	shalt  }
0x51: {  	_ =	shalt  }
0x52: {  	_ =	shalt  }
0x53: {  	_ =	shalt  }
0x54: {  	_ =	shalt  }
0x55: {  	_ =	shalt  }
0x56: {  	_ =	shalt  }
0x57: {  	_ =	shalt  }
0x58: {  	_ =	shalt  }
0x59: {  	_ =	shalt  }
0x5a: {  	_ =	shalt  }
0x5b: {  	_ =	shalt  }
0x5c: {  	_ =	shalt  }
0x5d: {  	_ =	shalt  }
0x5e: {  	_ =	shalt  }
0x5f: {  	_ =	shalt  }
0x60: {  	_ =	shalt  }
0x61: {  	_ =	shalt  }
0x62: {  	_ =	shalt  }
0x63: {  	_ =	shalt  }
0x64: {  	_ =	shalt  }
0x65: {  	_ =	shalt  }
0x66: {  	_ =	shalt  }
0x67: {  	_ =	shalt  }
0x68: {  	_ =	shalt  }
0x69: {  	_ =	shalt  }
0x6a: {  	_ =	shalt  }
0x6b: {  	_ =	shalt  }
0x6c: {  	_ =	shalt  }
0x6d: {  	_ =	shalt  }
0x6e: {  	_ =	shalt  }
0x6f: {  	_ =	shalt  }
0x70: {  	_ =	shalt  }
0x71: {  	_ =	shalt  }
0x72: {  	_ =	shalt  }
0x73: {  	_ =	shalt  }
0x74: {  	_ =	shalt  }
0x75: {  	_ =	shalt  }
0x76: {  	_ =	shalt  }
0x77: {  	_ =	shalt  }
0x78: {  	_ =	shalt  }
0x79: {  	_ =	shalt  }
0x7a: {  	_ =	shalt  }
0x7b: {  	_ =	shalt  }
0x7c: {  	_ =	shalt  }
0x7d: {  	_ =	shalt  }
0x7e: {  	_ =	shalt  }
0x7f: {  	_ =	shalt  }
0x80: {  	_ =	shalt  }
0x81: {  	_ =	shalt  }
0x82: {  	_ =	shalt  }
0x83: {  	_ =	shalt  }
0x84: {  	_ =	shalt  }
0x85: {  	_ =	shalt  }
0x86: {  	_ =	shalt  }
0x87: {  	_ =	shalt  }
.Lfunc_end0:
.L_simem_size_0:
called_computation.1_lowered:
.L_overlay_start_0:
0x88: {  	s2 =	sld [smem:$0x3FD9]  }
0x89: {  	s3 =	sld [smem:$0x3FFE];
	_ =	sdelay $0x1  }
0x8a: {  	s1 =	srdreg.scid  }
0x8b: {  	s0 =	sand.u32 $0x1, s1  }
0x8c: {  	s14 =	sshll.u32 s0, $0xA;
	s2 =	sadd.s32 s3, s2  }
0x8d: {  	s2 =	sadd.s32 s2, s14  }
0x8e: {  	[smem:$0x3FB7] =	sst s2  }
0x8f: {  	_ = 	snop  }
0x90: {  	s2 =	sld [smem:$0x3FD0];
	_ =	sdelay $0x2  }
0x91: {  	s15 =	simm.s32 $0xA;
	s4 =	simm.s32 $0x10  }
0x92: {  	[smem:s4], [sflag:s15] =	dma.local [hbm:s2], $0x1  }
0x93: {  	_ =	swait.eq [sflag:s15], $0x1  }
0x94: {  	[sflag:s15] =	ssyncset.done $0x0  }
0x95: {  	[sflag:s15] =	ssyncadd.s32 $0xFFFFFFFF  }
0x96: {  	s16 =	sld [smem:$0x10];
	(tm) =	ssettm $0x1  }
0x97: {  	s17 =	sld [smem:$0x3FFB];
	_ =	sdelay $0x3  }
0x98: {  	_ =	strace s17  }
0x99: {  	s3 =	sld [smem:$0x3FFC];
	_ =	sdelay $0x3  }
0x9a: {  	_ =	strace s3  }
0x9b: {  	s3 =	sld [smem:$0x3FFD];
	_ =	sdelay $0x3  }
0x9c: {  	_ =	strace s3  }
0x9d: {  	_ =	strace $0x8FFFFFFF  }
0x9e: {  	s18 =	sld [smem:$0x3FDB];
	_ =	sdelay $0x1  }
0x9f: {  	s19 =	simm.s32 $_scs_section_size  }
0xa0: {  	s5 =	simm.s32 $_size__tile_overlayer_lowered;
	s6 =	simm.s32 $_tile_overlayer_lowered  }
0xa1: {  	s22 =	simm.s32 $0x1BFF;
	s21 =	sshll.u32 s6, $0x1;
	s3 =	sadd.s32 s19, s18  }
0xa2: {  	s7 =	simm.s32 $0x0;
	s20 =	sshll.u32 s5, $0x1;
	s5 =	sadd.s32 s21, s3  }
0xa3: {  	[timem:s7], [sflag:s22] =	dma.local [hbm:s5], s20  }
0xa4: {  	_ =	swait.ge [sflag:s22], s20  }
0xa5: {  	s4 =	ssub.s32 $0x0, s20;
	[sflag:s22] =	ssyncset.done $0x0  }
0xa6: {  	[sflag:s22] =	ssyncadd.s32 s4;
	_ =	sdelay $0x1  }
0xa7: {  	s23 =	simm.s32 $0x1B8B  }
0xa8: {  	_ =	swait.ge [sflag:s23], $0x1  }
0xa9: {  	[sflag:s23] =	ssyncset.done $0x0  }
0xaa: {  	s25 =	simm.s32 $0x1B8E;
	s24 =	sld [smem:$0x3FFE];
	[sflag:s23] =	ssyncadd.s32 $0xFFFFFFFF  }
0xab: {  	s26 =	simm.s32 $execute0_lowered;
	[smem:$0x3FD2] =	sst s25  }
0xac: {  	s5 =	sshll.u32 s26, $0x1;
	_ =	strace $0x80000049;
	[dreg:$0x1] =	wrdreg $0xFFFFFFFF  }
0xad: {  	s28 =	simm.s32 $_size_execute0_lowered;
	s3 =	sadd.s32 s3, s5;
	[dreg:$0x0] =	wrdreg $0x0  }
0xae: {  	s5 =	sshll.u32 s28, $0x1;
	[dreg:$0x2] =	wrdreg s3  }
0xaf: {  	[dreg:$0x3] =	wrdreg s5  }
0xb0: {  	[dreg:$0x4] =	wrdreg $0xC0  }
0xb1: {  	_ =	task [dreg:s7], $0x5FFFF  }
0xb2: {  	[dreg:$0x1] =	wrdreg $0xFFFFFFFF  }
0xb3: {  	[dreg:$0x0] =	wrdreg $0x60  }
0xb4: {  	[dreg:$0x2] =	wrdreg s24  }
0xb5: {  	[dreg:$0x3] =	wrdreg s16  }
0xb6: {  	[dreg:$0x4] =	wrdreg $0x84800  }
0xb7: {  	[dreg:$0x5] =	wrdreg $0x1C0800  }
0xb8: {  	[dreg:$0x6] =	wrdreg $0x9  }
0xb9: {  	_ =	task.clear_ibuf [dreg:s7], $0x7FFFF;
	_ =	strace $0x90000049  }
0xba: {  	s29 =	simm.s32 $0x9;
	_ =	strace $0x8000004B  }
0xbb: {  	_ =	swait.ge [sflag:s29], $0x1  }
0xbc: {  	[sflag:s29] =	ssyncadd.s32 $0xFFFFFFFF  }
0xbd: {  	_ =	strace $0x9000004B  }
0xbe: {  	_ =	sfence  }
0xbf: {  	s30 =	sld [smem:$0x0];
	_ =	sdelay $0x2  }
0xc0: {  	s31 =	sshll.u32 s1, $0xD;
	s1 =	sshrl.u32 s1, $0x2  }
0xc1: {  	s3 =	sand.u32 $0x4000, s31;
	s1 =	sadd.s32 s1, s30  }
0xc2: {  	s0 =	sor.u32 s3, s0;
	s1 =	sshll.u32 s1, $0x11  }
0xc3: {  	s0 =	sor.u32 s1, s0  }
0xc4: {  	s0 =	sadd.s32 $0x8F2B, s0  }
0xc5: {  	[sflag:s0] =	ssyncadd.remote.s32 $0x1  }
0xc6: {  	_ =	sfence.sel $0xFFFF  }
0xc7: {  	[dreg:$0x0] =	wrdreg $0xFFFFFFFF;
	(pc) =	sbr.abs _section_cstart, $3  }
0xc8: {  	[dreg:$0x1] =	wrdreg $0xFFFFFFFF  }
0xc9: {  	_ =	task.clear_ibuf [dreg:s7], $0x2FFFF;
	_ =	strace $0x9FFFFFFF  }
0xca: {  	(tm) =	ssettm $0x7FFFFFFF  }
0xcb: {  	_ =	shalt  }
tec
execute0_lowered:
.L_overlay_start_1:
0x0: {  	(tag) =	ssettag $0x1  }
0x1: {  	s0 =	rddreg [dreg:$0x0]  }
0x2: {  	s1 =	rddreg [dreg:$0x1]  }
0x3: {  	s2 =	rddreg [dreg:$0x2]  }
0x4: {  	s3 =	rddreg [dreg:$0x3];
	s23 =	stileid.u32  }
0x5: {  	s6 =	srdreg.scid;
	s4 =	simm.s32 $0x0;
	s5 =	smul.u32 $0x50000, s23  }
0x6: {  	s9 =	sand.u32 $0x1, s6;
	s21 =	smul.u32 $0x5000, s23;
	[smem:$0x7FF] =	sst s4  }
0x7: {  	s25 =	sshll.u32 s23, $0xE;
	s26 =	sor.u32 $0x10, s23;
	s16 =	sshll.u32 s23, $0xA  }
0x8: {  	s13 =	sor.u32 $0x20, s23;
	s14 =	sor.u32 $0x30, s23;
	s7 =	smul.u32 $0x2800, s9  }
0x9: {  	s15 =	sor.u32 $0x40, s23;
	p0 =	seq.s32 s23, $0xF;
	s22 =	smul.u32 $0x27800, s9  }
0xa: {  	_ =	strace $0x8000004A;
	s8 =	ssub.s32 $0x2, s9;
	s10 =	smul.u32 $0x2780, s9  }
0xb: {  	s17 =	sshll.u32 s26, $0xE;
	s12 =	sshll.u32 s26, $0xA;
	s18 =	sshll.u32 s26, $0xB  }
0xc: {  	s19 =	sshll.u32 s13, $0xB;
	s9 =	smul.u32 $0x28000, s9;
	s20 =	sshll.u32 s13, $0x7  }
0xd: {  	s5 =	sadd.s32 s5, s0;
	s24 =	sshrl.u32 s8, $0x1;
	s12 =	sadd.s32 s12, s3  }
0xe: {  	s6 =	sadd.s32 s7, s21;
	s1 =	sadd.s32 s1, s10;
	s7 =	sadd.s32 s16, s3  }
0xf: {  	s16 =	sshll.u32 s23, $0xB;
	s10 =	sshll.u32 s26, $0x7;
	s21 =	sshll.u32 s14, $0xB  }
0x10: {  	s5 =	sadd.s32 s9, s5;
	s9 =	sshll.u32 s15, $0xB;
	s6 =	sshrl.u32 s6, $0x3  }
0x11: {  	s30 =	sadd.s32 $0x4000, s7;
	s31 =	sadd.s32 $0x8000, s7;
	s11 =	sadd.s32 s6, s0  }
0x12: {  	s0 =	sadd.s32 s22, s0;
	s6 =	ssub.s32 s8, s24;
	s8 =	sadd.s32 s17, s2  }
0x13: {  	s17 =	sshll.u32 s23, $0x7;
	s22 =	sshll.u32 s14, $0x7;
	s24 =	sadd.s32 s10, s1  }
0x14: {  	s10 =	sshll.u32 s13, $0xE;
	s13 =	sshll.u32 s13, $0xA;
	s0 =	sadd.s32 $0x22E00, s0  }
0x15: {  	s6 =	smax.u32 s6, $0x1;
	s23 =	sadd.s32 s17, s1;
	[dreg:$0xc] =	wrdreg s24  }
0x16: {  	s26 =	sadd.s32 s22, s1;
	s17 =	sshll.u32 s14, $0xA;
	[dreg:$0x5] =	wrdreg s6  }
0x17: {  	s22 =	sadd.s32 $0x18E00, s11;
	s24 =	sadd.s32 $0xA3A400, s5;
	[dreg:$0xb] =	wrdreg s23  }
0x18: {  	s11 =	simm.s32 $0x80;
	s16 =	sadd.s32 s16, s0;
	[dreg:$0xe] =	wrdreg s26  }
0x19: {  	s6 =	sadd.s32 s25, s2;
	s18 =	sadd.s32 s18, s0;
	[dreg:$0x6] =	wrdreg s16  }
0x1a: {  	s19 =	sadd.s32 s19, s0;
	s21 =	sadd.s32 s21, s0;
	[dreg:$0x7] =	wrdreg s18  }
0x1b: {  	s0 =	sadd.s32 @!p0 s9, s0;
	s25 =	sadd.s32 s20, s1;
	[dreg:$0x8] =	wrdreg s19  }
0x1c: {  	s26 =	sshll.u32 s15, $0xA;
	s23 =	sadd.s32 $0xF3A400, s5;
	[dreg:$0x9] =	wrdreg s21  }
0x1d: {  	s5 =	simm.s32 $0x2;
	s9 =	simm.s32 $0x1;
	[dreg:$0xa] =	wrdreg s0  }
0x1e: {  	s0 =	sshll.u32 s15, $0x7;
	[dreg:$0xd] =	wrdreg s25;
	s19 =	sadd.s32 s10, s2  }
0x1f: {  	s16 =	sshll.u32 s14, $0xE;
	s18 =	sadd.s32 s17, s3;
	s25 =	sshll.u32 s15, $0xE  }
0x20: {  	s10 =	sadd.s32 s26, s3;
	s14 =	simm.s32 $0x0;
	s0 =	sadd.s32 @!p0 s0, s1  }
0x21: {  	s20 =	sadd.s32 s16, s2;
	s21 =	sadd.s32 s25, s2;
	s1 =	sshrl.u32 s12, $0x3  }
0x22: {  	s28 =	sshrl.u32 s18, $0x3;
	s29 =	sshrl.u32 @!p0 s10, $0x3;
	s10 =	simm.s32 $0x8  }
0x23: {  	s12 =	simm.s32 $0x4000;
	[dreg:$0xf] =	wrdreg s0;
	s0 =	sadd.s32 s13, s3  }
0x24: {  	[dreg:$0x10] =	wrdreg s1;
	s1 =	sadd.s32 $0x10000, s7;
	s0 =	sshrl.u32 s0, $0x3  }
0x25: {  	v0 =	vimm.f32 $0.0e+00;
	s13 =	simm.s32 $0x4400;
	[dreg:$0x11] =	wrdreg s0;
	s0 =	sadd.s32 $0xC000, s7  }
.LBB2_1:
0x26: {  	s15 =	simm.s32 $0x0;
	s16 =	simm.s32 $0x200  }
.LBB2_2:
0x27: {  	p1 =	sne.s32 s16, $0xFE00;
	[tilespmem:s15+$0x44F0] =	vst v0  }
0x28: {  	[tilespmem:s15+$0x4480] =	vst v0  }
0x29: {  	[tilespmem:s15+$0x4490] =	vst v0  }
.Ltmp0:
0x2a: {  	[tilespmem:s15+$0x44A0] =	vst v0;
	(pc) =	sbr.rel @p1 .LBB2_2-.Ltmp0, $4  }
0x2b: {  	[tilespmem:s15+$0x44B0] =	vst v0  }
0x2c: {  	[tilespmem:s15+$0x44C0] =	vst v0  }
0x2d: {  	[tilespmem:s15+$0x44D0] =	vst v0  }
0x2e: {  	[tilespmem:s15+$0x44E0] =	vst v0;
	s15 =	sshra.s32 s16, $0x2;
	s16 =	sadd.s32 $0x200, s16  }
0x2f: {  	[tilespmem:s15+$0x44F0] =	vst v0  }
0x30: {  	[tilespmem:s15+$0x4480] =	vst v0  }
0x31: {  	[tilespmem:s15+$0x4490] =	vst v0  }
0x32: {  	[tilespmem:s15+$0x44A0] =	vst v0  }
0x33: {  	[tilespmem:s15+$0x44B0] =	vst v0  }
0x34: {  	[tilespmem:s15+$0x44C0] =	vst v0  }
0x35: {  	[tilespmem:s15+$0x44D0] =	vst v0  }
0x36: {  	[tilespmem:s15+$0x44E0] =	vst v0;
	s15 =	simm.s32 $0x4480  }
0x37: {  	[spmem:s6] =	stream.linear.scatter [tilespmem:s15], [sflag:$0x2], $0x4000, $0x38;
	[tilespmem:$0x1D440] =	vst v63  }
0x38: {  	_ =	swait.ge [sflag:s5], $0x4000  }
0x39: {  	[sflag:s5] =	ssyncset.done $0x0  }
0x3a: {  	s16 =	sadd.s32 $0x0, s7;
	[sflag:s5] =	ssyncadd.s32 $0xFFFFC000  }
0x3b: {  	[spmem:s16] =	stream.linear.scatter [tilespmem:s15], [sflag:$0x1], $0x8, $0x38;
	[tilespmem:$0x1D440] =	vst v63  }
0x3c: {  	s16 =	simm.s32 $0x20  }
.LBB2_4:
0x3d: {  	p1 =	sne.s32 s16, $0xFE0  }
.Ltmp1:
0x3e: {  	_ = 	snop;
	(pc) =	sbr.rel @p1 .LBB2_4-.Ltmp1, $4  }
0x3f: {  	_ = 	snop  }
0x40: {  	s17 =	sshra.s32 s16, $0x2;
	s16 =	sadd.s32 $0x20, s16  }
0x41: {  	s15 =	sadd.s32 $0x80, s15;
	s17 =	sadd.s32 s17, s7  }
0x42: {  	[spmem:s17] =	stream.linear.scatter [tilespmem:s15], [sflag:$0x1], $0x8, $0x38;
	[tilespmem:$0x1D440] =	vst v63  }
0x43: {  	_ =	swait.ge [sflag:s9], $0x400  }
0x44: {  	[sflag:s9] =	ssyncset.done $0x0  }
0x45: {  	s15 =	simm.s32 $0x4480;
	[sflag:s9] =	ssyncadd.s32 $0xFFFFFC00  }
0x46: {  	[spmem:s8] =	stream.linear.scatter [tilespmem:s15], [sflag:$0x2], $0x4000, $0x38;
	[tilespmem:$0x1D440] =	vst v63  }
0x47: {  	_ =	swait.ge [sflag:s5], $0x4000  }
0x48: {  	[sflag:s5] =	ssyncset.done $0x0  }
0x49: {  	s16 =	sadd.s32 $0x0, s30;
	[sflag:s5] =	ssyncadd.s32 $0xFFFFC000  }
0x4a: {  	[spmem:s16] =	stream.linear.scatter [tilespmem:s15], [sflag:$0x1], $0x8, $0x38;
	[tilespmem:$0x1D440] =	vst v63  }
0x4b: {  	s16 =	simm.s32 $0x20  }
.LBB2_6:
0x4c: {  	p1 =	sne.s32 s16, $0xFE0  }
.Ltmp2:
0x4d: {  	_ = 	snop;
	(pc) =	sbr.rel @p1 .LBB2_6-.Ltmp2, $4  }
0x4e: {  	_ = 	snop  }
0x4f: {  	s17 =	sshra.s32 s16, $0x2;
	s16 =	sadd.s32 $0x20, s16  }
0x50: {  	s15 =	sadd.s32 $0x80, s15;
	s17 =	sadd.s32 s17, s30  }
0x51: {  	[spmem:s17] =	stream.linear.scatter [tilespmem:s15], [sflag:$0x1], $0x8, $0x38;
	[tilespmem:$0x1D440] =	vst v63  }
0x52: {  	_ =	swait.ge [sflag:s9], $0x400  }
0x53: {  	[sflag:s9] =	ssyncset.done $0x0  }
0x54: {  	s15 =	simm.s32 $0x4480;
	[sflag:s9] =	ssyncadd.s32 $0xFFFFFC00  }
0x55: {  	[spmem:s19] =	stream.linear.scatter [tilespmem:s15], [sflag:$0x2], $0x4000, $0x38;
	[tilespmem:$0x1D440] =	vst v63  }
0x56: {  	_ =	swait.ge [sflag:s5], $0x4000  }
0x57: {  	[sflag:s5] =	ssyncset.done $0x0  }
0x58: {  	s16 =	sadd.s32 $0x0, s31;
	[sflag:s5] =	ssyncadd.s32 $0xFFFFC000  }
0x59: {  	[spmem:s16] =	stream.linear.scatter [tilespmem:s15], [sflag:$0x1], $0x8, $0x38;
	[tilespmem:$0x1D440] =	vst v63  }
0x5a: {  	s16 =	simm.s32 $0x20  }
.LBB2_8:
0x5b: {  	p1 =	sne.s32 s16, $0xFE0  }
.Ltmp3:
0x5c: {  	_ = 	snop;
	(pc) =	sbr.rel @p1 .LBB2_8-.Ltmp3, $4  }
0x5d: {  	_ = 	snop  }
0x5e: {  	s17 =	sshra.s32 s16, $0x2;
	s16 =	sadd.s32 $0x20, s16  }
0x5f: {  	s15 =	sadd.s32 $0x80, s15;
	s17 =	sadd.s32 s17, s31  }
0x60: {  	[spmem:s17] =	stream.linear.scatter [tilespmem:s15], [sflag:$0x1], $0x8, $0x38;
	[tilespmem:$0x1D440] =	vst v63  }
0x61: {  	_ =	swait.ge [sflag:s9], $0x400  }
0x62: {  	[sflag:s9] =	ssyncset.done $0x0  }
0x63: {  	s15 =	simm.s32 $0x4480;
	[sflag:s9] =	ssyncadd.s32 $0xFFFFFC00  }
0x64: {  	[spmem:s20] =	stream.linear.scatter [tilespmem:s15], [sflag:$0x2], $0x4000, $0x38;
	[tilespmem:$0x1D440] =	vst v63  }
0x65: {  	_ =	swait.ge [sflag:s5], $0x4000  }
0x66: {  	[sflag:s5] =	ssyncset.done $0x0  }
0x67: {  	s16 =	sadd.s32 $0x0, s0;
	[sflag:s5] =	ssyncadd.s32 $0xFFFFC000  }
0x68: {  	[spmem:s16] =	stream.linear.scatter [tilespmem:s15], [sflag:$0x1], $0x8, $0x38;
	[tilespmem:$0x1D440] =	vst v63  }
0x69: {  	s16 =	simm.s32 $0x20  }
.LBB2_10:
0x6a: {  	p1 =	sne.s32 s16, $0xFE0  }
.Ltmp4:
0x6b: {  	_ = 	snop;
	(pc) =	sbr.rel @p1 .LBB2_10-.Ltmp4, $4  }
0x6c: {  	_ = 	snop  }
0x6d: {  	s17 =	sshra.s32 s16, $0x2;
	s16 =	sadd.s32 $0x20, s16  }
0x6e: {  	s15 =	sadd.s32 $0x80, s15;
	s17 =	sadd.s32 s17, s0  }
0x6f: {  	[spmem:s17] =	stream.linear.scatter [tilespmem:s15], [sflag:$0x1], $0x8, $0x38;
	[tilespmem:$0x1D440] =	vst v63  }
.Ltmp5:
0x70: {  	(pc) =	sbr.rel @p0 .LBB2_15-.Ltmp5, $4  }
0x71: {  	_ = 	snop  }
0x72: {  	_ =	swait.ge [sflag:s9], $0x400  }
0x73: {  	[sflag:s9] =	ssyncset.done $0x0  }
0x74: {  	[sflag:s9] =	ssyncadd.s32 $0xFFFFFC00  }
0x75: {  	s15 =	simm.s32 $0x4480  }
0x76: {  	[spmem:s21] =	stream.linear.scatter [tilespmem:s15], [sflag:$0x2], $0x4000, $0x38;
	[tilespmem:$0x1D440] =	vst v63  }
0x77: {  	_ =	swait.ge [sflag:s5], $0x4000  }
0x78: {  	[sflag:s5] =	ssyncset.done $0x0  }
0x79: {  	s16 =	sadd.s32 $0x0, s1;
	[sflag:s5] =	ssyncadd.s32 $0xFFFFC000  }
0x7a: {  	[spmem:s16] =	stream.linear.scatter [tilespmem:s15], [sflag:$0x1], $0x8, $0x38;
	[tilespmem:$0x1D440] =	vst v63  }
0x7b: {  	s16 =	simm.s32 $0x20  }
.LBB2_13:
0x7c: {  	p1 =	sne.s32 s16, $0xFE0  }
.Ltmp6:
0x7d: {  	_ = 	snop;
	(pc) =	sbr.rel @p1 .LBB2_13-.Ltmp6, $4  }
0x7e: {  	_ = 	snop  }
0x7f: {  	s17 =	sshra.s32 s16, $0x2;
	s16 =	sadd.s32 $0x20, s16  }
0x80: {  	s15 =	sadd.s32 $0x80, s15;
	s17 =	sadd.s32 s17, s1  }
0x81: {  	[spmem:s17] =	stream.linear.scatter [tilespmem:s15], [sflag:$0x1], $0x8, $0x38;
	[tilespmem:$0x1D440] =	vst v63  }
0x82: {  	_ =	swait.ge [sflag:s9], $0x400  }
0x83: {  	[sflag:s9] =	ssyncset.done $0x0  }
0x84: {  	[sflag:s9] =	ssyncadd.s32 $0xFFFFFC00  }
.LBB2_15:
0x85: {  	[bflag:$0x0] =	sbarrier.arrive $0xFFFF;
	s15 =	sadd.s32 $0x0, s24  }
0x86: {  	[tilespmem:s4], [sflag:$0x1] =	stream.linear.gather [hbm4b:s15+s4], $0x4000, $0x38;
	[tilespmem:$0x1D440] =	vst v63  }
0x87: {  	_ =	swait.ge [sflag:s9], $0x4000  }
0x88: {  	[sflag:s9] =	ssyncset.done $0x0  }
0x89: {  	s26 =	sadd.s32 $0x0, s23;
	[sflag:s9] =	ssyncadd.s32 $0xFFFFC000  }
0x8a: {  	[tilespmem:s12], [sflag:$0x1] =	stream.strided.gather [hbm4b:s26+s10], $0x400, s11, s10, $0x38;
	[tilespmem:$0x1D440] =	vst v63  }
0x8b: {  	_ =	swait.ge [sflag:s9], $0x400  }
0x8c: {  	[sflag:s9] =	ssyncset.done $0x0  }
0x8d: {  	[sflag:s9] =	ssyncadd.s32 $0xFFFFFC00  }
0x8e: {  	[tilespmem:s13], [sflag:$0x1] =	stream.linear.gather [hbm4b:s22+s4], $0x80, $0x38;
	[tilespmem:$0x1D440] =	vst v63  }
0x8f: {  	_ =	swait.ge [sflag:s9], $0x80  }
0x90: {  	[sflag:s9] =	ssyncset.done $0x0  }
0x91: {  	[sflag:s9] =	ssyncadd.s32 $0xFFFFFF80  }
0x92: {  	[spmem:s2] =	stream.indirect.scatter.add.f32 [tilespmem:s4], [sflag:$0x1], $0x80, s13, s11, $0xb8;
	[tilespmem:$0x1D440] =	vst v63  }
0x93: {  	_ =	swait.ge [sflag:s9], $0x4000  }
0x94: {  	[sflag:s9] =	ssyncset.done $0x0  }
0x95: {  	[sflag:s9] =	ssyncadd.s32 $0xFFFFC000  }
0x96: {  	[spmem:s3] =	stream.indirect.scatter.add.f32 [tilespmem:s12], [sflag:$0x1], $0x8, s13, s11, $0xb8;
	[tilespmem:$0x1D440] =	vst v63  }
0x97: {  	s16 =	simm.s32 $0x800;
	_ =	swait.ge [sflag:s9], $0x400  }
0x98: {  	s17 =	simm.s32 $0x1000;
	s15 =	sadd.s32 $0x10, s22;
	[sflag:s9] =	ssyncset.done $0x0  }
.LBB2_16:
0x99: {  	s18 =	sadd.s32 s16, s24  }
0x9a: {  	[sflag:s9] =	ssyncadd.s32 $0xFFFFFC00;
	s25 =	smov.u32 s17;
	s26 =	sadd.s32 $0x800, s17  }
0x9b: {  	[tilespmem:s4], [sflag:$0x1] =	stream.linear.gather [hbm4b:s18+s4], $0x4000, $0x38;
	[tilespmem:$0x1D440] =	vst v63  }
0x9c: {  	p1 =	sne.s32 s17, $0x27800;
	_ =	swait.ge [sflag:s9], $0x4000  }
0x9d: {  	[sflag:s9] =	ssyncset.done $0x0  }
0x9e: {  	s17 =	sadd.s32 s16, s23;
	s16 =	smov.u32 s25;
	[sflag:s9] =	ssyncadd.s32 $0xFFFFC000  }
0x9f: {  	[tilespmem:s12], [sflag:$0x1] =	stream.strided.gather [hbm4b:s17+s10], $0x400, s11, s10, $0x38;
	[tilespmem:$0x1D440] =	vst v63  }
0xa0: {  	_ =	swait.ge [sflag:s9], $0x400  }
0xa1: {  	[sflag:s9] =	ssyncset.done $0x0  }
0xa2: {  	[sflag:s9] =	ssyncadd.s32 $0xFFFFFC00  }
0xa3: {  	[tilespmem:s13], [sflag:$0x1] =	stream.linear.gather [hbm4b:s15+s4], $0x80, $0x38;
	[tilespmem:$0x1D440] =	vst v63  }
0xa4: {  	_ =	swait.ge [sflag:s9], $0x80  }
0xa5: {  	[sflag:s9] =	ssyncset.done $0x0  }
0xa6: {  	[sflag:s9] =	ssyncadd.s32 $0xFFFFFF80  }
0xa7: {  	[spmem:s2] =	stream.indirect.scatter.add.f32 [tilespmem:s4], [sflag:$0x1], $0x80, s13, s11, $0xb8;
	[tilespmem:$0x1D440] =	vst v63  }
0xa8: {  	_ =	swait.ge [sflag:s9], $0x4000  }
.Ltmp7:
0xa9: {  	[sflag:s9] =	ssyncset.done $0x0;
	(pc) =	sbr.rel @p1 .LBB2_16-.Ltmp7, $4  }
0xaa: {  	[sflag:s9] =	ssyncadd.s32 $0xFFFFC000  }
0xab: {  	[spmem:s3] =	stream.indirect.scatter.add.f32 [tilespmem:s12], [sflag:$0x1], $0x8, s13, s11, $0xb8;
	[tilespmem:$0x1D440] =	vst v63  }
0xac: {  	_ =	swait.ge [sflag:s9], $0x400  }
0xad: {  	s17 =	smov.u32 s26;
	s15 =	sadd.s32 $0x10, s15;
	[sflag:s9] =	ssyncset.done $0x0  }
0xae: {  	s17 =	sadd.s32 s16, s24;
	[sflag:s9] =	ssyncadd.s32 $0xFFFFFC00  }
0xaf: {  	[tilespmem:s4], [sflag:$0x1] =	stream.linear.gather [hbm4b:s17+s4], $0x4000, $0x38;
	[tilespmem:$0x1D440] =	vst v63  }
0xb0: {  	_ =	swait.ge [sflag:s9], $0x4000  }
0xb1: {  	[sflag:s9] =	ssyncset.done $0x0  }
0xb2: {  	s18 =	sadd.s32 s16, s23;
	[sflag:s9] =	ssyncadd.s32 $0xFFFFC000  }
0xb3: {  	[tilespmem:s12], [sflag:$0x1] =	stream.strided.gather [hbm4b:s18+s10], $0x400, s11, s10, $0x38;
	[tilespmem:$0x1D440] =	vst v63  }
0xb4: {  	_ =	swait.ge [sflag:s9], $0x400  }
0xb5: {  	[sflag:s9] =	ssyncset.done $0x0  }
0xb6: {  	[sflag:s9] =	ssyncadd.s32 $0xFFFFFC00  }
0xb7: {  	[tilespmem:s13], [sflag:$0x1] =	stream.linear.gather [hbm4b:s15+s4], $0x80, $0x38;
	[tilespmem:$0x1D440] =	vst v63  }
0xb8: {  	_ =	swait.ge [sflag:s9], $0x80  }
0xb9: {  	[sflag:s9] =	ssyncset.done $0x0  }
0xba: {  	[sflag:s9] =	ssyncadd.s32 $0xFFFFFF80  }
0xbb: {  	[spmem:s2] =	stream.indirect.scatter.add.f32 [tilespmem:s4], [sflag:$0x1], $0x80, s13, s11, $0xb8;
	[tilespmem:$0x1D440] =	vst v63  }
0xbc: {  	_ =	swait.ge [sflag:s9], $0x4000  }
0xbd: {  	[sflag:s9] =	ssyncset.done $0x0  }
0xbe: {  	[sflag:s9] =	ssyncadd.s32 $0xFFFFC000  }
0xbf: {  	[spmem:s3] =	stream.indirect.scatter.add.f32 [tilespmem:s12], [sflag:$0x1], $0x8, s13, s11, $0xb8;
	[tilespmem:$0x1D440] =	vst v63  }
0xc0: {  	_ =	swait.ge [sflag:s9], $0x400  }
0xc1: {  	[sflag:s9] =	ssyncset.done $0x0  }
0xc2: {  	s25 =	stileid.u32;
	[sflag:s9] =	ssyncadd.s32 $0xFFFFFC00  }
0xc3: {  	s15 =	sshll.u32 s25, $0x6;
	[bflag:$0x0] =	sbarrier.arrive $0xFFFF  }
0xc4: {  	s26 =	sshrl.u32 s6, $0x3;
	s16 =	sor.u32 $0x1C02, s15;
	s18 =	rddreg [dreg:$0x6]  }
0xc5: {  	[hbm:s18], [sflag:s16] =	dma.local [spmem:s26], $0x800  }
0xc6: {  	_ =	swait.ge [sflag:s5], $0x800  }
0xc7: {  	s25 =	sshrl.u32 s7, $0x3;
	[sflag:s5] =	ssyncset.done $0x0  }
0xc8: {  	s15 =	sor.u32 $0x1C01, s15;
	s26 =	rddreg [dreg:$0xb];
	[sflag:s5] =	ssyncadd.s32 $0xFFFFF800  }
0xc9: {  	[hbm:s26], [sflag:s15] =	dma.local [spmem:s25], $0x80  }
0xca: {  	_ =	swait.ge [sflag:s9], $0x80  }
0xcb: {  	[sflag:s9] =	ssyncset.done $0x0  }
0xcc: {  	s25 =	sshrl.u32 s8, $0x3;
	s26 =	rddreg [dreg:$0x7];
	[sflag:s9] =	ssyncadd.s32 $0xFFFFFF80  }
0xcd: {  	[hbm:s26], [sflag:s16] =	dma.local [spmem:s25], $0x800  }
0xce: {  	_ =	swait.ge [sflag:s5], $0x800  }
0xcf: {  	[sflag:s5] =	ssyncset.done $0x0;
	s25 =	rddreg [dreg:$0xc]  }
0xd0: {  	s26 =	rddreg [dreg:$0x10];
	[sflag:s5] =	ssyncadd.s32 $0xFFFFF800  }
0xd1: {  	[hbm:s25], [sflag:s15] =	dma.local [spmem:s26], $0x80  }
0xd2: {  	_ =	swait.ge [sflag:s9], $0x80  }
0xd3: {  	[sflag:s9] =	ssyncset.done $0x0  }
0xd4: {  	s25 =	sshrl.u32 s19, $0x3;
	s26 =	rddreg [dreg:$0x8];
	[sflag:s9] =	ssyncadd.s32 $0xFFFFFF80  }
0xd5: {  	[hbm:s26], [sflag:s16] =	dma.local [spmem:s25], $0x800  }
0xd6: {  	_ =	swait.ge [sflag:s5], $0x800  }
0xd7: {  	[sflag:s5] =	ssyncset.done $0x0;
	s25 =	rddreg [dreg:$0xd]  }
0xd8: {  	s26 =	rddreg [dreg:$0x11];
	[sflag:s5] =	ssyncadd.s32 $0xFFFFF800  }
0xd9: {  	[hbm:s25], [sflag:s15] =	dma.local [spmem:s26], $0x80  }
0xda: {  	_ =	swait.ge [sflag:s9], $0x80  }
0xdb: {  	[sflag:s9] =	ssyncset.done $0x0  }
0xdc: {  	s25 =	sshrl.u32 s20, $0x3;
	s26 =	rddreg [dreg:$0x9];
	[sflag:s9] =	ssyncadd.s32 $0xFFFFFF80  }
0xdd: {  	[hbm:s26], [sflag:s16] =	dma.local [spmem:s25], $0x800  }
0xde: {  	_ =	swait.ge [sflag:s5], $0x800  }
0xdf: {  	[sflag:s5] =	ssyncset.done $0x0  }
0xe0: {  	s25 =	rddreg [dreg:$0xe];
	[sflag:s5] =	ssyncadd.s32 $0xFFFFF800  }
0xe1: {  	[hbm:s25], [sflag:s15] =	dma.local [spmem:s28], $0x80  }
0xe2: {  	_ =	swait.ge [sflag:s9], $0x80  }
0xe3: {  	[sflag:s9] =	ssyncset.done $0x0  }
0xe4: {  	s17 =	sshrl.u32 @!p0 s21, $0x3;
	s18 =	rddreg [dreg:$0xa];
	[sflag:s9] =	ssyncadd.s32 $0xFFFFFF80  }
0xe5: {  	[hbm:s18], [sflag:s16] =	dma.local @!p0 [spmem:s17], $0x800  }
0xe6: {  	s16 =	simm.s32 @!p0 $0x2  }
0xe7: {  	_ =	swait.ge @!p0 [sflag:s16], $0x800  }
0xe8: {  	[sflag:s16] =	ssyncset.done @!p0 $0x0  }
0xe9: {  	[sflag:s16] =	ssyncadd.s32 @!p0 $0xFFFFF800;
	s16 =	rddreg [dreg:$0xf]  }
0xea: {  	[hbm:s16], [sflag:s15] =	dma.local @!p0 [spmem:s29], $0x80  }
0xeb: {  	s15 =	simm.s32 @!p0 $0x1  }
0xec: {  	_ =	swait.ge @!p0 [sflag:s15], $0x80  }
0xed: {  	s14 =	sadd.s32 $0x1, s14;
	s26 =	rddreg [dreg:$0x5]  }
0xee: {  	p1 =	sne.s32 s14, s26  }
.Ltmp8:
0xef: {  	_ = 	snop;
	(pc) =	sbr.rel @p1 .LBB2_1-.Ltmp8, $3  }
0xf0: {  	_ =	sdelay $0x1  }
0xf1: {  	[sflag:s15] =	ssyncset.done @!p0 $0x0  }
0xf2: {  	[sflag:s15] =	ssyncadd.s32 @!p0 $0xFFFFFF80  }
0xf3: {  	_ =	sfence.sel $0x180000  }
0xf4: {  	[bflag:$0x0] =	sbarrier.arrive $0xFFFF  }
0xf5: {  	_ =	strace $0x9000004A  }
0xf6: {  	s0 =	stileid.u32;
	[bflag:$0x2] =	sbarrier.arrive $0xFFFF  }
0xf7: {  	p0 =	sne.s32 s0, $0x0;
	s0 =	rddreg [dreg:$0x4]  }
0xf8: {  	s0 =	sadd.s32 @!p0 $0x100000, s0  }
0xf9: {  	[sflag:s0] =	ssyncadd.tile.s32 @!p0 $0x1;
	_ =	shalt  }
.Lfunc_end2:
_tile_overlayer_lowered:
.L_overlay_start_2:
0xfa: {  	(tag) =	ssettag $0x2  }
0xfb: {  	s0 =	rddreg [dreg:$0x0];
	s2 =	stileid.u32  }
0xfc: {  	s1 =	rddreg [dreg:$0x1];
	p0 =	sne.s32 s2, $0x0  }
0xfd: {  	s3 =	rddreg [dreg:$0x2];
	[bflag:$0x3] =	sbarrier.arrive $0xFFFF;
	s2 =	simm.s32 @!p0 $0x1C01  }
0xfe: {  	[timem:s3], [sflag:s2] =	dma.local @!p0 [hbm:s0], s1  }
0xff: {  	s0 =	simm.s32 @!p0 $0x1  }
0x100: {  	_ =	swait.ge @!p0 [sflag:s0], s1  }
0x101: {  	s1 =	ssub.s32 @!p0 $0x0, s1;
	[sflag:s0] =	ssyncset.done @!p0 $0x0  }
0x102: {  	[sflag:s0] =	ssyncadd.s32 @!p0 s1  }
0x103: {  	[bflag:$0x3] =	sbarrier.arrive $0xFFFF  }
0x104: {  	_ =	shalt  }

// kernel: kernel.7.cloned.1.call-start
scs
__scs_entry_jumppad:
0x0: {  	(pc) =	sbr.rel $0x88, $3  }
0x1: {  	(tag) =	ssettag $0x0;
	lr =	simm.s32 $0x1  }
0x2: {  	[smem:$0x3F90] =	sst lr;
	_ =	strace $0xD0000000  }
0x3: {  	_ = 	snop  }
0x4: {  	_ = 	snop  }
0x5: {  	_ = 	snop  }
0x6: {  	_ = 	snop  }
0x7: {  	_ = 	snop  }
__scs_overlays_trampoline_lowered:
0x8: {  	[smem:$0x3F9F] =	sst s0  }
0x9: {  	[smem:$0x3FA0] =	sst s1  }
0xa: {  	[smem:$0x3FA1] =	sst s2  }
0xb: {  	[smem:$0x3FA2] =	sst s3  }
0xc: {  	[smem:$0x3FA3] =	sst s4  }
0xd: {  	[smem:$0x3FA4] =	sst s5  }
0xe: {  	[smem:$0x3FA5] =	sst s6  }
0xf: {  	[smem:$0x3FA6] =	sst s7  }
0x10: {  	[smem:$0x3FA7] =	sst s8  }
0x11: {  	[smem:$0x3FA8] =	sst s9;
	s0 =	simm.s32 @!p0 $0x0  }
0x12: {  	s1 =	sld [smem:$0x3F8E];
	s0 =	simm.s32 @p0 $0x1  }
0x13: {  	[smem:$0x3FA9] =	sst s0;
	s0 =	simm.s32 @!p1 $0x0  }
0x14: {  	s2 =	sld [smem:$0x3F8D];
	s0 =	simm.s32 @p1 $0x1  }
0x15: {  	[smem:$0x3FAA] =	sst s0;
	s0 =	simm.s32 @!p2 $0x0  }
0x16: {  	s3 =	sld [smem:$0x3FDB];
	s0 =	simm.s32 @p2 $0x1  }
0x17: {  	s4 =	simm.s32 $0x1BF5;
	[smem:$0x3FAC] =	sst s0  }
0x18: {  	s0 =	sld [smem:$0x3F8F];
	_ =	swait.ge [sflag:s4], $0x0  }
0x19: {  	s7 =	sld [smem:$0x3F90]  }
0x1a: {  	s8 =	sadd.s32 $0xFFFFE003, lr  }
0x1b: {  	s9 =	sadd.s32 $0xFFFFFEF7, lr;
	s5 =	simm.s32 $0xFFFFFFFF;
	p2 =	slt.u32 s8, $0xFFFFF086  }
0x1c: {  	p1 =	slt.u32 s9, $0xF7A;
	s5 =	simm.s32 @!p2 $0x0  }
0x1d: {  	s5 =	simm.s32 @p1 $0x1;
	p0 =	seq.s32 s7, s2  }
0x1e: {  	s7 =	smul.u32 @!p0 $0xF7A, s2;
	p2 =	seq.s32 @!p0 s5, $0x0  }
0x1f: {  	s9 =	smul.u32 $0xF7A, s1;
	s8 =	simm.s32 @!p0 $0x1BF5;
	p2 =	por !p2, p0  }
0x20: {  	[sflag:s8] =	ssyncset.s32 @!p0 $0xFFFFF086;
	s6 =	sadd.s32 @!p0 s3, s7;
	s7 =	simm.s32 @!p0 $0x108  }
0x21: {  	s3 =	sadd.s32 s3, s9;
	s6 =	sadd.s32 @!p0 $0x88, s6;
	s7 =	simm.s32 @p2 $0x1082  }
0x22: {  	[simem:s7], [sflag:s8] =	dma.local @!p0 [hbm:s6], $0xF7A  }
0x23: {  	s9 =	sor.u32 $0xD0000000, s2;
	s6 =	simm.s32 $0x108;
	_ =	swait.ge @!p0 [sflag:s8], $0x0  }
0x24: {  	s3 =	sadd.s32 $0x88, s3;
	s6 =	simm.s32 @!p1 $0x1082;
	[sflag:s4] =	ssyncset.s32 $0xFFFFF086  }
0x25: {  	[simem:s6], [sflag:s4] =	dma.local [hbm:s3], $0xF7A  }
0x26: {  	[smem:$0x3F90] =	sst s1;
	(tag) =	ssettag s2;
	_ =	strace s9  }
0x27: {  	s1 =	sld [smem:$0x3FA0]  }
0x28: {  	s2 =	sld [smem:$0x3FA1]  }
0x29: {  	s4 =	sld [smem:$0x3FA3]  }
0x2a: {  	p0 =	seq.s32 s5, $0x0;
	s5 =	sld [smem:$0x3FA4]  }
0x2b: {  	s6 =	sld [smem:$0x3FA5]  }
0x2c: {  	s7 =	sld [smem:$0x3FA6]  }
0x2d: {  	s3 =	simm.s32 $0x108;
	s8 =	sld [smem:$0x3FA7]  }
0x2e: {  	s3 =	simm.s32 @!p0 $0x1082;
	s9 =	sld [smem:$0x3FA8]  }
0x2f: {  	lr =	sadd.s32 s0, s3;
	s0 =	sld [smem:$0x3F9F]  }
0x30: {  	s3 =	sld [smem:$0x3FA2]  }
0x31: {  	[smem:$0x3FAB] =	sst s10  }
0x32: {  	s10 =	sld [smem:$0x3FA9];
	_ =	sdelay $0x3  }
0x33: {  	p0 =	seq.s32 s10, $0x1;
	s10 =	sld [smem:$0x3FAB];
	_ =	sdelay $0x3  }
0x34: {  	[smem:$0x3FAB] =	sst s10  }
0x35: {  	s10 =	sld [smem:$0x3FAA];
	_ =	sdelay $0x3  }
0x36: {  	p1 =	seq.s32 s10, $0x1;
	s10 =	sld [smem:$0x3FAB];
	_ =	sdelay $0x3  }
0x37: {  	[smem:$0x3FAB] =	sst s10  }
0x38: {  	s10 =	sld [smem:$0x3FAC]  }
0x39: {  	_ = 	snop;
	(pc) =	sbr.ind lr, $3  }
0x3a: {  	_ = 	snop  }
0x3b: {  	_ = 	snop  }
0x3c: {  	p2 =	seq.s32 s10, $0x1;
	s10 =	sld [smem:$0x3FAB]  }
0x3d: {  	_ =	shalt  }
0x3e: {  	_ =	shalt  }
0x3f: {  	_ =	shalt  }
0x40: {  	_ =	shalt  }
0x41: {  	_ =	shalt  }
0x42: {  	_ =	shalt  }
0x43: {  	_ =	shalt  }
0x44: {  	_ =	shalt  }
0x45: {  	_ =	shalt  }
0x46: {  	_ =	shalt  }
0x47: {  	_ =	shalt  }
0x48: {  	_ =	shalt  }
0x49: {  	_ =	shalt  }
0x4a: {  	_ =	shalt  }
0x4b: {  	_ =	shalt  }
0x4c: {  	_ =	shalt  }
0x4d: {  	_ =	shalt  }
0x4e: {  	_ =	shalt  }
0x4f: {  	_ =	shalt  }
0x50: {  	_ =	shalt  }
0x51: {  	_ =	shalt  }
0x52: {  	_ =	shalt  }
0x53: {  	_ =	shalt  }
0x54: {  	_ =	shalt  }
0x55: {  	_ =	shalt  }
0x56: {  	_ =	shalt  }
0x57: {  	_ =	shalt  }
0x58: {  	_ =	shalt  }
0x59: {  	_ =	shalt  }
0x5a: {  	_ =	shalt  }
0x5b: {  	_ =	shalt  }
0x5c: {  	_ =	shalt  }
0x5d: {  	_ =	shalt  }
0x5e: {  	_ =	shalt  }
0x5f: {  	_ =	shalt  }
0x60: {  	_ =	shalt  }
0x61: {  	_ =	shalt  }
0x62: {  	_ =	shalt  }
0x63: {  	_ =	shalt  }
0x64: {  	_ =	shalt  }
0x65: {  	_ =	shalt  }
0x66: {  	_ =	shalt  }
0x67: {  	_ =	shalt  }
0x68: {  	_ =	shalt  }
0x69: {  	_ =	shalt  }
0x6a: {  	_ =	shalt  }
0x6b: {  	_ =	shalt  }
0x6c: {  	_ =	shalt  }
0x6d: {  	_ =	shalt  }
0x6e: {  	_ =	shalt  }
0x6f: {  	_ =	shalt  }
0x70: {  	_ =	shalt  }
0x71: {  	_ =	shalt  }
0x72: {  	_ =	shalt  }
0x73: {  	_ =	shalt  }
0x74: {  	_ =	shalt  }
0x75: {  	_ =	shalt  }
0x76: {  	_ =	shalt  }
0x77: {  	_ =	shalt  }
0x78: {  	_ =	shalt  }
0x79: {  	_ =	shalt  }
0x7a: {  	_ =	shalt  }
0x7b: {  	_ =	shalt  }
0x7c: {  	_ =	shalt  }
0x7d: {  	_ =	shalt  }
0x7e: {  	_ =	shalt  }
0x7f: {  	_ =	shalt  }
0x80: {  	_ =	shalt  }
0x81: {  	_ =	shalt  }
0x82: {  	_ =	shalt  }
0x83: {  	_ =	shalt  }
0x84: {  	_ =	shalt  }
0x85: {  	_ =	shalt  }
0x86: {  	_ =	shalt  }
0x87: {  	_ =	shalt  }
.Lfunc_end0:
.L_simem_size_0:
called_computation_lowered:
.L_overlay_start_0:
0x88: {  	s2 =	sld [smem:$0x3FD9]  }
0x89: {  	s3 =	sld [smem:$0x3FFE];
	_ =	sdelay $0x1  }
0x8a: {  	s1 =	srdreg.scid  }
0x8b: {  	s0 =	sand.u32 $0x1, s1  }
0x8c: {  	s14 =	sshll.u32 s0, $0xA;
	s2 =	sadd.s32 s3, s2  }
0x8d: {  	s2 =	sadd.s32 s2, s14  }
0x8e: {  	[smem:$0x3FB7] =	sst s2  }
0x8f: {  	_ = 	snop  }
0x90: {  	s2 =	sld [smem:$0x3FD0];
	_ =	sdelay $0x2  }
0x91: {  	s15 =	simm.s32 $0xA;
	s4 =	simm.s32 $0x10  }
0x92: {  	[smem:s4], [sflag:s15] =	dma.local [hbm:s2], $0x1  }
0x93: {  	_ =	swait.eq [sflag:s15], $0x1  }
0x94: {  	[sflag:s15] =	ssyncset.done $0x0  }
0x95: {  	[sflag:s15] =	ssyncadd.s32 $0xFFFFFFFF  }
0x96: {  	s16 =	sld [smem:$0x10];
	(tm) =	ssettm $0x1  }
0x97: {  	s17 =	sld [smem:$0x3FFB];
	_ =	sdelay $0x3  }
0x98: {  	_ =	strace s17  }
0x99: {  	s3 =	sld [smem:$0x3FFC];
	_ =	sdelay $0x3  }
0x9a: {  	_ =	strace s3  }
0x9b: {  	s3 =	sld [smem:$0x3FFD];
	_ =	sdelay $0x3  }
0x9c: {  	_ =	strace s3  }
0x9d: {  	_ =	strace $0x8FFFFFFF  }
0x9e: {  	s18 =	sld [smem:$0x3FDB];
	_ =	sdelay $0x1  }
0x9f: {  	s19 =	simm.s32 $_scs_section_size  }
0xa0: {  	s5 =	simm.s32 $_size__tile_overlayer_lowered;
	s6 =	simm.s32 $_tile_overlayer_lowered  }
0xa1: {  	s22 =	simm.s32 $0x1BFF;
	s21 =	sshll.u32 s6, $0x1;
	s3 =	sadd.s32 s19, s18  }
0xa2: {  	s7 =	simm.s32 $0x0;
	s20 =	sshll.u32 s5, $0x1;
	s5 =	sadd.s32 s21, s3  }
0xa3: {  	[timem:s7], [sflag:s22] =	dma.local [hbm:s5], s20  }
0xa4: {  	_ =	swait.ge [sflag:s22], s20  }
0xa5: {  	s4 =	ssub.s32 $0x0, s20;
	[sflag:s22] =	ssyncset.done $0x0  }
0xa6: {  	[sflag:s22] =	ssyncadd.s32 s4;
	_ =	sdelay $0x1  }
0xa7: {  	s23 =	simm.s32 $0x1B8B  }
0xa8: {  	_ =	swait.ge [sflag:s23], $0x1  }
0xa9: {  	[sflag:s23] =	ssyncset.done $0x0  }
0xaa: {  	s25 =	simm.s32 $0x1B8E;
	s24 =	sld [smem:$0x3FFE];
	[sflag:s23] =	ssyncadd.s32 $0xFFFFFFFF  }
0xab: {  	s26 =	simm.s32 $execute0_lowered;
	[smem:$0x3FD2] =	sst s25  }
0xac: {  	s5 =	sshll.u32 s26, $0x1;
	_ =	strace $0x80000046;
	[dreg:$0x1] =	wrdreg $0xFFFFFFFF  }
0xad: {  	s28 =	simm.s32 $_size_execute0_lowered;
	s3 =	sadd.s32 s3, s5;
	[dreg:$0x0] =	wrdreg $0x0  }
0xae: {  	s5 =	sshll.u32 s28, $0x1;
	[dreg:$0x2] =	wrdreg s3  }
0xaf: {  	[dreg:$0x3] =	wrdreg s5  }
0xb0: {  	[dreg:$0x4] =	wrdreg $0xC0  }
0xb1: {  	_ =	task [dreg:s7], $0x5FFFF  }
0xb2: {  	[dreg:$0x1] =	wrdreg $0xFFFFFFFF  }
0xb3: {  	[dreg:$0x0] =	wrdreg $0x60  }
0xb4: {  	[dreg:$0x2] =	wrdreg s16  }
0xb5: {  	[dreg:$0x3] =	wrdreg s24  }
0xb6: {  	[dreg:$0x4] =	wrdreg $0x9  }
0xb7: {  	_ =	task.clear_ibuf [dreg:s7], $0x5FFFF;
	_ =	strace $0x90000046  }
0xb8: {  	s29 =	simm.s32 $0x9;
	_ =	strace $0x80000048  }
0xb9: {  	_ =	swait.ge [sflag:s29], $0x1  }
0xba: {  	[sflag:s29] =	ssyncadd.s32 $0xFFFFFFFF  }
0xbb: {  	_ =	strace $0x90000048  }
0xbc: {  	_ =	sfence  }
0xbd: {  	s30 =	sld [smem:$0x0];
	_ =	sdelay $0x2  }
0xbe: {  	s31 =	sshll.u32 s1, $0xD;
	s1 =	sshrl.u32 s1, $0x2  }
0xbf: {  	s3 =	sand.u32 $0x4000, s31;
	s1 =	sadd.s32 s1, s30  }
0xc0: {  	s0 =	sor.u32 s3, s0;
	s1 =	sshll.u32 s1, $0x11  }
0xc1: {  	s0 =	sor.u32 s1, s0  }
0xc2: {  	s0 =	sadd.s32 $0x8F2B, s0  }
0xc3: {  	[sflag:s0] =	ssyncadd.remote.s32 $0x1  }
0xc4: {  	_ =	sfence.sel $0xFFFF  }
0xc5: {  	[dreg:$0x0] =	wrdreg $0xFFFFFFFF;
	(pc) =	sbr.abs _section_cstart, $3  }
0xc6: {  	[dreg:$0x1] =	wrdreg $0xFFFFFFFF  }
0xc7: {  	_ =	task.clear_ibuf [dreg:s7], $0x2FFFF;
	_ =	strace $0x9FFFFFFF  }
0xc8: {  	(tm) =	ssettm $0x7FFFFFFF  }
0xc9: {  	_ =	shalt  }
tec
execute0_lowered:
.L_overlay_start_1:
0x0: {  	(tag) =	ssettag $0x1  }
0x1: {  	s2 =	rddreg [dreg:$0x0]  }
0x2: {  	s0 =	rddreg [dreg:$0x1];
	s3 =	stileid.u32  }
0x3: {  	s1 =	srdreg.scid;
	s16 =	simm.s32 $0x80;
	s23 =	simm.s32 $0x15400  }
0x4: {  	s24 =	simm.s32 $0x15C00;
	s25 =	simm.s32 $0x1;
	s28 =	simm.s32 $0x5  }
0x5: {  	s29 =	simm.s32 $0x7;
	s31 =	simm.s32 $0x8;
	s17 =	simm.s32 $0xD  }
0x6: {  	s18 =	simm.s32 $0x2;
	s13 =	simm.s32 $0x11000;
	s19 =	simm.s32 $0x0  }
0x7: {  	s5 =	smul.u32 $0x2800, s3;
	s3 =	simm.s32 $0x0;
	s7 =	sadd.s32 $0x3A200, s0  }
0x8: {  	s1 =	sand.u32 $0x1, s1;
	s8 =	sadd.s32 $0x53A200, s0;
	s12 =	sadd.s32 $0x53A201, s0  }
0x9: {  	[smem:$0x7FF] =	sst s3;
	p0 =	seq.s32 s1, $0x0;
	s1 =	ssub.s32 $0x2, s1  }
0xa: {  	s4 =	sadd.s32 $0x28000, s5;
	_ =	strace $0x80000047;
	s10 =	sshrl.u32 s1, $0x1  }
0xb: {  	s4 =	smov.u32 @p0 s5;
	s5 =	sadd.s32 $0x5200, s0;
	s1 =	ssub.s32 s1, s10  }
0xc: {  	s10 =	simm.s32 $0x6;
	s6 =	sshrl.u32 s4, $0x3;
	s11 =	sshll.u32 s4, $0x4  }
0xd: {  	s30 =	smax.u32 s1, $0x1;
	s1 =	simm.s32 $0x9;
	s9 =	sadd.s32 s6, s0  }
0xe: {  	s6 =	sadd.s32 $0x22E00, s0;
	[dreg:$0x5] =	wrdreg s30;
	s26 =	sadd.s32 $0x2FC00, s9  }
0xf: {  	s0 =	simm.s32 $0xB;
	s9 =	sadd.s32 $0x25600, s9;
	[dreg:$0x3] =	wrdreg s26  }
0x10: {  	[dreg:$0x4] =	wrdreg s9;
	s26 =	simm.s32 $0x3;
	s9 =	simm.s32 $0x4  }
.LBB2_1:
0x11: {  	[dreg:$0x6] =	wrdreg s19  }
0x12: {  	s14 =	rddreg [dreg:$0x3];
	s15 =	simm.s32 $0xF  }
0x13: {  	[tilespmem:s3], [sflag:$0xF] =	stream.linear.gather [hbm4b:s14+s3], $0x2800, $0x38;
	[tilespmem:$0x16000] =	vst v63  }
0x14: {  	_ =	swait.ge [sflag:s15], $0x2800  }
0x15: {  	[sflag:s15] =	ssyncset.done $0x0  }
0x16: {  	s19 =	simm.s32 $0x2800;
	s30 =	rddreg [dreg:$0x4];
	[sflag:s15] =	ssyncadd.s32 $0xFFFFD800  }
0x17: {  	[tilespmem:s19], [sflag:$0xF] =	stream.linear.gather [hbm4b:s30+s3], $0x2800, $0x38;
	[tilespmem:$0x16000] =	vst v63  }
0x18: {  	_ =	swait.ge [sflag:s15], $0x2800  }
0x19: {  	[sflag:s15] =	ssyncset.done $0x0  }
0x1a: {  	s20 =	simm.s32 $0x5000;
	[sflag:s15] =	ssyncadd.s32 $0xFFFFD800  }
0x1b: {  	[tilespmem:s20], [sflag:$0x1] =	stream.indirect.gather [hbm4b:s2+s16], $0x40, s19, s16, $0xb8;
	[tilespmem:$0x16000] =	vst v63  }
0x1c: {  	s21 =	simm.s32 $0x9000  }
0x1d: {  	[tilespmem:s21], [sflag:$0x3] =	stream.indirect.gather [hbm4b:s5+s16], $0x40, s3, s16, $0xb8;
	[tilespmem:$0x16000] =	vst v63  }
0x1e: {  	s22 =	simm.s32 $0x15000  }
0x1f: {  	[tilespmem:s22], [sflag:$0x5] =	stream.indirect.gather [hbm4b:s6+s16], $0x8, s3, s16, $0xb8;
	[tilespmem:$0x16000] =	vst v63  }
0x20: {  	s14 =	simm.s32 $0x0;
	s30 =	simm.s32 $0x15800  }
0x21: {  	[tilespmem:s30], [sflag:$0x7] =	stream.indirect.gather [hbm4b:s6+s16], $0x8, s19, s16, $0xb8;
	[tilespmem:$0x16000] =	vst v63  }
.LBB2_2:
0x22: {  	p0 =	seq.s32 s14, $0x0  }
0x23: {  	s15 =	simm.s32 @!p0 $0xA  }
0x24: {  	_ =	swait.ge @!p0 [sflag:s15], $0x4000  }
0x25: {  	[sflag:s15] =	ssyncset.done @!p0 $0x0  }
0x26: {  	[sflag:s15] =	ssyncadd.s32 @!p0 $0xFFFFC000;
	s15 =	simm.s32 @!p0 $0xC  }
0x27: {  	_ =	swait.ge @!p0 [sflag:s15], $0x400  }
0x28: {  	[sflag:s15] =	ssyncset.done @!p0 $0x0  }
0x29: {  	[sflag:s15] =	ssyncadd.s32 @!p0 $0xFFFFFC00;
	s15 =	simm.s32 @!p0 $0xE  }
0x2a: {  	_ =	swait.ge @!p0 [sflag:s15], $0x400  }
0x2b: {  	s21 =	sshll.u32 s14, $0x8;
	[sflag:s15] =	ssyncset.done @!p0 $0x0  }
0x2c: {  	s22 =	simm.s32 $0x7000;
	s19 =	sadd.s32 $0x2880, s21;
	[sflag:s15] =	ssyncadd.s32 @!p0 $0xFFFFFC00  }
0x2d: {  	[tilespmem:s22], [sflag:$0x2] =	stream.indirect.gather [hbm4b:s2+s16], $0x40, s19, s16, $0xb8;
	[tilespmem:$0x16000] =	vst v63  }
0x2e: {  	s20 =	simm.s32 $0xB000;
	s15 =	sor.u32 $0x80, s21  }
0x2f: {  	[tilespmem:s20], [sflag:$0x4] =	stream.indirect.gather [hbm4b:s5+s16], $0x40, s15, s16, $0xb8;
	[tilespmem:$0x16000] =	vst v63  }
0x30: {  	_ = 	snop  }
0x31: {  	[tilespmem:s23], [sflag:$0x6] =	stream.indirect.gather [hbm4b:s6+s16], $0x8, s15, s16, $0xb8;
	[tilespmem:$0x16000] =	vst v63  }
0x32: {  	_ = 	snop  }
0x33: {  	[tilespmem:s24], [sflag:$0x8] =	stream.indirect.gather [hbm4b:s6+s16], $0x8, s19, s16, $0xb8;
	[tilespmem:$0x16000] =	vst v63  }
0x34: {  	_ =	swait.ge [sflag:s25], $0x2000  }
0x35: {  	[sflag:s25] =	ssyncset.done $0x0  }
0x36: {  	[sflag:s25] =	ssyncadd.s32 $0xFFFFE000  }
0x37: {  	_ =	swait.ge [sflag:s26], $0x2000  }
0x38: {  	[sflag:s26] =	ssyncset.done $0x0  }
0x39: {  	[sflag:s26] =	ssyncadd.s32 $0xFFFFE000  }
0x3a: {  	_ =	swait.ge [sflag:s28], $0x400  }
0x3b: {  	[sflag:s28] =	ssyncset.done $0x0  }
0x3c: {  	[sflag:s28] =	ssyncadd.s32 $0xFFFFFC00  }
0x3d: {  	_ =	swait.ge [sflag:s29], $0x400  }
0x3e: {  	[sflag:s29] =	ssyncset.done $0x0  }
0x3f: {  	s30 =	simm.s32 $0x0;
	[sflag:s29] =	ssyncadd.s32 $0xFFFFFC00  }
0x40: {  	v0 =	vld [tilespmem:s30+$0x5000]  }
0x41: {  	v1 =	vld [tilespmem:s30+$0x9000];
	_ =	sdelay $0x4  }
0x42: {  	v0 =	vadd.bf16 v1, v0;
	_ =	sdelay $0x1  }
0x43: {  	s22 =	simm.s32 $0xD040;
	v1 =	vshll.u32 v0, $0x10  }
0x44: {  	v0 =	vand.u32 $0xFFFF0000, v0;
	[tilespmem:s22+$0xFFFFFFC0] =	vst v1  }
0x45: {  	[tilespmem:s22+$0xFFFFFFD0] =	vst v0  }
0x46: {  	v0 =	vld [tilespmem:s30+$0x5010]  }
0x47: {  	v1 =	vld [tilespmem:s30+$0x9010];
	_ =	sdelay $0x4  }
0x48: {  	v0 =	vadd.bf16 v1, v0;
	_ =	sdelay $0x1  }
0x49: {  	v1 =	vshll.u32 v0, $0x10  }
0x4a: {  	v0 =	vand.u32 $0xFFFF0000, v0;
	[tilespmem:s22+$0xFFFFFFE0] =	vst v1  }
0x4b: {  	[tilespmem:s22+$0xFFFFFFF0] =	vst v0  }
0x4c: {  	v0 =	vld [tilespmem:s30+$0x5020]  }
0x4d: {  	v1 =	vld [tilespmem:s30+$0x9020];
	_ =	sdelay $0x4  }
0x4e: {  	v0 =	vadd.bf16 v1, v0;
	_ =	sdelay $0x1  }
0x4f: {  	v1 =	vshll.u32 v0, $0x10  }
0x50: {  	v0 =	vand.u32 $0xFFFF0000, v0;
	[tilespmem:s22+$0x0] =	vst v1  }
0x51: {  	[tilespmem:s22+$0x10] =	vst v0  }
0x52: {  	v0 =	vld [tilespmem:s30+$0x5030]  }
0x53: {  	s19 =	simm.s32 $0x100;
	v1 =	vld [tilespmem:s30+$0x9030];
	s30 =	simm.s32 $0xD040  }
.LBB2_3:
0x54: {  	p0 =	sne.s32 s19, $0x7F00  }
0x55: {  	s22 =	sadd.s32 $0x80, s22;
	s20 =	smov.u32 s19;
	s19 =	sadd.s32 $0x100, s19  }
0x56: {  	_ =	sdelay $0x2  }
0x57: {  	v0 =	vadd.bf16 v1, v0;
	_ =	sdelay $0x1  }
0x58: {  	v1 =	vshll.u32 v0, $0x10;
	v0 =	vand.u32 $0xFFFF0000, v0  }
0x59: {  	[tilespmem:s30+$0x20] =	vst v1  }
0x5a: {  	s20 =	sshra.s32 s20, $0x2;
	[tilespmem:s30+$0x30] =	vst v0;
	s30 =	smov.u32 s22  }
0x5b: {  	v0 =	vld [tilespmem:s20+$0x5000]  }
0x5c: {  	v1 =	vld [tilespmem:s20+$0x9000];
	_ =	sdelay $0x4  }
0x5d: {  	v0 =	vadd.bf16 v1, v0;
	_ =	sdelay $0x1  }
0x5e: {  	v1 =	vshll.u32 v0, $0x10;
	v0 =	vand.u32 $0xFFFF0000, v0  }
0x5f: {  	[tilespmem:s22+$0xFFFFFFC0] =	vst v1  }
0x60: {  	[tilespmem:s22+$0xFFFFFFD0] =	vst v0  }
0x61: {  	v0 =	vld [tilespmem:s20+$0x5010]  }
0x62: {  	v1 =	vld [tilespmem:s20+$0x9010];
	_ =	sdelay $0x4  }
0x63: {  	v0 =	vadd.bf16 v1, v0;
	_ =	sdelay $0x1  }
0x64: {  	v1 =	vshll.u32 v0, $0x10;
	v0 =	vand.u32 $0xFFFF0000, v0  }
0x65: {  	[tilespmem:s22+$0xFFFFFFE0] =	vst v1  }
0x66: {  	[tilespmem:s22+$0xFFFFFFF0] =	vst v0  }
0x67: {  	v0 =	vld [tilespmem:s20+$0x5020]  }
0x68: {  	v1 =	vld [tilespmem:s20+$0x9020];
	_ =	sdelay $0x4  }
0x69: {  	v0 =	vadd.bf16 v1, v0;
	_ =	sdelay $0x1  }
.Ltmp0:
0x6a: {  	v1 =	vshll.u32 v0, $0x10;
	v0 =	vand.u32 $0xFFFF0000, v0;
	(pc) =	sbr.rel @p0 .LBB2_3-.Ltmp0, $4  }
0x6b: {  	[tilespmem:s22+$0x0] =	vst v1  }
0x6c: {  	[tilespmem:s22+$0x10] =	vst v0  }
0x6d: {  	v0 =	vld [tilespmem:s20+$0x5030]  }
0x6e: {  	v1 =	vld [tilespmem:s20+$0x9030]  }
0x6f: {  	_ =	sdelay $0x3  }
0x70: {  	v0 =	vadd.bf16 v1, v0;
	_ =	sdelay $0x1  }
0x71: {  	s19 =	sshll.u32 s14, $0xC;
	v1 =	vshll.u32 v0, $0x10  }
0x72: {  	s19 =	sadd.s32 s11, s19;
	v0 =	vand.u32 $0xFFFF0000, v0;
	[tilespmem:s30+$0x20] =	vst v1  }
0x73: {  	s22 =	simm.s32 $0xD000;
	s20 =	sadd.s32 s7, s19;
	[tilespmem:s30+$0x30] =	vst v0  }
0x74: {  	[hbm4b:s20+s3] =	stream.linear.scatter [tilespmem:s22], [sflag:$0x9], $0x4000, $0x38;
	[tilespmem:$0x16000] =	vst v63  }
0x75: {  	s30 =	simm.s32 $0x15000;
	s22 =	sadd.s32 s8, s19  }
0x76: {  	[hbm4b:s22+s31] =	stream.strided.scatter [tilespmem:s30], [sflag:$0xB], $0x400, s16, s31, $0x38;
	[tilespmem:$0x16000] =	vst v63  }
0x77: {  	s19 =	sadd.s32 s19, s12;
	s22 =	simm.s32 $0x15800  }
0x78: {  	[hbm4b:s19+s31] =	stream.strided.scatter [tilespmem:s22], [sflag:$0xD], $0x400, s16, s31, $0x38;
	[tilespmem:$0x16000] =	vst v63  }
0x79: {  	_ =	swait.ge [sflag:s1], $0x4000  }
0x7a: {  	[sflag:s1] =	ssyncset.done $0x0  }
0x7b: {  	[sflag:s1] =	ssyncadd.s32 $0xFFFFC000  }
0x7c: {  	_ =	swait.ge [sflag:s0], $0x400  }
0x7d: {  	[sflag:s0] =	ssyncset.done $0x0  }
0x7e: {  	[sflag:s0] =	ssyncadd.s32 $0xFFFFFC00  }
0x7f: {  	p0 =	seq.s32 s14, $0x27;
	_ =	swait.ge [sflag:s17], $0x400  }
0x80: {  	s20 =	simm.s32 @!p0 $0x80;
	[sflag:s17] =	ssyncset.done $0x0  }
0x81: {  	s19 =	sadd.s32 @!p0 $0x2900, s21;
	s22 =	simm.s32 @!p0 $0x5000;
	[sflag:s17] =	ssyncadd.s32 $0xFFFFFC00  }
0x82: {  	[tilespmem:s22], [sflag:$0x1] =	stream.indirect.gather @!p0 [hbm4b:s2+s20], $0x40, s19, s20, $0xb8;
	[tilespmem:$0x16000] =	vst v63  }
0x83: {  	s21 =	sadd.s32 @!p0 $0x100, s21;
	s22 =	simm.s32 @!p0 $0x9000  }
0x84: {  	[tilespmem:s22], [sflag:$0x3] =	stream.indirect.gather @!p0 [hbm4b:s5+s20], $0x40, s21, s20, $0xb8;
	[tilespmem:$0x16000] =	vst v63  }
0x85: {  	s22 =	simm.s32 @!p0 $0x15000  }
0x86: {  	[tilespmem:s22], [sflag:$0x5] =	stream.indirect.gather @!p0 [hbm4b:s6+s20], $0x8, s21, s20, $0xb8;
	[tilespmem:$0x16000] =	vst v63  }
0x87: {  	s21 =	simm.s32 @!p0 $0x15800  }
0x88: {  	[tilespmem:s21], [sflag:$0x7] =	stream.indirect.gather @!p0 [hbm4b:s6+s20], $0x8, s19, s20, $0xb8;
	[tilespmem:$0x16000] =	vst v63  }
0x89: {  	_ =	swait.ge [sflag:s18], $0x2000  }
0x8a: {  	[sflag:s18] =	ssyncset.done $0x0  }
0x8b: {  	[sflag:s18] =	ssyncadd.s32 $0xFFFFE000  }
0x8c: {  	_ =	swait.ge [sflag:s9], $0x2000  }
0x8d: {  	[sflag:s9] =	ssyncset.done $0x0  }
0x8e: {  	[sflag:s9] =	ssyncadd.s32 $0xFFFFE000  }
0x8f: {  	_ =	swait.ge [sflag:s10], $0x400  }
0x90: {  	[sflag:s10] =	ssyncset.done $0x0  }
0x91: {  	[sflag:s10] =	ssyncadd.s32 $0xFFFFFC00  }
0x92: {  	_ =	swait.ge [sflag:s31], $0x400  }
0x93: {  	[sflag:s31] =	ssyncset.done $0x0  }
0x94: {  	s30 =	simm.s32 $0x0;
	[sflag:s31] =	ssyncadd.s32 $0xFFFFFC00  }
0x95: {  	v0 =	vld [tilespmem:s30+$0x7000]  }
0x96: {  	v1 =	vld [tilespmem:s30+$0xB000];
	_ =	sdelay $0x4  }
0x97: {  	v0 =	vadd.bf16 v1, v0;
	_ =	sdelay $0x1  }
0x98: {  	s21 =	simm.s32 $0x11040;
	v1 =	vshll.u32 v0, $0x10  }
0x99: {  	v0 =	vand.u32 $0xFFFF0000, v0;
	[tilespmem:s21+$0xFFFFFFC0] =	vst v1  }
0x9a: {  	[tilespmem:s21+$0xFFFFFFD0] =	vst v0  }
0x9b: {  	v0 =	vld [tilespmem:s30+$0x7010]  }
0x9c: {  	v1 =	vld [tilespmem:s30+$0xB010];
	_ =	sdelay $0x4  }
0x9d: {  	v0 =	vadd.bf16 v1, v0;
	_ =	sdelay $0x1  }
0x9e: {  	v1 =	vshll.u32 v0, $0x10  }
0x9f: {  	v0 =	vand.u32 $0xFFFF0000, v0;
	[tilespmem:s21+$0xFFFFFFE0] =	vst v1  }
0xa0: {  	[tilespmem:s21+$0xFFFFFFF0] =	vst v0  }
0xa1: {  	v0 =	vld [tilespmem:s30+$0x7020]  }
0xa2: {  	v1 =	vld [tilespmem:s30+$0xB020];
	_ =	sdelay $0x4  }
0xa3: {  	v0 =	vadd.bf16 v1, v0;
	_ =	sdelay $0x1  }
0xa4: {  	v1 =	vshll.u32 v0, $0x10  }
0xa5: {  	v0 =	vand.u32 $0xFFFF0000, v0;
	[tilespmem:s21+$0x0] =	vst v1  }
0xa6: {  	[tilespmem:s21+$0x10] =	vst v0  }
0xa7: {  	v0 =	vld [tilespmem:s30+$0x7030]  }
0xa8: {  	s22 =	simm.s32 $0x11040;
	s19 =	simm.s32 $0x100;
	v1 =	vld [tilespmem:s30+$0xB030]  }
.LBB2_5:
0xa9: {  	p0 =	sne.s32 s19, $0x7F00  }
0xaa: {  	s21 =	sadd.s32 $0x80, s21;
	s20 =	smov.u32 s19;
	s19 =	sadd.s32 $0x100, s19  }
0xab: {  	_ =	sdelay $0x2  }
0xac: {  	v0 =	vadd.bf16 v1, v0;
	_ =	sdelay $0x1  }
0xad: {  	v1 =	vshll.u32 v0, $0x10;
	v0 =	vand.u32 $0xFFFF0000, v0  }
0xae: {  	[tilespmem:s22+$0x20] =	vst v1  }
0xaf: {  	s20 =	sshra.s32 s20, $0x2;
	[tilespmem:s22+$0x30] =	vst v0;
	s22 =	smov.u32 s21  }
0xb0: {  	v0 =	vld [tilespmem:s20+$0x7000]  }
0xb1: {  	v1 =	vld [tilespmem:s20+$0xB000];
	_ =	sdelay $0x4  }
0xb2: {  	v0 =	vadd.bf16 v1, v0;
	_ =	sdelay $0x1  }
0xb3: {  	v1 =	vshll.u32 v0, $0x10;
	v0 =	vand.u32 $0xFFFF0000, v0  }
0xb4: {  	[tilespmem:s21+$0xFFFFFFC0] =	vst v1  }
0xb5: {  	[tilespmem:s21+$0xFFFFFFD0] =	vst v0  }
0xb6: {  	v0 =	vld [tilespmem:s20+$0x7010]  }
0xb7: {  	v1 =	vld [tilespmem:s20+$0xB010];
	_ =	sdelay $0x4  }
0xb8: {  	v0 =	vadd.bf16 v1, v0;
	_ =	sdelay $0x1  }
0xb9: {  	v1 =	vshll.u32 v0, $0x10;
	v0 =	vand.u32 $0xFFFF0000, v0  }
0xba: {  	[tilespmem:s21+$0xFFFFFFE0] =	vst v1  }
0xbb: {  	[tilespmem:s21+$0xFFFFFFF0] =	vst v0  }
0xbc: {  	v0 =	vld [tilespmem:s20+$0x7020]  }
0xbd: {  	v1 =	vld [tilespmem:s20+$0xB020];
	_ =	sdelay $0x4  }
0xbe: {  	v0 =	vadd.bf16 v1, v0;
	_ =	sdelay $0x1  }
.Ltmp1:
0xbf: {  	v1 =	vshll.u32 v0, $0x10;
	v0 =	vand.u32 $0xFFFF0000, v0;
	(pc) =	sbr.rel @p0 .LBB2_5-.Ltmp1, $4  }
0xc0: {  	[tilespmem:s21+$0x0] =	vst v1  }
0xc1: {  	[tilespmem:s21+$0x10] =	vst v0  }
0xc2: {  	v0 =	vld [tilespmem:s20+$0x7030]  }
0xc3: {  	v1 =	vld [tilespmem:s20+$0xB030]  }
0xc4: {  	_ =	sdelay $0x3  }
0xc5: {  	v0 =	vadd.bf16 v1, v0;
	_ =	sdelay $0x1  }
0xc6: {  	s15 =	sadd.s32 s4, s15;
	v1 =	vshll.u32 v0, $0x10  }
0xc7: {  	s14 =	sadd.s32 $0x1, s14;
	s15 =	sshll.u32 s15, $0x4;
	v0 =	vand.u32 $0xFFFF0000, v0;
	[tilespmem:s22+$0x20] =	vst v1  }
0xc8: {  	p0 =	sne.s32 s14, $0x28;
	s19 =	sadd.s32 s7, s15;
	[tilespmem:s22+$0x30] =	vst v0  }
0xc9: {  	[hbm4b:s19+s3] =	stream.linear.scatter [tilespmem:s13], [sflag:$0xA], $0x4000, $0x38;
	[tilespmem:$0x16000] =	vst v63  }
.Ltmp2:
0xca: {  	_ = 	snop;
	(pc) =	sbr.rel @p0 .LBB2_2-.Ltmp2, $4  }
0xcb: {  	s30 =	sadd.s32 s8, s15  }
0xcc: {  	[hbm4b:s30+s31] =	stream.strided.scatter [tilespmem:s23], [sflag:$0xC], $0x400, s16, s31, $0x38;
	[tilespmem:$0x16000] =	vst v63  }
0xcd: {  	s15 =	sadd.s32 s15, s12  }
0xce: {  	[hbm4b:s15+s31] =	stream.strided.scatter [tilespmem:s24], [sflag:$0xE], $0x400, s16, s31, $0x38;
	[tilespmem:$0x16000] =	vst v63  }
0xcf: {  	s14 =	simm.s32 $0xA  }
0xd0: {  	_ =	swait.ge [sflag:s14], $0x4000  }
0xd1: {  	[sflag:s14] =	ssyncset.done $0x0  }
0xd2: {  	s22 =	simm.s32 $0xC;
	[sflag:s14] =	ssyncadd.s32 $0xFFFFC000  }
0xd3: {  	_ =	swait.ge [sflag:s22], $0x400  }
0xd4: {  	[sflag:s22] =	ssyncset.done $0x0  }
0xd5: {  	s15 =	simm.s32 $0xE;
	[sflag:s22] =	ssyncadd.s32 $0xFFFFFC00  }
0xd6: {  	_ =	swait.ge [sflag:s15], $0x400  }
0xd7: {  	s19 =	rddreg [dreg:$0x6]  }
0xd8: {  	s30 =	rddreg [dreg:$0x5];
	s19 =	sadd.s32 $0x1, s19  }
0xd9: {  	p0 =	sne.s32 s19, s30  }
.Ltmp3:
0xda: {  	_ = 	snop;
	(pc) =	sbr.rel @p0 .LBB2_1-.Ltmp3, $3  }
0xdb: {  	_ =	sdelay $0x1  }
0xdc: {  	[sflag:s15] =	ssyncset.done $0x0  }
0xdd: {  	[sflag:s15] =	ssyncadd.s32 $0xFFFFFC00  }
0xde: {  	_ =	sfence.sel $0x180000  }
0xdf: {  	[bflag:$0x0] =	sbarrier.arrive $0xFFFF  }
0xe0: {  	_ =	strace $0x90000047  }
0xe1: {  	s0 =	stileid.u32;
	[bflag:$0x2] =	sbarrier.arrive $0xFFFF  }
0xe2: {  	p0 =	sne.s32 s0, $0x0;
	s0 =	rddreg [dreg:$0x2]  }
0xe3: {  	s0 =	sadd.s32 @!p0 $0x100000, s0  }
0xe4: {  	[sflag:s0] =	ssyncadd.tile.s32 @!p0 $0x1;
	_ =	shalt  }
.Lfunc_end2:
_tile_overlayer_lowered:
.L_overlay_start_2:
0xe5: {  	(tag) =	ssettag $0x2  }
0xe6: {  	s0 =	rddreg [dreg:$0x0];
	s2 =	stileid.u32  }
0xe7: {  	s1 =	rddreg [dreg:$0x1];
	p0 =	sne.s32 s2, $0x0  }
0xe8: {  	s3 =	rddreg [dreg:$0x2];
	[bflag:$0x3] =	sbarrier.arrive $0xFFFF;
	s2 =	simm.s32 @!p0 $0x1C0F  }
0xe9: {  	[timem:s3], [sflag:s2] =	dma.local @!p0 [hbm:s0], s1  }
0xea: {  	s0 =	simm.s32 @!p0 $0xF  }
0xeb: {  	_ =	swait.ge @!p0 [sflag:s0], s1  }
0xec: {  	s1 =	ssub.s32 @!p0 $0x0, s1;
	[sflag:s0] =	ssyncset.done @!p0 $0x0  }
0xed: {  	[sflag:s0] =	ssyncadd.s32 @!p0 s1  }
0xee: {  	[bflag:$0x3] =	sbarrier.arrive $0xFFFF  }
0xef: {  	_ =	shalt  }

</sc_bundles>
